<compile_context>
chip_gen: v7x
topology: tpu7x:2x2x1
jax: 0.10.2.dev20260603
libtpu: 0.0.44.dev20260713+nightly
codegen_flags: <defaults>
</compile_context>

<pallas_src>
import functools

import jax
import jax.numpy as jnp
from jax import lax
from jax.experimental import pallas as pl
from jax.experimental.pallas import tpu as pltpu
from jax.experimental.pallas import tpu_sc as plsc

D = 128
N = 10000
E = 320000

_info = plsc.get_sparse_core_info()
NC, NS = _info.num_cores, _info.num_subcores
NW = NC * NS
CB = 80
NP = 10240
NPT = NP // NS
NSTG = 64
ZR = 32

EWA, KGA, KLA = 4960, 2, 31
EWB, KGB, KLB = 5040, 3, 21
EA = NW * EWA
BE = 2560
NBA = EA // BE

_sc_mesh = plsc.VectorSubcoreMesh(core_axis_name="c", subcore_axis_name="s")


def _make_sc_gather(ew, kg, kl):
    eh = NW * ew

    @functools.partial(
        pl.kernel,
        out_type=jax.ShapeDtypeStruct((eh, D), jnp.float32),
        mesh=_sc_mesh,
        scratch_types=[
            pltpu.VMEM_SHARED((NP, D), jnp.float32),
            pltpu.VMEM((kl, CB), jnp.int32),
            pltpu.VMEM((CB, D), jnp.float32),
            pltpu.VMEM((CB, D), jnp.float32),
            pltpu.VMEM((CB, D), jnp.float32),
            pltpu.VMEM((NSTG, D), jnp.float32),
            pltpu.SemaphoreType.DMA,
            pltpu.SemaphoreType.DMA,
            pltpu.SemaphoreType.DMA,
            pltpu.SemaphoreType.DMA,
            pltpu.SemaphoreType.DMA,
            pltpu.SemaphoreType.DMA,
        ],
    )
    def gather_k(xw_hbm, row4_hbm, g_hbm, table_sh, idx_v, rows0_v, rows1_v,
                 rows2_v, stg_v, gs0, gs1, gs2, ws0, ws1, ws2):
        c = lax.axis_index("c")
        s = lax.axis_index("s")
        wid = s * NC + c
        bufs = (rows0_v, rows1_v, rows2_v)
        gsems = (gs0, gs1, gs2)
        wsems = (ws0, ws1, ws2)

        def stage(i, carry):
            base = s * NPT + i * NSTG
            pltpu.sync_copy(xw_hbm.at[pl.ds(base, NSTG)], stg_v)
            pltpu.sync_copy(stg_v, table_sh.at[pl.ds(base, NSTG)])
            return carry

        lax.fori_loop(0, NPT // NSTG, stage, 0)
        plsc.subcore_barrier()

        def outer(jj, carry):
            pltpu.sync_copy(row4_hbm.at[wid].at[jj], idx_v)
            nt = kl // 3

            def triple(m, carry2):
                j0 = jj * kl + 3 * m
                gd = [pltpu.async_copy(table_sh.at[idx_v.at[3 * m + b]],
                                       bufs[b], gsems[b]) for b in range(3)]
                wd = []
                for b in range(3):
                    gd[b].wait()
                    wd.append(pltpu.async_copy(
                        bufs[b],
                        g_hbm.at[pl.ds(wid * ew + (j0 + b) * CB, CB)],
                        wsems[b]))
                for b in range(3):
                    wd[b].wait()
                return carry2

            lax.fori_loop(0, nt, triple, 0)
            for t in range(nt * 3, kl):
                jt = jj * kl + t
                pltpu.async_copy(table_sh.at[idx_v.at[t]], rows0_v,
                                 gs0).wait()
                pltpu.sync_copy(rows0_v,
                                g_hbm.at[pl.ds(wid * ew + jt * CB, CB)])
            return carry

        lax.fori_loop(0, kg, outer, 0)

    return gather_k


def _make_sc_scatter(ew, kg, kl):
    @functools.partial(
        pl.kernel,
        out_type=(
            jax.ShapeDtypeStruct((NC, NP, D), jnp.float32),
            jax.ShapeDtypeStruct((NW, NP), jnp.float32),
        ),
        mesh=_sc_mesh,
        compiler_params=pltpu.CompilerParams(needs_layout_passes=False),
        scratch_types=[
            pltpu.VMEM_SHARED((NP, D), jnp.float32),
            pltpu.VMEM((kl, CB), jnp.int32),
            pltpu.VMEM((CB, D), jnp.float32),
            pltpu.VMEM((CB, D), jnp.float32),
            pltpu.VMEM((NP,), jnp.float32),
            pltpu.VMEM((ZR, D), jnp.float32),
            pltpu.SemaphoreType.DMA,
            pltpu.SemaphoreType.DMA,
            pltpu.SemaphoreType.DMA,
            pltpu.SemaphoreType.DMA,
        ],
    )
    def scatter_k(oute_hbm, col4_hbm, z_hbm, part_hbm, cnt_hbm,
                  acc_sh, idx_v, upd0_v, upd1_v, cnt_v, zb_v,
                  ls0, ls1, as0, as1):
        c = lax.axis_index("c")
        s = lax.axis_index("s")
        wid = s * NC + c

        def init(i, carry):
            base = s * NPT + i * ZR
            pltpu.sync_copy(z_hbm.at[pl.ds(base, ZR)], zb_v)
            pltpu.sync_copy(zb_v, acc_sh.at[pl.ds(base, ZR)])
            return carry

        lax.fori_loop(0, NPT // ZR, init, 0)

        zvec = jnp.zeros((16,), jnp.float32)

        def zinit(i, carry):
            cnt_v[pl.ds(i * 16, 16)] = zvec
            return carry

        lax.fori_loop(0, NP // 16, zinit, 0)
        plsc.subcore_barrier()

        ones = jnp.full((16,), 1.0, jnp.float32)

        def counts(k):
            for v in range(CB // 16):
                cv = idx_v[k, pl.ds(v * 16, 16)]
                plsc.addupdate_scatter(cnt_v, [cv], ones)

        def outer(jj, carry):
            pltpu.sync_copy(col4_hbm.at[wid].at[jj], idx_v)

            def pair(m, carry2):
                j0 = jj * kl + 2 * m
                d0 = pltpu.async_copy(
                    oute_hbm.at[pl.ds(wid * ew + j0 * CB, CB)], upd0_v, ls0)
                d1 = pltpu.async_copy(
                    oute_hbm.at[pl.ds(wid * ew + (j0 + 1) * CB, CB)], upd1_v,
                    ls1)
                d0.wait()
                a0 = pltpu.async_copy(upd0_v, acc_sh.at[idx_v.at[2 * m]],
                                      as0, add=True)
                d1.wait()
                a1 = pltpu.async_copy(upd1_v, acc_sh.at[idx_v.at[2 * m + 1]],
                                      as1, add=True)
                counts(2 * m)
                counts(2 * m + 1)
                a0.wait()
                a1.wait()
                return carry2

            lax.fori_loop(0, kl // 2, pair, 0)
            jt = jj * kl + kl - 1
            pltpu.sync_copy(oute_hbm.at[pl.ds(wid * ew + jt * CB, CB)],
                            upd0_v)
            pltpu.sync_copy(upd0_v, acc_sh.at[idx_v.at[kl - 1]], add=True)
            counts(kl - 1)
            return carry

        lax.fori_loop(0, kg, outer, 0)
        plsc.subcore_barrier()

        def wout(i, carry):
            base = s * NPT + i * ZR
            pltpu.sync_copy(acc_sh.at[pl.ds(base, ZR)], zb_v)
            pltpu.sync_copy(zb_v, part_hbm.at[c].at[pl.ds(base, ZR)])
            return carry

        lax.fori_loop(0, NPT // ZR, wout, 0)
        pltpu.sync_copy(cnt_v, cnt_hbm.at[wid])

    return scatter_k


_sc_gather_a = _make_sc_gather(EWA, KGA, KLA)
_sc_gather_b = _make_sc_gather(EWB, KGB, KLB)
_sc_scatter_a = _make_sc_scatter(EWA, KGA, KLA)
_sc_scatter_b = _make_sc_scatter(EWB, KGB, KLB)


def _xw_body(x_ref, w_ref, o_ref):
    o_ref[...] = jnp.dot(x_ref[...], w_ref[...],
                         preferred_element_type=jnp.float32)


def _tc_xw(x, w):
    bn = 1024
    return pl.pallas_call(
        _xw_body,
        grid=(NP // bn,),
        in_specs=[
            pl.BlockSpec((bn, D), lambda i: (i, 0)),
            pl.BlockSpec((D, D), lambda i: (0, 0)),
        ],
        out_specs=pl.BlockSpec((bn, D), lambda i: (i, 0)),
        out_shape=jax.ShapeDtypeStruct((NP, D), jnp.float32),
    )(x, w)


def _mlp_body(g_ref, ea_ref, wa_ref, wb_ref, ba_ref, bb_ref, o_ref):
    pre = g_ref[...] + jnp.dot(ea_ref[...], wa_ref[...],
                               preferred_element_type=jnp.float32) + ba_ref[...]
    h = jnp.maximum(pre, 0.0)
    o_ref[...] = jnp.dot(h, wb_ref[...],
                         preferred_element_type=jnp.float32) + bb_ref[...]


def _tc_edge_mlp(g, ea, wa, wb, ba, bb, nblk, off):
    return pl.pallas_call(
        _mlp_body,
        grid=(nblk,),
        in_specs=[
            pl.BlockSpec((BE, D), lambda i: (i, 0)),
            pl.BlockSpec((BE, D), lambda i: (i + off, 0)),
            pl.BlockSpec((D, D), lambda i: (0, 0)),
            pl.BlockSpec((D, D), lambda i: (0, 0)),
            pl.BlockSpec((1, D), lambda i: (0, 0)),
            pl.BlockSpec((1, D), lambda i: (0, 0)),
        ],
        out_specs=pl.BlockSpec((BE, D), lambda i: (i, 0)),
        out_shape=jax.ShapeDtypeStruct((nblk * BE, D), jnp.float32),
    )(g, ea, wa, wb, ba, bb)


def _fin_body(x_ref, pa_ref, pb_ref, ca_ref, cb_ref, wa_ref, wm_ref, ba_ref,
              wb_ref, bb_ref, o_ref):
    ones_w = jnp.ones((NW, 1), jnp.float32)
    dn = (((0,), (0,)), ((), ()))
    cnt = (lax.dot_general(ca_ref[...], ones_w, dn,
                           preferred_element_type=jnp.float32)
           + lax.dot_general(cb_ref[...], ones_w, dn,
                             preferred_element_type=jnp.float32))
    denom = jnp.maximum(cnt, 1.0)
    sums = pa_ref[0] + pa_ref[1] + pb_ref[0] + pb_ref[1]
    mean = sums / denom
    pre = (jnp.dot(x_ref[...], wa_ref[...], preferred_element_type=jnp.float32)
           + jnp.dot(mean, wm_ref[...], preferred_element_type=jnp.float32)
           + ba_ref[...])
    h = jnp.maximum(pre, 0.0)
    o_ref[...] = jnp.dot(h, wb_ref[...],
                         preferred_element_type=jnp.float32) + bb_ref[...]


def _tc_final(x, pa, pb, ca, cb, wa, wm, ba, wb, bb):
    bn = 1024
    return pl.pallas_call(
        _fin_body,
        grid=(NP // bn,),
        in_specs=[
            pl.BlockSpec((bn, D), lambda i: (i, 0)),
            pl.BlockSpec((NC, bn, D), lambda i: (0, i, 0)),
            pl.BlockSpec((NC, bn, D), lambda i: (0, i, 0)),
            pl.BlockSpec((NW, bn), lambda i: (0, i)),
            pl.BlockSpec((NW, bn), lambda i: (0, i)),
            pl.BlockSpec((D, D), lambda i: (0, 0)),
            pl.BlockSpec((D, D), lambda i: (0, 0)),
            pl.BlockSpec((1, D), lambda i: (0, 0)),
            pl.BlockSpec((D, D), lambda i: (0, 0)),
            pl.BlockSpec((1, D), lambda i: (0, 0)),
        ],
        out_specs=pl.BlockSpec((bn, D), lambda i: (i, 0)),
        out_shape=jax.ShapeDtypeStruct((NP, D), jnp.float32),
    )(x, pa, pb, ca, cb, wa, wm, ba, wb, bb)


def kernel(x, edge_index, edge_attr, W1a, b1a, W1b, b1b, W2a, b2a, W2b, b2b):
    row = edge_index[0].astype(jnp.int32)
    col = edge_index[1].astype(jnp.int32)
    row4a = row[:EA].reshape(NW, KGA, KLA, CB)
    row4b = row[EA:].reshape(NW, KGB, KLB, CB)
    col4a = col[:EA].reshape(NW, KGA, KLA, CB)
    col4b = col[EA:].reshape(NW, KGB, KLB, CB)
    zeros = jnp.zeros((NP, D), jnp.float32)
    b1a2 = b1a.reshape(1, D)
    b1b2 = b1b.reshape(1, D)

    x_pad = jnp.pad(x, ((0, NP - N), (0, 0)))
    xw = _tc_xw(x_pad, W1a[:D])
    ga = _sc_gather_a(xw, row4a)
    gb = _sc_gather_b(xw, row4b)
    oea = _tc_edge_mlp(ga, edge_attr, W1a[D:], W1b, b1a2, b1b2, NBA, 0)
    oeb = _tc_edge_mlp(gb, edge_attr, W1a[D:], W1b, b1a2, b1b2,
                       E // BE - NBA, NBA)
    parta, cnta = _sc_scatter_a(oea, col4a, zeros)
    partb, cntb = _sc_scatter_b(oeb, col4b, zeros)
    out = _tc_final(x_pad, parta, partb, cnta, cntb, W2a[:D], W2a[D:],
                    b2a.reshape(1, D), W2b, b2b.reshape(1, D))
    return out[:N]

# --- scband reference (transcript-rebuilt; emitter-appended) ---
"""Pipeline reference for scband-node-model-14542759264797 (READ-ONLY COPY).

The authoritative reference and input builder live on the scoring server;
editing this copy changes nothing except your own understanding.
"""

import jax, jax.numpy as jnp
import numpy as np

D = 128
N = 10000
E = 320000


def setup_inputs(seed: int = 0) -> dict:
    key = jax.random.key(seed)
    ks = jax.random.split(key, 12)
    x = jax.random.normal(ks[0], (N, D), dtype=jnp.float32)
    edge_index = jax.random.randint(ks[1], (2, E), 0, N, dtype=jnp.int64)
    edge_attr = jax.random.normal(ks[2], (E, D), dtype=jnp.float32)
    # node_mlp_1: Linear(2D -> D), ReLU, Linear(D -> D)
    W1a = jax.random.normal(ks[3], (2 * D, D), dtype=jnp.float32) * (1.0 / np.sqrt(2 * D))
    b1a = jnp.zeros((D,), dtype=jnp.float32)
    W1b = jax.random.normal(ks[4], (D, D), dtype=jnp.float32) * (1.0 / np.sqrt(D))
    b1b = jnp.zeros((D,), dtype=jnp.float32)
    # node_mlp_2: Linear(2D -> D), ReLU, Linear(D -> D)
    W2a = jax.random.normal(ks[5], (2 * D, D), dtype=jnp.float32) * (1.0 / np.sqrt(2 * D))
    b2a = jnp.zeros((D,), dtype=jnp.float32)
    W2b = jax.random.normal(ks[6], (D, D), dtype=jnp.float32) * (1.0 / np.sqrt(D))
    b2b = jnp.zeros((D,), dtype=jnp.float32)
    return {"x": x, "edge_index": edge_index, "edge_attr": edge_attr,
            "W1a": W1a, "b1a": b1a, "W1b": W1b, "b1b": b1b,
            "W2a": W2a, "b2a": b2a, "W2b": W2b, "b2b": b2b}


def reference(x, edge_index, edge_attr, W1a, b1a, W1b, b1b, W2a, b2a, W2b, b2b):
    row = edge_index[0]
    col = edge_index[1]
    n = x.shape[0]
    # out = node_mlp_1(cat([x[row], edge_attr]))
    out = jnp.concatenate([jnp.take(x, row, axis=0), edge_attr], axis=1)
    out = jnp.maximum(out @ W1a + b1a, 0.0) @ W1b + b1b
    # scatter_mean(out, col, dim=0, dim_size=N)
    sums = jax.ops.segment_sum(out, col, num_segments=n)
    counts = jax.ops.segment_sum(jnp.ones((col.shape[0],), dtype=out.dtype), col, num_segments=n)
    mean = sums / jnp.clip(counts, 1.0, None)[:, None]
    # scatter_max(out, col, dim=0, dim_size=N)[0]  (computed but unused, as in original)
    mx = jax.ops.segment_max(out, col, num_segments=n)
    out2 = jnp.concatenate([x, mean], axis=1)
    return jnp.maximum(out2 @ W2a + b2a, 0.0) @ W2b + b2b

if __name__ == "__main__":
    import jax
    _d = setup_inputs()
    print(jax.jit(kernel)(*tuple(_d.values())))

</pallas_src>

<mosaic_0001>
#map = affine_map<(d0, d1) -> (0, 0)>
#map1 = affine_map<(d0, d1) -> (0, 0, 0, 0)>
module attributes {stable_mosaic.version = 14 : i64} {
  func.func @gather_k(%arg0: i32, %arg1: i32, %arg2: memref<10240x128xf32, #tpu.memory_space<hbm>>, %arg3: memref<32x3x21x80xi32, #tpu.memory_space<hbm>>, %arg4: memref<161280x128xf32, #tpu.memory_space<hbm>>, %arg5: memref<10240x128xf32, #tpu.memory_space<vmem_shared>>, %arg6: memref<21x80xi32, #tpu.memory_space<vmem>>, %arg7: memref<80x128xf32, #tpu.memory_space<vmem>>, %arg8: memref<80x128xf32, #tpu.memory_space<vmem>>, %arg9: memref<80x128xf32, #tpu.memory_space<vmem>>, %arg10: memref<64x128xf32, #tpu.memory_space<vmem>>, %arg11: memref<!tpu.dma_semaphore, #tpu.memory_space<semaphore_mem>>, %arg12: memref<!tpu.dma_semaphore, #tpu.memory_space<semaphore_mem>>, %arg13: memref<!tpu.dma_semaphore, #tpu.memory_space<semaphore_mem>>, %arg14: memref<!tpu.dma_semaphore, #tpu.memory_space<semaphore_mem>>, %arg15: memref<!tpu.dma_semaphore, #tpu.memory_space<semaphore_mem>>, %arg16: memref<!tpu.dma_semaphore, #tpu.memory_space<semaphore_mem>>) attributes {dimension_semantics = [#tpu.dimension_semantics<core_parallel>, #tpu.dimension_semantics<subcore_parallel>], iteration_bounds = array<i64: 2, 16>, scalar_prefetch = 0 : i64, scratch_operands = 12 : i64, tpu.core_type = #tpu.core_type<sc_vector_subcore>, window_params = [{transform_indices = #map}, {transform_indices = #map1}, {transform_indices = #map}]} {
    %mul3A = arith.constant 2 : i32
    %mul3A_0 = arith.muli %arg1, %mul3A : i32
    %add3A = arith.addi %mul3A_0, %arg0 : i32
    %scan3A = arith.constant 0 : i32
    %scan3A_1 = arith.constant 0 : i32
    %scan3A_2 = arith.constant 10 : i32
    %scan3A_3 = arith.addi %scan3A_1, %scan3A_2 : i32
    %scan3A_4 = arith.constant 1 : i32
    scf.for %scan3A_12 = %scan3A_1 to %scan3A_3 step %scan3A_4  : i32 {
      %mul3A_13 = arith.constant 640 : i32
      %mul3A_14 = arith.muli %arg1, %mul3A_13 : i32
      %mul3A_15 = arith.constant 64 : i32
      %mul3A_16 = arith.muli %scan3A_12, %mul3A_15 : i32
      %add3A_17 = arith.addi %mul3A_14, %mul3A_16 : i32
      "tpu.region"() ({
        %run_scoped3A = tpu.sem_alloc : memref<!tpu.dma_semaphore, #tpu.memory_space<semaphore_mem>>
        %dma_start3A = arith.constant 0 : i32
        %dma_start3A_18 = tpu.memref_slice %arg2[%add3A_17, %dma_start3A] : memref<10240x128xf32, #tpu.memory_space<hbm>> -> memref<64x128xf32, #tpu.memory_space<hbm>>
        %dma_start3A_19 = arith.constant 0 : i32
        %dma_start3A_20 = tpu.memref_slice %arg2[%add3A_17, %dma_start3A_19] : memref<10240x128xf32, #tpu.memory_space<hbm>> -> memref<64x128xf32, #tpu.memory_space<hbm>>
        tpu.enqueue_dma source(%dma_start3A_20 : memref<64x128xf32, #tpu.memory_space<hbm>>) target(%arg10 : memref<64x128xf32, #tpu.memory_space<vmem>>) target_semaphore(%run_scoped3A : memref<!tpu.dma_semaphore, #tpu.memory_space<semaphore_mem>>)
        %dma_wait3A = arith.constant 0 : i32
        %dma_wait3A_21 = tpu.memref_slice %arg2[%add3A_17, %dma_wait3A] : memref<10240x128xf32, #tpu.memory_space<hbm>> -> memref<64x128xf32, #tpu.memory_space<hbm>>
        %dma_wait3A_22 = arith.constant 0 : i32
        %dma_wait3A_23 = tpu.memref_slice %arg2[%add3A_17, %dma_wait3A_22] : memref<10240x128xf32, #tpu.memory_space<hbm>> -> memref<64x128xf32, #tpu.memory_space<hbm>>
        tpu.wait_dma2 semaphore(%run_scoped3A : memref<!tpu.dma_semaphore, #tpu.memory_space<semaphore_mem>>) src(%dma_wait3A_23 : memref<64x128xf32, #tpu.memory_space<hbm>>) dst(%arg10 : memref<64x128xf32, #tpu.memory_space<vmem>>)
        tpu.yield
      }) : () -> ()
      "tpu.region"() ({
        %run_scoped3A = tpu.sem_alloc : memref<!tpu.dma_semaphore, #tpu.memory_space<semaphore_mem>>
        %dma_start3A = arith.constant 0 : i32
        %dma_start3A_18 = tpu.memref_slice %arg5[%add3A_17, %dma_start3A] : memref<10240x128xf32, #tpu.memory_space<vmem_shared>> -> memref<64x128xf32, #tpu.memory_space<vmem_shared>>
        %dma_start3A_19 = arith.constant 0 : i32
        %dma_start3A_20 = tpu.memref_slice %arg5[%add3A_17, %dma_start3A_19] : memref<10240x128xf32, #tpu.memory_space<vmem_shared>> -> memref<64x128xf32, #tpu.memory_space<vmem_shared>>
        tpu.enqueue_dma source(%arg10 : memref<64x128xf32, #tpu.memory_space<vmem>>) target(%dma_start3A_20 : memref<64x128xf32, #tpu.memory_space<vmem_shared>>) target_semaphore(%run_scoped3A : memref<!tpu.dma_semaphore, #tpu.memory_space<semaphore_mem>>)
        %dma_wait3A = arith.constant 0 : i32
        %dma_wait3A_21 = tpu.memref_slice %arg5[%add3A_17, %dma_wait3A] : memref<10240x128xf32, #tpu.memory_space<vmem_shared>> -> memref<64x128xf32, #tpu.memory_space<vmem_shared>>
        %dma_wait3A_22 = arith.constant 0 : i32
        %dma_wait3A_23 = tpu.memref_slice %arg5[%add3A_17, %dma_wait3A_22] : memref<10240x128xf32, #tpu.memory_space<vmem_shared>> -> memref<64x128xf32, #tpu.memory_space<vmem_shared>>
        tpu.wait_dma2 semaphore(%run_scoped3A : memref<!tpu.dma_semaphore, #tpu.memory_space<semaphore_mem>>) src(%arg10 : memref<64x128xf32, #tpu.memory_space<vmem>>) dst(%dma_wait3A_23 : memref<64x128xf32, #tpu.memory_space<vmem_shared>>)
        tpu.yield
      }) : () -> ()
    }
    %scan3A_5 = arith.constant 10 : i32
    %barrier3A = arith.constant 0 : index
    tpu.barrier barrier_id(%barrier3A)
    %scan3A_6 = arith.constant 0 : i32
    %scan3A_7 = arith.constant 0 : i32
    %scan3A_8 = arith.constant 3 : i32
    %scan3A_9 = arith.addi %scan3A_7, %scan3A_8 : i32
    %scan3A_10 = arith.constant 1 : i32
    scf.for %scan3A_12 = %scan3A_7 to %scan3A_9 step %scan3A_10  : i32 {
      "tpu.region"() ({
        %run_scoped3A = tpu.sem_alloc : memref<!tpu.dma_semaphore, #tpu.memory_space<semaphore_mem>>
        %dma_start3A = arith.constant 0 : i32
        %dma_start3A_19 = arith.constant 0 : i32
        %dma_start3A_20 = arith.constant 0 : i32
        %dma_start3A_21 = tpu.memref_slice %arg3[%add3A, %dma_start3A, %dma_start3A_19, %dma_start3A_20] : memref<32x3x21x80xi32, #tpu.memory_space<hbm>> -> memref<1x3x21x80xi32, #tpu.memory_space<hbm>>
        %dma_start3A_22 = tpu.memref_squeeze %dma_start3A_21 : memref<1x3x21x80xi32, #tpu.memory_space<hbm>> -> memref<3x21x80xi32, #tpu.memory_space<hbm>>
        %dma_start3A_23 = arith.constant 0 : i32
        %dma_start3A_24 = arith.constant 0 : i32
        %dma_start3A_25 = tpu.memref_slice %dma_start3A_22[%scan3A_12, %dma_start3A_23, %dma_start3A_24] : memref<3x21x80xi32, #tpu.memory_space<hbm>> -> memref<1x21x80xi32, #tpu.memory_space<hbm>>
        %dma_start3A_26 = tpu.memref_squeeze %dma_start3A_25 : memref<1x21x80xi32, #tpu.memory_space<hbm>> -> memref<21x80xi32, #tpu.memory_space<hbm>>
        %dma_start3A_27 = arith.constant 0 : i32
        %dma_start3A_28 = arith.constant 0 : i32
        %dma_start3A_29 = arith.constant 0 : i32
        %dma_start3A_30 = tpu.memref_slice %arg3[%add3A, %dma_start3A_27, %dma_start3A_28, %dma_start3A_29] : memref<32x3x21x80xi32, #tpu.memory_space<hbm>> -> memref<1x3x21x80xi32, #tpu.memory_space<hbm>>
        %dma_start3A_31 = tpu.memref_squeeze %dma_start3A_30 : memref<1x3x21x80xi32, #tpu.memory_space<hbm>> -> memref<3x21x80xi32, #tpu.memory_space<hbm>>
        %dma_start3A_32 = arith.constant 0 : i32
        %dma_start3A_33 = arith.constant 0 : i32
        %dma_start3A_34 = tpu.memref_slice %dma_start3A_31[%scan3A_12, %dma_start3A_32, %dma_start3A_33] : memref<3x21x80xi32, #tpu.memory_space<hbm>> -> memref<1x21x80xi32, #tpu.memory_space<hbm>>
        %dma_start3A_35 = tpu.memref_squeeze %dma_start3A_34 : memref<1x21x80xi32, #tpu.memory_space<hbm>> -> memref<21x80xi32, #tpu.memory_space<hbm>>
        tpu.enqueue_dma source(%dma_start3A_35 : memref<21x80xi32, #tpu.memory_space<hbm>>) target(%arg6 : memref<21x80xi32, #tpu.memory_space<vmem>>) target_semaphore(%run_scoped3A : memref<!tpu.dma_semaphore, #tpu.memory_space<semaphore_mem>>)
        %dma_wait3A = arith.constant 0 : i32
        %dma_wait3A_36 = arith.constant 0 : i32
        %dma_wait3A_37 = arith.constant 0 : i32
        %dma_wait3A_38 = tpu.memref_slice %arg3[%add3A, %dma_wait3A, %dma_wait3A_36, %dma_wait3A_37] : memref<32x3x21x80xi32, #tpu.memory_space<hbm>> -> memref<1x3x21x80xi32, #tpu.memory_space<hbm>>
        %dma_wait3A_39 = tpu.memref_squeeze %dma_wait3A_38 : memref<1x3x21x80xi32, #tpu.memory_space<hbm>> -> memref<3x21x80xi32, #tpu.memory_space<hbm>>
        %dma_wait3A_40 = arith.constant 0 : i32
        %dma_wait3A_41 = arith.constant 0 : i32
        %dma_wait3A_42 = tpu.memref_slice %dma_wait3A_39[%scan3A_12, %dma_wait3A_40, %dma_wait3A_41] : memref<3x21x80xi32, #tpu.memory_space<hbm>> -> memref<1x21x80xi32, #tpu.memory_space<hbm>>
        %dma_wait3A_43 = tpu.memref_squeeze %dma_wait3A_42 : memref<1x21x80xi32, #tpu.memory_space<hbm>> -> memref<21x80xi32, #tpu.memory_space<hbm>>
        %dma_wait3A_44 = arith.constant 0 : i32
        %dma_wait3A_45 = arith.constant 0 : i32
        %dma_wait3A_46 = arith.constant 0 : i32
        %dma_wait3A_47 = tpu.memref_slice %arg3[%add3A, %dma_wait3A_44, %dma_wait3A_45, %dma_wait3A_46] : memref<32x3x21x80xi32, #tpu.memory_space<hbm>> -> memref<1x3x21x80xi32, #tpu.memory_space<hbm>>
        %dma_wait3A_48 = tpu.memref_squeeze %dma_wait3A_47 : memref<1x3x21x80xi32, #tpu.memory_space<hbm>> -> memref<3x21x80xi32, #tpu.memory_space<hbm>>
        %dma_wait3A_49 = arith.constant 0 : i32
        %dma_wait3A_50 = arith.constant 0 : i32
        %dma_wait3A_51 = tpu.memref_slice %dma_wait3A_48[%scan3A_12, %dma_wait3A_49, %dma_wait3A_50] : memref<3x21x80xi32, #tpu.memory_space<hbm>> -> memref<1x21x80xi32, #tpu.memory_space<hbm>>
        %dma_wait3A_52 = tpu.memref_squeeze %dma_wait3A_51 : memref<1x21x80xi32, #tpu.memory_space<hbm>> -> memref<21x80xi32, #tpu.memory_space<hbm>>
        tpu.wait_dma2 semaphore(%run_scoped3A : memref<!tpu.dma_semaphore, #tpu.memory_space<semaphore_mem>>) src(%dma_wait3A_52 : memref<21x80xi32, #tpu.memory_space<hbm>>) dst(%arg6 : memref<21x80xi32, #tpu.memory_space<vmem>>)
        tpu.yield
      }) : () -> ()
      %scan3A_13 = arith.constant 0 : i32
      %scan3A_14 = arith.constant 0 : i32
      %scan3A_15 = arith.constant 7 : i32
      %scan3A_16 = arith.addi %scan3A_14, %scan3A_15 : i32
      %scan3A_17 = arith.constant 1 : i32
      scf.for %scan3A_19 = %scan3A_14 to %scan3A_16 step %scan3A_17  : i32 {
        %mul3A_20 = arith.constant 21 : i32
        %mul3A_21 = arith.muli %scan3A_12, %mul3A_20 : i32
        %mul3A_22 = arith.constant 3 : i32
        %mul3A_23 = arith.muli %mul3A_22, %scan3A_19 : i32
        %add3A_24 = arith.addi %mul3A_21, %mul3A_23 : i32
        %mul3A_25 = arith.constant 3 : i32
        %mul3A_26 = arith.muli %mul3A_25, %scan3A_19 : i32
        %add3A_27 = arith.constant 0 : i32
        %add3A_28 = arith.addi %mul3A_26, %add3A_27 : i32
        %dma_start3A = arith.constant 0 : i32
        %dma_start3A_29 = tpu.memref_slice %arg6[%add3A_28, %dma_start3A] : memref<21x80xi32, #tpu.memory_space<vmem>> -> memref<1x80xi32, #tpu.memory_space<vmem>>
        %dma_start3A_30 = tpu.memref_squeeze %dma_start3A_29 : memref<1x80xi32, #tpu.memory_space<vmem>> -> memref<80xi32, #tpu.memory_space<vmem>>
        %dma_start3A_31 = arith.constant 0 : i32
        %dma_start3A_32 = arith.constant 0 : i32
        %dma_start3A_33 = tpu.memref_slice %arg5[%dma_start3A_31, %dma_start3A_32] : memref<10240x128xf32, #tpu.memory_space<vmem_shared>> -> memref<10240x128xf32, #tpu.memory_space<vmem_shared>>
        tpu.enqueue_indirect_dma source(%dma_start3A_33 : memref<10240x128xf32, #tpu.memory_space<vmem_shared>>) target(%arg7 : memref<80x128xf32, #tpu.memory_space<vmem>>) offsets(%dma_start3A_30 : memref<80xi32, #tpu.memory_space<vmem>>) semaphore(%arg11 : memref<!tpu.dma_semaphore, #tpu.memory_space<semaphore_mem>>)
        %mul3A_34 = arith.constant 3 : i32
        %mul3A_35 = arith.muli %mul3A_34, %scan3A_19 : i32
        %add3A_36 = arith.constant 1 : i32
        %add3A_37 = arith.addi %mul3A_35, %add3A_36 : i32
        %dma_start3A_38 = arith.constant 0 : i32
        %dma_start3A_39 = tpu.memref_slice %arg6[%add3A_37, %dma_start3A_38] : memref<21x80xi32, #tpu.memory_space<vmem>> -> memref<1x80xi32, #tpu.memory_space<vmem>>
        %dma_start3A_40 = tpu.memref_squeeze %dma_start3A_39 : memref<1x80xi32, #tpu.memory_space<vmem>> -> memref<80xi32, #tpu.memory_space<vmem>>
        %dma_start3A_41 = arith.constant 0 : i32
        %dma_start3A_42 = arith.constant 0 : i32
        %dma_start3A_43 = tpu.memref_slice %arg5[%dma_start3A_41, %dma_start3A_42] : memref<10240x128xf32, #tpu.memory_space<vmem_shared>> -> memref<10240x128xf32, #tpu.memory_space<vmem_shared>>
        tpu.enqueue_indirect_dma source(%dma_start3A_43 : memref<10240x128xf32, #tpu.memory_space<vmem_shared>>) target(%arg8 : memref<80x128xf32, #tpu.memory_space<vmem>>) offsets(%dma_start3A_40 : memref<80xi32, #tpu.memory_space<vmem>>) semaphore(%arg12 : memref<!tpu.dma_semaphore, #tpu.memory_space<semaphore_mem>>)
        %mul3A_44 = arith.constant 3 : i32
        %mul3A_45 = arith.muli %mul3A_44, %scan3A_19 : i32
        %add3A_46 = arith.constant 2 : i32
        %add3A_47 = arith.addi %mul3A_45, %add3A_46 : i32
        %dma_start3A_48 = arith.constant 0 : i32
        %dma_start3A_49 = tpu.memref_slice %arg6[%add3A_47, %dma_start3A_48] : memref<21x80xi32, #tpu.memory_space<vmem>> -> memref<1x80xi32, #tpu.memory_space<vmem>>
        %dma_start3A_50 = tpu.memref_squeeze %dma_start3A_49 : memref<1x80xi32, #tpu.memory_space<vmem>> -> memref<80xi32, #tpu.memory_space<vmem>>
        %dma_start3A_51 = arith.constant 0 : i32
        %dma_start3A_52 = arith.constant 0 : i32
        %dma_start3A_53 = tpu.memref_slice %arg5[%dma_start3A_51, %dma_start3A_52] : memref<10240x128xf32, #tpu.memory_space<vmem_shared>> -> memref<10240x128xf32, #tpu.memory_space<vmem_shared>>
        tpu.enqueue_indirect_dma source(%dma_start3A_53 : memref<10240x128xf32, #tpu.memory_space<vmem_shared>>) target(%arg9 : memref<80x128xf32, #tpu.memory_space<vmem>>) offsets(%dma_start3A_50 : memref<80xi32, #tpu.memory_space<vmem>>) semaphore(%arg13 : memref<!tpu.dma_semaphore, #tpu.memory_space<semaphore_mem>>)
        %dma_wait3A = arith.constant 0 : i32
        %dma_wait3A_54 = tpu.memref_slice %arg6[%add3A_28, %dma_wait3A] : memref<21x80xi32, #tpu.memory_space<vmem>> -> memref<1x80xi32, #tpu.memory_space<vmem>>
        %dma_wait3A_55 = tpu.memref_squeeze %dma_wait3A_54 : memref<1x80xi32, #tpu.memory_space<vmem>> -> memref<80xi32, #tpu.memory_space<vmem>>
        %dma_wait3A_56 = arith.constant 0 : i32
        %dma_wait3A_57 = arith.constant 0 : i32
        %dma_wait3A_58 = tpu.memref_slice %arg5[%dma_wait3A_56, %dma_wait3A_57] : memref<10240x128xf32, #tpu.memory_space<vmem_shared>> -> memref<10240x128xf32, #tpu.memory_space<vmem_shared>>
        tpu.wait_indirect_dma semaphore(%arg11 : memref<!tpu.dma_semaphore, #tpu.memory_space<semaphore_mem>>) src(%dma_wait3A_58 : memref<10240x128xf32, #tpu.memory_space<vmem_shared>>) dst(%arg7 : memref<80x128xf32, #tpu.memory_space<vmem>>)
        %mul3A_59 = arith.constant 5040 : i32
        %mul3A_60 = arith.muli %add3A, %mul3A_59 : i32
        %add3A_61 = arith.constant 0 : i32
        %add3A_62 = arith.addi %add3A_24, %add3A_61 : i32
        %mul3A_63 = arith.constant 80 : i32
        %mul3A_64 = arith.muli %add3A_62, %mul3A_63 : i32
        %add3A_65 = arith.addi %mul3A_60, %mul3A_64 : i32
        %dma_start3A_66 = arith.constant 0 : i32
        %dma_start3A_67 = tpu.memref_slice %arg4[%add3A_65, %dma_start3A_66] : memref<161280x128xf32, #tpu.memory_space<hbm>> -> memref<80x128xf32, #tpu.memory_space<hbm>>
        %dma_start3A_68 = arith.constant 0 : i32
        %dma_start3A_69 = tpu.memref_slice %arg4[%add3A_65, %dma_start3A_68] : memref<161280x128xf32, #tpu.memory_space<hbm>> -> memref<80x128xf32, #tpu.memory_space<hbm>>
        tpu.enqueue_dma source(%arg7 : memref<80x128xf32, #tpu.memory_space<vmem>>) target(%dma_start3A_69 : memref<80x128xf32, #tpu.memory_space<hbm>>) target_semaphore(%arg14 : memref<!tpu.dma_semaphore, #tpu.memory_space<semaphore_mem>>)
        %dma_wait3A_70 = arith.constant 0 : i32
        %dma_wait3A_71 = tpu.memref_slice %arg6[%add3A_37, %dma_wait3A_70] : memref<21x80xi32, #tpu.memory_space<vmem>> -> memref<1x80xi32, #tpu.memory_space<vmem>>
        %dma_wait3A_72 = tpu.memref_squeeze %dma_wait3A_71 : memref<1x80xi32, #tpu.memory_space<vmem>> -> memref<80xi32, #tpu.memory_space<vmem>>
        %dma_wait3A_73 = arith.constant 0 : i32
        %dma_wait3A_74 = arith.constant 0 : i32
        %dma_wait3A_75 = tpu.memref_slice %arg5[%dma_wait3A_73, %dma_wait3A_74] : memref<10240x128xf32, #tpu.memory_space<vmem_shared>> -> memref<10240x128xf32, #tpu.memory_space<vmem_shared>>
        tpu.wait_indirect_dma semaphore(%arg12 : memref<!tpu.dma_semaphore, #tpu.memory_space<semaphore_mem>>) src(%dma_wait3A_75 : memref<10240x128xf32, #tpu.memory_space<vmem_shared>>) dst(%arg8 : memref<80x128xf32, #tpu.memory_space<vmem>>)
        %mul3A_76 = arith.constant 5040 : i32
        %mul3A_77 = arith.muli %add3A, %mul3A_76 : i32
        %add3A_78 = arith.constant 1 : i32
        %add3A_79 = arith.addi %add3A_24, %add3A_78 : i32
        %mul3A_80 = arith.constant 80 : i32
        %mul3A_81 = arith.muli %add3A_79, %mul3A_80 : i32
        %add3A_82 = arith.addi %mul3A_77, %mul3A_81 : i32
        %dma_start3A_83 = arith.constant 0 : i32
        %dma_start3A_84 = tpu.memref_slice %arg4[%add3A_82, %dma_start3A_83] : memref<161280x128xf32, #tpu.memory_space<hbm>> -> memref<80x128xf32, #tpu.memory_space<hbm>>
        %dma_start3A_85 = arith.constant 0 : i32
        %dma_start3A_86 = tpu.memref_slice %arg4[%add3A_82, %dma_start3A_85] : memref<161280x128xf32, #tpu.memory_space<hbm>> -> memref<80x128xf32, #tpu.memory_space<hbm>>
        tpu.enqueue_dma source(%arg8 : memref<80x128xf32, #tpu.memory_space<vmem>>) target(%dma_start3A_86 : memref<80x128xf32, #tpu.memory_space<hbm>>) target_semaphore(%arg15 : memref<!tpu.dma_semaphore, #tpu.memory_space<semaphore_mem>>)
        %dma_wait3A_87 = arith.constant 0 : i32
        %dma_wait3A_88 = tpu.memref_slice %arg6[%add3A_47, %dma_wait3A_87] : memref<21x80xi32, #tpu.memory_space<vmem>> -> memref<1x80xi32, #tpu.memory_space<vmem>>
        %dma_wait3A_89 = tpu.memref_squeeze %dma_wait3A_88 : memref<1x80xi32, #tpu.memory_space<vmem>> -> memref<80xi32, #tpu.memory_space<vmem>>
        %dma_wait3A_90 = arith.constant 0 : i32
        %dma_wait3A_91 = arith.constant 0 : i32
        %dma_wait3A_92 = tpu.memref_slice %arg5[%dma_wait3A_90, %dma_wait3A_91] : memref<10240x128xf32, #tpu.memory_space<vmem_shared>> -> memref<10240x128xf32, #tpu.memory_space<vmem_shared>>
        tpu.wait_indirect_dma semaphore(%arg13 : memref<!tpu.dma_semaphore, #tpu.memory_space<semaphore_mem>>) src(%dma_wait3A_92 : memref<10240x128xf32, #tpu.memory_space<vmem_shared>>) dst(%arg9 : memref<80x128xf32, #tpu.memory_space<vmem>>)
        %mul3A_93 = arith.constant 5040 : i32
        %mul3A_94 = arith.muli %add3A, %mul3A_93 : i32
        %add3A_95 = arith.constant 2 : i32
        %add3A_96 = arith.addi %add3A_24, %add3A_95 : i32
        %mul3A_97 = arith.constant 80 : i32
        %mul3A_98 = arith.muli %add3A_96, %mul3A_97 : i32
        %add3A_99 = arith.addi %mul3A_94, %mul3A_98 : i32
        %dma_start3A_100 = arith.constant 0 : i32
        %dma_start3A_101 = tpu.memref_slice %arg4[%add3A_99, %dma_start3A_100] : memref<161280x128xf32, #tpu.memory_space<hbm>> -> memref<80x128xf32, #tpu.memory_space<hbm>>
        %dma_start3A_102 = arith.constant 0 : i32
        %dma_start3A_103 = tpu.memref_slice %arg4[%add3A_99, %dma_start3A_102] : memref<161280x128xf32, #tpu.memory_space<hbm>> -> memref<80x128xf32, #tpu.memory_space<hbm>>
        tpu.enqueue_dma source(%arg9 : memref<80x128xf32, #tpu.memory_space<vmem>>) target(%dma_start3A_103 : memref<80x128xf32, #tpu.memory_space<hbm>>) target_semaphore(%arg16 : memref<!tpu.dma_semaphore, #tpu.memory_space<semaphore_mem>>)
        %dma_wait3A_104 = arith.constant 0 : i32
        %dma_wait3A_105 = tpu.memref_slice %arg4[%add3A_65, %dma_wait3A_104] : memref<161280x128xf32, #tpu.memory_space<hbm>> -> memref<80x128xf32, #tpu.memory_space<hbm>>
        %dma_wait3A_106 = arith.constant 0 : i32
        %dma_wait3A_107 = tpu.memref_slice %arg4[%add3A_65, %dma_wait3A_106] : memref<161280x128xf32, #tpu.memory_space<hbm>> -> memref<80x128xf32, #tpu.memory_space<hbm>>
        tpu.wait_dma2 semaphore(%arg14 : memref<!tpu.dma_semaphore, #tpu.memory_space<semaphore_mem>>) src(%arg7 : memref<80x128xf32, #tpu.memory_space<vmem>>) dst(%dma_wait3A_107 : memref<80x128xf32, #tpu.memory_space<hbm>>)
        %dma_wait3A_108 = arith.constant 0 : i32
        %dma_wait3A_109 = tpu.memref_slice %arg4[%add3A_82, %dma_wait3A_108] : memref<161280x128xf32, #tpu.memory_space<hbm>> -> memref<80x128xf32, #tpu.memory_space<hbm>>
        %dma_wait3A_110 = arith.constant 0 : i32
        %dma_wait3A_111 = tpu.memref_slice %arg4[%add3A_82, %dma_wait3A_110] : memref<161280x128xf32, #tpu.memory_space<hbm>> -> memref<80x128xf32, #tpu.memory_space<hbm>>
        tpu.wait_dma2 semaphore(%arg15 : memref<!tpu.dma_semaphore, #tpu.memory_space<semaphore_mem>>) src(%arg8 : memref<80x128xf32, #tpu.memory_space<vmem>>) dst(%dma_wait3A_111 : memref<80x128xf32, #tpu.memory_space<hbm>>)
        %dma_wait3A_112 = arith.constant 0 : i32
        %dma_wait3A_113 = tpu.memref_slice %arg4[%add3A_99, %dma_wait3A_112] : memref<161280x128xf32, #tpu.memory_space<hbm>> -> memref<80x128xf32, #tpu.memory_space<hbm>>
        %dma_wait3A_114 = arith.constant 0 : i32
        %dma_wait3A_115 = tpu.memref_slice %arg4[%add3A_99, %dma_wait3A_114] : memref<161280x128xf32, #tpu.memory_space<hbm>> -> memref<80x128xf32, #tpu.memory_space<hbm>>
        tpu.wait_dma2 semaphore(%arg16 : memref<!tpu.dma_semaphore, #tpu.memory_space<semaphore_mem>>) src(%arg9 : memref<80x128xf32, #tpu.memory_space<vmem>>) dst(%dma_wait3A_115 : memref<80x128xf32, #tpu.memory_space<hbm>>)
      }
      %scan3A_18 = arith.constant 7 : i32
    }
    %scan3A_11 = arith.constant 3 : i32
    return
  }
}

#map = affine_map<(d0, d1) -> (0, 0)>
#map1 = affine_map<(d0, d1) -> (0, 0, 0, 0)>
module attributes {stable_mosaic.version = 14 : i64} {
  func.func @gather_k(%arg0: i32, %arg1: i32, %arg2: memref<10240x128xf32, #tpu.memory_space<hbm>>, %arg3: memref<32x2x31x80xi32, #tpu.memory_space<hbm>>, %arg4: memref<158720x128xf32, #tpu.memory_space<hbm>>, %arg5: memref<10240x128xf32, #tpu.memory_space<vmem_shared>>, %arg6: memref<31x80xi32, #tpu.memory_space<vmem>>, %arg7: memref<80x128xf32, #tpu.memory_space<vmem>>, %arg8: memref<80x128xf32, #tpu.memory_space<vmem>>, %arg9: memref<80x128xf32, #tpu.memory_space<vmem>>, %arg10: memref<64x128xf32, #tpu.memory_space<vmem>>, %arg11: memref<!tpu.dma_semaphore, #tpu.memory_space<semaphore_mem>>, %arg12: memref<!tpu.dma_semaphore, #tpu.memory_space<semaphore_mem>>, %arg13: memref<!tpu.dma_semaphore, #tpu.memory_space<semaphore_mem>>, %arg14: memref<!tpu.dma_semaphore, #tpu.memory_space<semaphore_mem>>, %arg15: memref<!tpu.dma_semaphore, #tpu.memory_space<semaphore_mem>>, %arg16: memref<!tpu.dma_semaphore, #tpu.memory_space<semaphore_mem>>) attributes {dimension_semantics = [#tpu.dimension_semantics<core_parallel>, #tpu.dimension_semantics<subcore_parallel>], iteration_bounds = array<i64: 2, 16>, scalar_prefetch = 0 : i64, scratch_operands = 12 : i64, tpu.core_type = #tpu.core_type<sc_vector_subcore>, window_params = [{transform_indices = #map}, {transform_indices = #map1}, {transform_indices = #map}]} {
    %mul3A = arith.constant 2 : i32
    %mul3A_0 = arith.muli %arg1, %mul3A : i32
    %add3A = arith.addi %mul3A_0, %arg0 : i32
    %scan3A = arith.constant 0 : i32
    %scan3A_1 = arith.constant 0 : i32
    %scan3A_2 = arith.constant 10 : i32
    %scan3A_3 = arith.addi %scan3A_1, %scan3A_2 : i32
    %scan3A_4 = arith.constant 1 : i32
    scf.for %scan3A_12 = %scan3A_1 to %scan3A_3 step %scan3A_4  : i32 {
      %mul3A_13 = arith.constant 640 : i32
      %mul3A_14 = arith.muli %arg1, %mul3A_13 : i32
      %mul3A_15 = arith.constant 64 : i32
      %mul3A_16 = arith.muli %scan3A_12, %mul3A_15 : i32
      %add3A_17 = arith.addi %mul3A_14, %mul3A_16 : i32
      "tpu.region"() ({
        %run_scoped3A = tpu.sem_alloc : memref<!tpu.dma_semaphore, #tpu.memory_space<semaphore_mem>>
        %dma_start3A = arith.constant 0 : i32
        %dma_start3A_18 = tpu.memref_slice %arg2[%add3A_17, %dma_start3A] : memref<10240x128xf32, #tpu.memory_space<hbm>> -> memref<64x128xf32, #tpu.memory_space<hbm>>
        %dma_start3A_19 = arith.constant 0 : i32
        %dma_start3A_20 = tpu.memref_slice %arg2[%add3A_17, %dma_start3A_19] : memref<10240x128xf32, #tpu.memory_space<hbm>> -> memref<64x128xf32, #tpu.memory_space<hbm>>
        tpu.enqueue_dma source(%dma_start3A_20 : memref<64x128xf32, #tpu.memory_space<hbm>>) target(%arg10 : memref<64x128xf32, #tpu.memory_space<vmem>>) target_semaphore(%run_scoped3A : memref<!tpu.dma_semaphore, #tpu.memory_space<semaphore_mem>>)
        %dma_wait3A = arith.constant 0 : i32
        %dma_wait3A_21 = tpu.memref_slice %arg2[%add3A_17, %dma_wait3A] : memref<10240x128xf32, #tpu.memory_space<hbm>> -> memref<64x128xf32, #tpu.memory_space<hbm>>
        %dma_wait3A_22 = arith.constant 0 : i32
        %dma_wait3A_23 = tpu.memref_slice %arg2[%add3A_17, %dma_wait3A_22] : memref<10240x128xf32, #tpu.memory_space<hbm>> -> memref<64x128xf32, #tpu.memory_space<hbm>>
        tpu.wait_dma2 semaphore(%run_scoped3A : memref<!tpu.dma_semaphore, #tpu.memory_space<semaphore_mem>>) src(%dma_wait3A_23 : memref<64x128xf32, #tpu.memory_space<hbm>>) dst(%arg10 : memref<64x128xf32, #tpu.memory_space<vmem>>)
        tpu.yield
      }) : () -> ()
      "tpu.region"() ({
        %run_scoped3A = tpu.sem_alloc : memref<!tpu.dma_semaphore, #tpu.memory_space<semaphore_mem>>
        %dma_start3A = arith.constant 0 : i32
        %dma_start3A_18 = tpu.memref_slice %arg5[%add3A_17, %dma_start3A] : memref<10240x128xf32, #tpu.memory_space<vmem_shared>> -> memref<64x128xf32, #tpu.memory_space<vmem_shared>>
        %dma_start3A_19 = arith.constant 0 : i32
        %dma_start3A_20 = tpu.memref_slice %arg5[%add3A_17, %dma_start3A_19] : memref<10240x128xf32, #tpu.memory_space<vmem_shared>> -> memref<64x128xf32, #tpu.memory_space<vmem_shared>>
        tpu.enqueue_dma source(%arg10 : memref<64x128xf32, #tpu.memory_space<vmem>>) target(%dma_start3A_20 : memref<64x128xf32, #tpu.memory_space<vmem_shared>>) target_semaphore(%run_scoped3A : memref<!tpu.dma_semaphore, #tpu.memory_space<semaphore_mem>>)
        %dma_wait3A = arith.constant 0 : i32
        %dma_wait3A_21 = tpu.memref_slice %arg5[%add3A_17, %dma_wait3A] : memref<10240x128xf32, #tpu.memory_space<vmem_shared>> -> memref<64x128xf32, #tpu.memory_space<vmem_shared>>
        %dma_wait3A_22 = arith.constant 0 : i32
        %dma_wait3A_23 = tpu.memref_slice %arg5[%add3A_17, %dma_wait3A_22] : memref<10240x128xf32, #tpu.memory_space<vmem_shared>> -> memref<64x128xf32, #tpu.memory_space<vmem_shared>>
        tpu.wait_dma2 semaphore(%run_scoped3A : memref<!tpu.dma_semaphore, #tpu.memory_space<semaphore_mem>>) src(%arg10 : memref<64x128xf32, #tpu.memory_space<vmem>>) dst(%dma_wait3A_23 : memref<64x128xf32, #tpu.memory_space<vmem_shared>>)
        tpu.yield
      }) : () -> ()
    }
    %scan3A_5 = arith.constant 10 : i32
    %barrier3A = arith.constant 0 : index
    tpu.barrier barrier_id(%barrier3A)
    %scan3A_6 = arith.constant 0 : i32
    %scan3A_7 = arith.constant 0 : i32
    %scan3A_8 = arith.constant 2 : i32
    %scan3A_9 = arith.addi %scan3A_7, %scan3A_8 : i32
    %scan3A_10 = arith.constant 1 : i32
    scf.for %scan3A_12 = %scan3A_7 to %scan3A_9 step %scan3A_10  : i32 {
      "tpu.region"() ({
        %run_scoped3A = tpu.sem_alloc : memref<!tpu.dma_semaphore, #tpu.memory_space<semaphore_mem>>
        %dma_start3A_40 = arith.constant 0 : i32
        %dma_start3A_41 = arith.constant 0 : i32
        %dma_start3A_42 = arith.constant 0 : i32
        %dma_start3A_43 = tpu.memref_slice %arg3[%add3A, %dma_start3A_40, %dma_start3A_41, %dma_start3A_42] : memref<32x2x31x80xi32, #tpu.memory_space<hbm>> -> memref<1x2x31x80xi32, #tpu.memory_space<hbm>>
        %dma_start3A_44 = tpu.memref_squeeze %dma_start3A_43 : memref<1x2x31x80xi32, #tpu.memory_space<hbm>> -> memref<2x31x80xi32, #tpu.memory_space<hbm>>
        %dma_start3A_45 = arith.constant 0 : i32
        %dma_start3A_46 = arith.constant 0 : i32
        %dma_start3A_47 = tpu.memref_slice %dma_start3A_44[%scan3A_12, %dma_start3A_45, %dma_start3A_46] : memref<2x31x80xi32, #tpu.memory_space<hbm>> -> memref<1x31x80xi32, #tpu.memory_space<hbm>>
        %dma_start3A_48 = tpu.memref_squeeze %dma_start3A_47 : memref<1x31x80xi32, #tpu.memory_space<hbm>> -> memref<31x80xi32, #tpu.memory_space<hbm>>
        %dma_start3A_49 = arith.constant 0 : i32
        %dma_start3A_50 = arith.constant 0 : i32
        %dma_start3A_51 = arith.constant 0 : i32
        %dma_start3A_52 = tpu.memref_slice %arg3[%add3A, %dma_start3A_49, %dma_start3A_50, %dma_start3A_51] : memref<32x2x31x80xi32, #tpu.memory_space<hbm>> -> memref<1x2x31x80xi32, #tpu.memory_space<hbm>>
        %dma_start3A_53 = tpu.memref_squeeze %dma_start3A_52 : memref<1x2x31x80xi32, #tpu.memory_space<hbm>> -> memref<2x31x80xi32, #tpu.memory_space<hbm>>
        %dma_start3A_54 = arith.constant 0 : i32
        %dma_start3A_55 = arith.constant 0 : i32
        %dma_start3A_56 = tpu.memref_slice %dma_start3A_53[%scan3A_12, %dma_start3A_54, %dma_start3A_55] : memref<2x31x80xi32, #tpu.memory_space<hbm>> -> memref<1x31x80xi32, #tpu.memory_space<hbm>>
        %dma_start3A_57 = tpu.memref_squeeze %dma_start3A_56 : memref<1x31x80xi32, #tpu.memory_space<hbm>> -> memref<31x80xi32, #tpu.memory_space<hbm>>
        tpu.enqueue_dma source(%dma_start3A_57 : memref<31x80xi32, #tpu.memory_space<hbm>>) target(%arg6 : memref<31x80xi32, #tpu.memory_space<vmem>>) target_semaphore(%run_scoped3A : memref<!tpu.dma_semaphore, #tpu.memory_space<semaphore_mem>>)
        %dma_wait3A_58 = arith.constant 0 : i32
        %dma_wait3A_59 = arith.constant 0 : i32
        %dma_wait3A_60 = arith.constant 0 : i32
        %dma_wait3A_61 = tpu.memref_slice %arg3[%add3A, %dma_wait3A_58, %dma_wait3A_59, %dma_wait3A_60] : memref<32x2x31x80xi32, #tpu.memory_space<hbm>> -> memref<1x2x31x80xi32, #tpu.memory_space<hbm>>
        %dma_wait3A_62 = tpu.memref_squeeze %dma_wait3A_61 : memref<1x2x31x80xi32, #tpu.memory_space<hbm>> -> memref<2x31x80xi32, #tpu.memory_space<hbm>>
        %dma_wait3A_63 = arith.constant 0 : i32
        %dma_wait3A_64 = arith.constant 0 : i32
        %dma_wait3A_65 = tpu.memref_slice %dma_wait3A_62[%scan3A_12, %dma_wait3A_63, %dma_wait3A_64] : memref<2x31x80xi32, #tpu.memory_space<hbm>> -> memref<1x31x80xi32, #tpu.memory_space<hbm>>
        %dma_wait3A_66 = tpu.memref_squeeze %dma_wait3A_65 : memref<1x31x80xi32, #tpu.memory_space<hbm>> -> memref<31x80xi32, #tpu.memory_space<hbm>>
        %dma_wait3A_67 = arith.constant 0 : i32
        %dma_wait3A_68 = arith.constant 0 : i32
        %dma_wait3A_69 = arith.constant 0 : i32
        %dma_wait3A_70 = tpu.memref_slice %arg3[%add3A, %dma_wait3A_67, %dma_wait3A_68, %dma_wait3A_69] : memref<32x2x31x80xi32, #tpu.memory_space<hbm>> -> memref<1x2x31x80xi32, #tpu.memory_space<hbm>>
        %dma_wait3A_71 = tpu.memref_squeeze %dma_wait3A_70 : memref<1x2x31x80xi32, #tpu.memory_space<hbm>> -> memref<2x31x80xi32, #tpu.memory_space<hbm>>
        %dma_wait3A_72 = arith.constant 0 : i32
        %dma_wait3A_73 = arith.constant 0 : i32
        %dma_wait3A_74 = tpu.memref_slice %dma_wait3A_71[%scan3A_12, %dma_wait3A_72, %dma_wait3A_73] : memref<2x31x80xi32, #tpu.memory_space<hbm>> -> memref<1x31x80xi32, #tpu.memory_space<hbm>>
        %dma_wait3A_75 = tpu.memref_squeeze %dma_wait3A_74 : memref<1x31x80xi32, #tpu.memory_space<hbm>> -> memref<31x80xi32, #tpu.memory_space<hbm>>
        tpu.wait_dma2 semaphore(%run_scoped3A : memref<!tpu.dma_semaphore, #tpu.memory_space<semaphore_mem>>) src(%dma_wait3A_75 : memref<31x80xi32, #tpu.memory_space<hbm>>) dst(%arg6 : memref<31x80xi32, #tpu.memory_space<vmem>>)
        tpu.yield
      }) : () -> ()
      %scan3A_13 = arith.constant 0 : i32
      %scan3A_14 = arith.constant 0 : i32
      %scan3A_15 = arith.constant 10 : i32
      %scan3A_16 = arith.addi %scan3A_14, %scan3A_15 : i32
      %scan3A_17 = arith.constant 1 : i32
      scf.for %scan3A_40 = %scan3A_14 to %scan3A_16 step %scan3A_17  : i32 {
        %mul3A_41 = arith.constant 31 : i32
        %mul3A_42 = arith.muli %scan3A_12, %mul3A_41 : i32
        %mul3A_43 = arith.constant 3 : i32
        %mul3A_44 = arith.muli %mul3A_43, %scan3A_40 : i32
        %add3A_45 = arith.addi %mul3A_42, %mul3A_44 : i32
        %mul3A_46 = arith.constant 3 : i32
        %mul3A_47 = arith.muli %mul3A_46, %scan3A_40 : i32
        %add3A_48 = arith.constant 0 : i32
        %add3A_49 = arith.addi %mul3A_47, %add3A_48 : i32
        %dma_start3A_50 = arith.constant 0 : i32
        %dma_start3A_51 = tpu.memref_slice %arg6[%add3A_49, %dma_start3A_50] : memref<31x80xi32, #tpu.memory_space<vmem>> -> memref<1x80xi32, #tpu.memory_space<vmem>>
        %dma_start3A_52 = tpu.memref_squeeze %dma_start3A_51 : memref<1x80xi32, #tpu.memory_space<vmem>> -> memref<80xi32, #tpu.memory_space<vmem>>
        %dma_start3A_53 = arith.constant 0 : i32
        %dma_start3A_54 = arith.constant 0 : i32
        %dma_start3A_55 = tpu.memref_slice %arg5[%dma_start3A_53, %dma_start3A_54] : memref<10240x128xf32, #tpu.memory_space<vmem_shared>> -> memref<10240x128xf32, #tpu.memory_space<vmem_shared>>
        tpu.enqueue_indirect_dma source(%dma_start3A_55 : memref<10240x128xf32, #tpu.memory_space<vmem_shared>>) target(%arg7 : memref<80x128xf32, #tpu.memory_space<vmem>>) offsets(%dma_start3A_52 : memref<80xi32, #tpu.memory_space<vmem>>) semaphore(%arg11 : memref<!tpu.dma_semaphore, #tpu.memory_space<semaphore_mem>>)
        %mul3A_56 = arith.constant 3 : i32
        %mul3A_57 = arith.muli %mul3A_56, %scan3A_40 : i32
        %add3A_58 = arith.constant 1 : i32
        %add3A_59 = arith.addi %mul3A_57, %add3A_58 : i32
        %dma_start3A_60 = arith.constant 0 : i32
        %dma_start3A_61 = tpu.memref_slice %arg6[%add3A_59, %dma_start3A_60] : memref<31x80xi32, #tpu.memory_space<vmem>> -> memref<1x80xi32, #tpu.memory_space<vmem>>
        %dma_start3A_62 = tpu.memref_squeeze %dma_start3A_61 : memref<1x80xi32, #tpu.memory_space<vmem>> -> memref<80xi32, #tpu.memory_space<vmem>>
        %dma_start3A_63 = arith.constant 0 : i32
        %dma_start3A_64 = arith.constant 0 : i32
        %dma_start3A_65 = tpu.memref_slice %arg5[%dma_start3A_63, %dma_start3A_64] : memref<10240x128xf32, #tpu.memory_space<vmem_shared>> -> memref<10240x128xf32, #tpu.memory_space<vmem_shared>>
        tpu.enqueue_indirect_dma source(%dma_start3A_65 : memref<10240x128xf32, #tpu.memory_space<vmem_shared>>) target(%arg8 : memref<80x128xf32, #tpu.memory_space<vmem>>) offsets(%dma_start3A_62 : memref<80xi32, #tpu.memory_space<vmem>>) semaphore(%arg12 : memref<!tpu.dma_semaphore, #tpu.memory_space<semaphore_mem>>)
        %mul3A_66 = arith.constant 3 : i32
        %mul3A_67 = arith.muli %mul3A_66, %scan3A_40 : i32
        %add3A_68 = arith.constant 2 : i32
        %add3A_69 = arith.addi %mul3A_67, %add3A_68 : i32
        %dma_start3A_70 = arith.constant 0 : i32
        %dma_start3A_71 = tpu.memref_slice %arg6[%add3A_69, %dma_start3A_70] : memref<31x80xi32, #tpu.memory_space<vmem>> -> memref<1x80xi32, #tpu.memory_space<vmem>>
        %dma_start3A_72 = tpu.memref_squeeze %dma_start3A_71 : memref<1x80xi32, #tpu.memory_space<vmem>> -> memref<80xi32, #tpu.memory_space<vmem>>
        %dma_start3A_73 = arith.constant 0 : i32
        %dma_start3A_74 = arith.constant 0 : i32
        %dma_start3A_75 = tpu.memref_slice %arg5[%dma_start3A_73, %dma_start3A_74] : memref<10240x128xf32, #tpu.memory_space<vmem_shared>> -> memref<10240x128xf32, #tpu.memory_space<vmem_shared>>
        tpu.enqueue_indirect_dma source(%dma_start3A_75 : memref<10240x128xf32, #tpu.memory_space<vmem_shared>>) target(%arg9 : memref<80x128xf32, #tpu.memory_space<vmem>>) offsets(%dma_start3A_72 : memref<80xi32, #tpu.memory_space<vmem>>) semaphore(%arg13 : memref<!tpu.dma_semaphore, #tpu.memory_space<semaphore_mem>>)
        %dma_wait3A_76 = arith.constant 0 : i32
        %dma_wait3A_77 = tpu.memref_slice %arg6[%add3A_49, %dma_wait3A_76] : memref<31x80xi32, #tpu.memory_space<vmem>> -> memref<1x80xi32, #tpu.memory_space<vmem>>
        %dma_wait3A_78 = tpu.memref_squeeze %dma_wait3A_77 : memref<1x80xi32, #tpu.memory_space<vmem>> -> memref<80xi32, #tpu.memory_space<vmem>>
        %dma_wait3A_79 = arith.constant 0 : i32
        %dma_wait3A_80 = arith.constant 0 : i32
        %dma_wait3A_81 = tpu.memref_slice %arg5[%dma_wait3A_79, %dma_wait3A_80] : memref<10240x128xf32, #tpu.memory_space<vmem_shared>> -> memref<10240x128xf32, #tpu.memory_space<vmem_shared>>
        tpu.wait_indirect_dma semaphore(%arg11 : memref<!tpu.dma_semaphore, #tpu.memory_space<semaphore_mem>>) src(%dma_wait3A_81 : memref<10240x128xf32, #tpu.memory_space<vmem_shared>>) dst(%arg7 : memref<80x128xf32, #tpu.memory_space<vmem>>)
        %mul3A_82 = arith.constant 4960 : i32
        %mul3A_83 = arith.muli %add3A, %mul3A_82 : i32
        %add3A_84 = arith.constant 0 : i32
        %add3A_85 = arith.addi %add3A_45, %add3A_84 : i32
        %mul3A_86 = arith.constant 80 : i32
        %mul3A_87 = arith.muli %add3A_85, %mul3A_86 : i32
        %add3A_88 = arith.addi %mul3A_83, %mul3A_87 : i32
        %dma_start3A_89 = arith.constant 0 : i32
        %dma_start3A_90 = tpu.memref_slice %arg4[%add3A_88, %dma_start3A_89] : memref<158720x128xf32, #tpu.memory_space<hbm>> -> memref<80x128xf32, #tpu.memory_space<hbm>>
        %dma_start3A_91 = arith.constant 0 : i32
        %dma_start3A_92 = tpu.memref_slice %arg4[%add3A_88, %dma_start3A_91] : memref<158720x128xf32, #tpu.memory_space<hbm>> -> memref<80x128xf32, #tpu.memory_space<hbm>>
        tpu.enqueue_dma source(%arg7 : memref<80x128xf32, #tpu.memory_space<vmem>>) target(%dma_start3A_92 : memref<80x128xf32, #tpu.memory_space<hbm>>) target_semaphore(%arg14 : memref<!tpu.dma_semaphore, #tpu.memory_space<semaphore_mem>>)
        %dma_wait3A_93 = arith.constant 0 : i32
        %dma_wait3A_94 = tpu.memref_slice %arg6[%add3A_59, %dma_wait3A_93] : memref<31x80xi32, #tpu.memory_space<vmem>> -> memref<1x80xi32, #tpu.memory_space<vmem>>
        %dma_wait3A_95 = tpu.memref_squeeze %dma_wait3A_94 : memref<1x80xi32, #tpu.memory_space<vmem>> -> memref<80xi32, #tpu.memory_space<vmem>>
        %dma_wait3A_96 = arith.constant 0 : i32
        %dma_wait3A_97 = arith.constant 0 : i32
        %dma_wait3A_98 = tpu.memref_slice %arg5[%dma_wait3A_96, %dma_wait3A_97] : memref<10240x128xf32, #tpu.memory_space<vmem_shared>> -> memref<10240x128xf32, #tpu.memory_space<vmem_shared>>
        tpu.wait_indirect_dma semaphore(%arg12 : memref<!tpu.dma_semaphore, #tpu.memory_space<semaphore_mem>>) src(%dma_wait3A_98 : memref<10240x128xf32, #tpu.memory_space<vmem_shared>>) dst(%arg8 : memref<80x128xf32, #tpu.memory_space<vmem>>)
        %mul3A_99 = arith.constant 4960 : i32
        %mul3A_100 = arith.muli %add3A, %mul3A_99 : i32
        %add3A_101 = arith.constant 1 : i32
        %add3A_102 = arith.addi %add3A_45, %add3A_101 : i32
        %mul3A_103 = arith.constant 80 : i32
        %mul3A_104 = arith.muli %add3A_102, %mul3A_103 : i32
        %add3A_105 = arith.addi %mul3A_100, %mul3A_104 : i32
        %dma_start3A_106 = arith.constant 0 : i32
        %dma_start3A_107 = tpu.memref_slice %arg4[%add3A_105, %dma_start3A_106] : memref<158720x128xf32, #tpu.memory_space<hbm>> -> memref<80x128xf32, #tpu.memory_space<hbm>>
        %dma_start3A_108 = arith.constant 0 : i32
        %dma_start3A_109 = tpu.memref_slice %arg4[%add3A_105, %dma_start3A_108] : memref<158720x128xf32, #tpu.memory_space<hbm>> -> memref<80x128xf32, #tpu.memory_space<hbm>>
        tpu.enqueue_dma source(%arg8 : memref<80x128xf32, #tpu.memory_space<vmem>>) target(%dma_start3A_109 : memref<80x128xf32, #tpu.memory_space<hbm>>) target_semaphore(%arg15 : memref<!tpu.dma_semaphore, #tpu.memory_space<semaphore_mem>>)
        %dma_wait3A_110 = arith.constant 0 : i32
        %dma_wait3A_111 = tpu.memref_slice %arg6[%add3A_69, %dma_wait3A_110] : memref<31x80xi32, #tpu.memory_space<vmem>> -> memref<1x80xi32, #tpu.memory_space<vmem>>
        %dma_wait3A_112 = tpu.memref_squeeze %dma_wait3A_111 : memref<1x80xi32, #tpu.memory_space<vmem>> -> memref<80xi32, #tpu.memory_space<vmem>>
        %dma_wait3A_113 = arith.constant 0 : i32
        %dma_wait3A_114 = arith.constant 0 : i32
        %dma_wait3A_115 = tpu.memref_slice %arg5[%dma_wait3A_113, %dma_wait3A_114] : memref<10240x128xf32, #tpu.memory_space<vmem_shared>> -> memref<10240x128xf32, #tpu.memory_space<vmem_shared>>
        tpu.wait_indirect_dma semaphore(%arg13 : memref<!tpu.dma_semaphore, #tpu.memory_space<semaphore_mem>>) src(%dma_wait3A_115 : memref<10240x128xf32, #tpu.memory_space<vmem_shared>>) dst(%arg9 : memref<80x128xf32, #tpu.memory_space<vmem>>)
        %mul3A_116 = arith.constant 4960 : i32
        %mul3A_117 = arith.muli %add3A, %mul3A_116 : i32
        %add3A_118 = arith.constant 2 : i32
        %add3A_119 = arith.addi %add3A_45, %add3A_118 : i32
        %mul3A_120 = arith.constant 80 : i32
        %mul3A_121 = arith.muli %add3A_119, %mul3A_120 : i32
        %add3A_122 = arith.addi %mul3A_117, %mul3A_121 : i32
        %dma_start3A_123 = arith.constant 0 : i32
        %dma_start3A_124 = tpu.memref_slice %arg4[%add3A_122, %dma_start3A_123] : memref<158720x128xf32, #tpu.memory_space<hbm>> -> memref<80x128xf32, #tpu.memory_space<hbm>>
        %dma_start3A_125 = arith.constant 0 : i32
        %dma_start3A_126 = tpu.memref_slice %arg4[%add3A_122, %dma_start3A_125] : memref<158720x128xf32, #tpu.memory_space<hbm>> -> memref<80x128xf32, #tpu.memory_space<hbm>>
        tpu.enqueue_dma source(%arg9 : memref<80x128xf32, #tpu.memory_space<vmem>>) target(%dma_start3A_126 : memref<80x128xf32, #tpu.memory_space<hbm>>) target_semaphore(%arg16 : memref<!tpu.dma_semaphore, #tpu.memory_space<semaphore_mem>>)
        %dma_wait3A_127 = arith.constant 0 : i32
        %dma_wait3A_128 = tpu.memref_slice %arg4[%add3A_88, %dma_wait3A_127] : memref<158720x128xf32, #tpu.memory_space<hbm>> -> memref<80x128xf32, #tpu.memory_space<hbm>>
        %dma_wait3A_129 = arith.constant 0 : i32
        %dma_wait3A_130 = tpu.memref_slice %arg4[%add3A_88, %dma_wait3A_129] : memref<158720x128xf32, #tpu.memory_space<hbm>> -> memref<80x128xf32, #tpu.memory_space<hbm>>
        tpu.wait_dma2 semaphore(%arg14 : memref<!tpu.dma_semaphore, #tpu.memory_space<semaphore_mem>>) src(%arg7 : memref<80x128xf32, #tpu.memory_space<vmem>>) dst(%dma_wait3A_130 : memref<80x128xf32, #tpu.memory_space<hbm>>)
        %dma_wait3A_131 = arith.constant 0 : i32
        %dma_wait3A_132 = tpu.memref_slice %arg4[%add3A_105, %dma_wait3A_131] : memref<158720x128xf32, #tpu.memory_space<hbm>> -> memref<80x128xf32, #tpu.memory_space<hbm>>
        %dma_wait3A_133 = arith.constant 0 : i32
        %dma_wait3A_134 = tpu.memref_slice %arg4[%add3A_105, %dma_wait3A_133] : memref<158720x128xf32, #tpu.memory_space<hbm>> -> memref<80x128xf32, #tpu.memory_space<hbm>>
        tpu.wait_dma2 semaphore(%arg15 : memref<!tpu.dma_semaphore, #tpu.memory_space<semaphore_mem>>) src(%arg8 : memref<80x128xf32, #tpu.memory_space<vmem>>) dst(%dma_wait3A_134 : memref<80x128xf32, #tpu.memory_space<hbm>>)
        %dma_wait3A_135 = arith.constant 0 : i32
        %dma_wait3A_136 = tpu.memref_slice %arg4[%add3A_122, %dma_wait3A_135] : memref<158720x128xf32, #tpu.memory_space<hbm>> -> memref<80x128xf32, #tpu.memory_space<hbm>>
        %dma_wait3A_137 = arith.constant 0 : i32
        %dma_wait3A_138 = tpu.memref_slice %arg4[%add3A_122, %dma_wait3A_137] : memref<158720x128xf32, #tpu.memory_space<hbm>> -> memref<80x128xf32, #tpu.memory_space<hbm>>
        tpu.wait_dma2 semaphore(%arg16 : memref<!tpu.dma_semaphore, #tpu.memory_space<semaphore_mem>>) src(%arg9 : memref<80x128xf32, #tpu.memory_space<vmem>>) dst(%dma_wait3A_138 : memref<80x128xf32, #tpu.memory_space<hbm>>)
      }
      %scan3A_18 = arith.constant 10 : i32
      %mul3A_19 = arith.constant 31 : i32
      %mul3A_20 = arith.muli %scan3A_12, %mul3A_19 : i32
      %add3A_21 = arith.constant 30 : i32
      %add3A_22 = arith.addi %mul3A_20, %add3A_21 : i32
      %dma_start3A = arith.constant 30 : i32
      %dma_start3A_23 = arith.constant 0 : i32
      %dma_start3A_24 = tpu.memref_slice %arg6[%dma_start3A, %dma_start3A_23] : memref<31x80xi32, #tpu.memory_space<vmem>> -> memref<1x80xi32, #tpu.memory_space<vmem>>
      %dma_start3A_25 = tpu.memref_squeeze %dma_start3A_24 : memref<1x80xi32, #tpu.memory_space<vmem>> -> memref<80xi32, #tpu.memory_space<vmem>>
      %dma_start3A_26 = arith.constant 0 : i32
      %dma_start3A_27 = arith.constant 0 : i32
      %dma_start3A_28 = tpu.memref_slice %arg5[%dma_start3A_26, %dma_start3A_27] : memref<10240x128xf32, #tpu.memory_space<vmem_shared>> -> memref<10240x128xf32, #tpu.memory_space<vmem_shared>>
      tpu.enqueue_indirect_dma source(%dma_start3A_28 : memref<10240x128xf32, #tpu.memory_space<vmem_shared>>) target(%arg7 : memref<80x128xf32, #tpu.memory_space<vmem>>) offsets(%dma_start3A_25 : memref<80xi32, #tpu.memory_space<vmem>>) semaphore(%arg11 : memref<!tpu.dma_semaphore, #tpu.memory_space<semaphore_mem>>)
      %dma_wait3A = arith.constant 30 : i32
      %dma_wait3A_29 = arith.constant 0 : i32
      %dma_wait3A_30 = tpu.memref_slice %arg6[%dma_wait3A, %dma_wait3A_29] : memref<31x80xi32, #tpu.memory_space<vmem>> -> memref<1x80xi32, #tpu.memory_space<vmem>>
      %dma_wait3A_31 = tpu.memref_squeeze %dma_wait3A_30 : memref<1x80xi32, #tpu.memory_space<vmem>> -> memref<80xi32, #tpu.memory_space<vmem>>
      %dma_wait3A_32 = arith.constant 0 : i32
      %dma_wait3A_33 = arith.constant 0 : i32
      %dma_wait3A_34 = tpu.memref_slice %arg5[%dma_wait3A_32, %dma_wait3A_33] : memref<10240x128xf32, #tpu.memory_space<vmem_shared>> -> memref<10240x128xf32, #tpu.memory_space<vmem_shared>>
      tpu.wait_indirect_dma semaphore(%arg11 : memref<!tpu.dma_semaphore, #tpu.memory_space<semaphore_mem>>) src(%dma_wait3A_34 : memref<10240x128xf32, #tpu.memory_space<vmem_shared>>) dst(%arg7 : memref<80x128xf32, #tpu.memory_space<vmem>>)
      %mul3A_35 = arith.constant 4960 : i32
      %mul3A_36 = arith.muli %add3A, %mul3A_35 : i32
      %mul3A_37 = arith.constant 80 : i32
      %mul3A_38 = arith.muli %add3A_22, %mul3A_37 : i32
      %add3A_39 = arith.addi %mul3A_36, %mul3A_38 : i32
      "tpu.region"() ({
        %run_scoped3A = tpu.sem_alloc : memref<!tpu.dma_semaphore, #tpu.memory_space<semaphore_mem>>
        %dma_start3A_40 = arith.constant 0 : i32
        %dma_start3A_41 = tpu.memref_slice %arg4[%add3A_39, %dma_start3A_40] : memref<158720x128xf32, #tpu.memory_space<hbm>> -> memref<80x128xf32, #tpu.memory_space<hbm>>
        %dma_start3A_42 = arith.constant 0 : i32
        %dma_start3A_43 = tpu.memref_slice %arg4[%add3A_39, %dma_start3A_42] : memref<158720x128xf32, #tpu.memory_space<hbm>> -> memref<80x128xf32, #tpu.memory_space<hbm>>
        tpu.enqueue_dma source(%arg7 : memref<80x128xf32, #tpu.memory_space<vmem>>) target(%dma_start3A_43 : memref<80x128xf32, #tpu.memory_space<hbm>>) target_semaphore(%run_scoped3A : memref<!tpu.dma_semaphore, #tpu.memory_space<semaphore_mem>>)
        %dma_wait3A_44 = arith.constant 0 : i32
        %dma_wait3A_45 = tpu.memref_slice %arg4[%add3A_39, %dma_wait3A_44] : memref<158720x128xf32, #tpu.memory_space<hbm>> -> memref<80x128xf32, #tpu.memory_space<hbm>>
        %dma_wait3A_46 = arith.constant 0 : i32
        %dma_wait3A_47 = tpu.memref_slice %arg4[%add3A_39, %dma_wait3A_46] : memref<158720x128xf32, #tpu.memory_space<hbm>> -> memref<80x128xf32, #tpu.memory_space<hbm>>
        tpu.wait_dma2 semaphore(%run_scoped3A : memref<!tpu.dma_semaphore, #tpu.memory_space<semaphore_mem>>) src(%arg7 : memref<80x128xf32, #tpu.memory_space<vmem>>) dst(%dma_wait3A_47 : memref<80x128xf32, #tpu.memory_space<hbm>>)
        tpu.yield
      }) : () -> ()
    }
    %scan3A_11 = arith.constant 2 : i32
    return
  }
}

#map = affine_map<(d0, d1) -> (0, 0)>
#map1 = affine_map<(d0, d1) -> (0, 0, 0, 0)>
#map2 = affine_map<(d0, d1) -> (0, 0, 0)>
module attributes {stable_mosaic.version = 14 : i64} {
  func.func @scatter_k(%arg0: i32, %arg1: i32, %arg2: memref<158720x128xf32, #tpu.memory_space<hbm>>, %arg3: memref<32x2x31x80xi32, #tpu.memory_space<hbm>>, %arg4: memref<10240x128xf32, #tpu.memory_space<hbm>>, %arg5: memref<2x10240x128xf32, #tpu.memory_space<hbm>>, %arg6: memref<32x10240xf32, #tpu.memory_space<hbm>>, %arg7: memref<10240x128xf32, #tpu.memory_space<vmem_shared>>, %arg8: memref<31x80xi32, #tpu.memory_space<vmem>>, %arg9: memref<80x128xf32, #tpu.memory_space<vmem>>, %arg10: memref<80x128xf32, #tpu.memory_space<vmem>>, %arg11: memref<10240xf32, #tpu.memory_space<vmem>>, %arg12: memref<32x128xf32, #tpu.memory_space<vmem>>, %arg13: memref<!tpu.dma_semaphore, #tpu.memory_space<semaphore_mem>>, %arg14: memref<!tpu.dma_semaphore, #tpu.memory_space<semaphore_mem>>, %arg15: memref<!tpu.dma_semaphore, #tpu.memory_space<semaphore_mem>>, %arg16: memref<!tpu.dma_semaphore, #tpu.memory_space<semaphore_mem>>) attributes {dimension_semantics = [#tpu.dimension_semantics<core_parallel>, #tpu.dimension_semantics<subcore_parallel>], iteration_bounds = array<i64: 2, 16>, scalar_prefetch = 0 : i64, scratch_operands = 10 : i64, tpu.core_type = #tpu.core_type<sc_vector_subcore>, window_params = [{transform_indices = #map}, {transform_indices = #map1}, {transform_indices = #map}, {transform_indices = #map2}, {transform_indices = #map}]} {
    %mul3A = arith.constant 2 : i32
    %mul3A_0 = arith.muli %arg1, %mul3A : i32
    %add3A = arith.addi %mul3A_0, %arg0 : i32
    %scan3A = arith.constant 0 : i32
    %scan3A_1 = arith.constant 0 : i32
    %scan3A_2 = arith.constant 20 : i32
    %scan3A_3 = arith.addi %scan3A_1, %scan3A_2 : i32
    %scan3A_4 = arith.constant 1 : i32
    scf.for %scan3A_28 = %scan3A_1 to %scan3A_3 step %scan3A_4  : i32 {
      %mul3A_29 = arith.constant 640 : i32
      %mul3A_30 = arith.muli %arg1, %mul3A_29 : i32
      %mul3A_31 = arith.constant 32 : i32
      %mul3A_32 = arith.muli %scan3A_28, %mul3A_31 : i32
      %add3A_33 = arith.addi %mul3A_30, %mul3A_32 : i32
      "tpu.region"() ({
        %run_scoped3A = tpu.sem_alloc : memref<!tpu.dma_semaphore, #tpu.memory_space<semaphore_mem>>
        %dma_start3A = arith.constant 0 : i32
        %dma_start3A_34 = tpu.memref_slice %arg4[%add3A_33, %dma_start3A] : memref<10240x128xf32, #tpu.memory_space<hbm>> -> memref<32x128xf32, #tpu.memory_space<hbm>>
        %dma_start3A_35 = arith.constant 0 : i32
        %dma_start3A_36 = tpu.memref_slice %arg4[%add3A_33, %dma_start3A_35] : memref<10240x128xf32, #tpu.memory_space<hbm>> -> memref<32x128xf32, #tpu.memory_space<hbm>>
        tpu.enqueue_dma source(%dma_start3A_36 : memref<32x128xf32, #tpu.memory_space<hbm>>) target(%arg12 : memref<32x128xf32, #tpu.memory_space<vmem>>) target_semaphore(%run_scoped3A : memref<!tpu.dma_semaphore, #tpu.memory_space<semaphore_mem>>)
        %dma_wait3A = arith.constant 0 : i32
        %dma_wait3A_37 = tpu.memref_slice %arg4[%add3A_33, %dma_wait3A] : memref<10240x128xf32, #tpu.memory_space<hbm>> -> memref<32x128xf32, #tpu.memory_space<hbm>>
        %dma_wait3A_38 = arith.constant 0 : i32
        %dma_wait3A_39 = tpu.memref_slice %arg4[%add3A_33, %dma_wait3A_38] : memref<10240x128xf32, #tpu.memory_space<hbm>> -> memref<32x128xf32, #tpu.memory_space<hbm>>
        tpu.wait_dma2 semaphore(%run_scoped3A : memref<!tpu.dma_semaphore, #tpu.memory_space<semaphore_mem>>) src(%dma_wait3A_39 : memref<32x128xf32, #tpu.memory_space<hbm>>) dst(%arg12 : memref<32x128xf32, #tpu.memory_space<vmem>>)
        tpu.yield
      }) : () -> ()
      "tpu.region"() ({
        %run_scoped3A = tpu.sem_alloc : memref<!tpu.dma_semaphore, #tpu.memory_space<semaphore_mem>>
        %dma_start3A = arith.constant 0 : i32
        %dma_start3A_34 = tpu.memref_slice %arg7[%add3A_33, %dma_start3A] : memref<10240x128xf32, #tpu.memory_space<vmem_shared>> -> memref<32x128xf32, #tpu.memory_space<vmem_shared>>
        %dma_start3A_35 = arith.constant 0 : i32
        %dma_start3A_36 = tpu.memref_slice %arg7[%add3A_33, %dma_start3A_35] : memref<10240x128xf32, #tpu.memory_space<vmem_shared>> -> memref<32x128xf32, #tpu.memory_space<vmem_shared>>
        tpu.enqueue_dma source(%arg12 : memref<32x128xf32, #tpu.memory_space<vmem>>) target(%dma_start3A_36 : memref<32x128xf32, #tpu.memory_space<vmem_shared>>) target_semaphore(%run_scoped3A : memref<!tpu.dma_semaphore, #tpu.memory_space<semaphore_mem>>)
        %dma_wait3A = arith.constant 0 : i32
        %dma_wait3A_37 = tpu.memref_slice %arg7[%add3A_33, %dma_wait3A] : memref<10240x128xf32, #tpu.memory_space<vmem_shared>> -> memref<32x128xf32, #tpu.memory_space<vmem_shared>>
        %dma_wait3A_38 = arith.constant 0 : i32
        %dma_wait3A_39 = tpu.memref_slice %arg7[%add3A_33, %dma_wait3A_38] : memref<10240x128xf32, #tpu.memory_space<vmem_shared>> -> memref<32x128xf32, #tpu.memory_space<vmem_shared>>
        tpu.wait_dma2 semaphore(%run_scoped3A : memref<!tpu.dma_semaphore, #tpu.memory_space<semaphore_mem>>) src(%arg12 : memref<32x128xf32, #tpu.memory_space<vmem>>) dst(%dma_wait3A_39 : memref<32x128xf32, #tpu.memory_space<vmem_shared>>)
        tpu.yield
      }) : () -> ()
    }
    %scan3A_5 = arith.constant 20 : i32
    %broadcast_in_dim3A = arith.constant 0.000000e+00 : f32
    %broadcast_in_dim3A_6 = vector.broadcast %broadcast_in_dim3A : f32 to vector<16xf32>
    %scan3A_7 = arith.constant 0 : i32
    %scan3A_8 = arith.constant 0 : i32
    %scan3A_9 = arith.constant 640 : i32
    %scan3A_10 = arith.addi %scan3A_8, %scan3A_9 : i32
    %scan3A_11 = arith.constant 1 : i32
    scf.for %scan3A_28 = %scan3A_8 to %scan3A_10 step %scan3A_11  : i32 {
      %mul3A_29 = arith.constant 16 : i32
      %mul3A_30 = arith.muli %scan3A_28, %mul3A_29 : i32
      %swap3A = arith.index_cast %mul3A_30 : i32 to index
      %swap3A_31 = tpu.vector_load %arg11[%swap3A] {strides = array<i32>} : memref<10240xf32, #tpu.memory_space<vmem>>, vector<16xf32>,
      tpu.vector_store %arg11[%swap3A], %broadcast_in_dim3A_6 {strides = array<i32>} : memref<10240xf32, #tpu.memory_space<vmem>>, vector<16xf32>,
    }
    %scan3A_12 = arith.constant 640 : i32
    %barrier3A = arith.constant 0 : index
    tpu.barrier barrier_id(%barrier3A)
    %broadcast_in_dim3A_13 = arith.constant 1.000000e+00 : f32
    %broadcast_in_dim3A_14 = vector.broadcast %broadcast_in_dim3A_13 : f32 to vector<16xf32>
    %scan3A_15 = arith.constant 0 : i32
    %scan3A_16 = arith.constant 0 : i32
    %scan3A_17 = arith.constant 2 : i32
    %scan3A_18 = arith.addi %scan3A_16, %scan3A_17 : i32
    %scan3A_19 = arith.constant 1 : i32
    scf.for %scan3A_28 = %scan3A_16 to %scan3A_18 step %scan3A_19  : i32 {
      "tpu.region"() ({
        %run_scoped3A_64 = tpu.sem_alloc : memref<!tpu.dma_semaphore, #tpu.memory_space<semaphore_mem>>
        %dma_start3A = arith.constant 0 : i32
        %dma_start3A_65 = arith.constant 0 : i32
        %dma_start3A_66 = arith.constant 0 : i32
        %dma_start3A_67 = tpu.memref_slice %arg3[%add3A, %dma_start3A, %dma_start3A_65, %dma_start3A_66] : memref<32x2x31x80xi32, #tpu.memory_space<hbm>> -> memref<1x2x31x80xi32, #tpu.memory_space<hbm>>
        %dma_start3A_68 = tpu.memref_squeeze %dma_start3A_67 : memref<1x2x31x80xi32, #tpu.memory_space<hbm>> -> memref<2x31x80xi32, #tpu.memory_space<hbm>>
        %dma_start3A_69 = arith.constant 0 : i32
        %dma_start3A_70 = arith.constant 0 : i32
        %dma_start3A_71 = tpu.memref_slice %dma_start3A_68[%scan3A_28, %dma_start3A_69, %dma_start3A_70] : memref<2x31x80xi32, #tpu.memory_space<hbm>> -> memref<1x31x80xi32, #tpu.memory_space<hbm>>
        %dma_start3A_72 = tpu.memref_squeeze %dma_start3A_71 : memref<1x31x80xi32, #tpu.memory_space<hbm>> -> memref<31x80xi32, #tpu.memory_space<hbm>>
        %dma_start3A_73 = arith.constant 0 : i32
        %dma_start3A_74 = arith.constant 0 : i32
        %dma_start3A_75 = arith.constant 0 : i32
        %dma_start3A_76 = tpu.memref_slice %arg3[%add3A, %dma_start3A_73, %dma_start3A_74, %dma_start3A_75] : memref<32x2x31x80xi32, #tpu.memory_space<hbm>> -> memref<1x2x31x80xi32, #tpu.memory_space<hbm>>
        %dma_start3A_77 = tpu.memref_squeeze %dma_start3A_76 : memref<1x2x31x80xi32, #tpu.memory_space<hbm>> -> memref<2x31x80xi32, #tpu.memory_space<hbm>>
        %dma_start3A_78 = arith.constant 0 : i32
        %dma_start3A_79 = arith.constant 0 : i32
        %dma_start3A_80 = tpu.memref_slice %dma_start3A_77[%scan3A_28, %dma_start3A_78, %dma_start3A_79] : memref<2x31x80xi32, #tpu.memory_space<hbm>> -> memref<1x31x80xi32, #tpu.memory_space<hbm>>
        %dma_start3A_81 = tpu.memref_squeeze %dma_start3A_80 : memref<1x31x80xi32, #tpu.memory_space<hbm>> -> memref<31x80xi32, #tpu.memory_space<hbm>>
        tpu.enqueue_dma source(%dma_start3A_81 : memref<31x80xi32, #tpu.memory_space<hbm>>) target(%arg8 : memref<31x80xi32, #tpu.memory_space<vmem>>) target_semaphore(%run_scoped3A_64 : memref<!tpu.dma_semaphore, #tpu.memory_space<semaphore_mem>>)
        %dma_wait3A = arith.constant 0 : i32
        %dma_wait3A_82 = arith.constant 0 : i32
        %dma_wait3A_83 = arith.constant 0 : i32
        %dma_wait3A_84 = tpu.memref_slice %arg3[%add3A, %dma_wait3A, %dma_wait3A_82, %dma_wait3A_83] : memref<32x2x31x80xi32, #tpu.memory_space<hbm>> -> memref<1x2x31x80xi32, #tpu.memory_space<hbm>>
        %dma_wait3A_85 = tpu.memref_squeeze %dma_wait3A_84 : memref<1x2x31x80xi32, #tpu.memory_space<hbm>> -> memref<2x31x80xi32, #tpu.memory_space<hbm>>
        %dma_wait3A_86 = arith.constant 0 : i32
        %dma_wait3A_87 = arith.constant 0 : i32
        %dma_wait3A_88 = tpu.memref_slice %dma_wait3A_85[%scan3A_28, %dma_wait3A_86, %dma_wait3A_87] : memref<2x31x80xi32, #tpu.memory_space<hbm>> -> memref<1x31x80xi32, #tpu.memory_space<hbm>>
        %dma_wait3A_89 = tpu.memref_squeeze %dma_wait3A_88 : memref<1x31x80xi32, #tpu.memory_space<hbm>> -> memref<31x80xi32, #tpu.memory_space<hbm>>
        %dma_wait3A_90 = arith.constant 0 : i32
        %dma_wait3A_91 = arith.constant 0 : i32
        %dma_wait3A_92 = arith.constant 0 : i32
        %dma_wait3A_93 = tpu.memref_slice %arg3[%add3A, %dma_wait3A_90, %dma_wait3A_91, %dma_wait3A_92] : memref<32x2x31x80xi32, #tpu.memory_space<hbm>> -> memref<1x2x31x80xi32, #tpu.memory_space<hbm>>
        %dma_wait3A_94 = tpu.memref_squeeze %dma_wait3A_93 : memref<1x2x31x80xi32, #tpu.memory_space<hbm>> -> memref<2x31x80xi32, #tpu.memory_space<hbm>>
        %dma_wait3A_95 = arith.constant 0 : i32
        %dma_wait3A_96 = arith.constant 0 : i32
        %dma_wait3A_97 = tpu.memref_slice %dma_wait3A_94[%scan3A_28, %dma_wait3A_95, %dma_wait3A_96] : memref<2x31x80xi32, #tpu.memory_space<hbm>> -> memref<1x31x80xi32, #tpu.memory_space<hbm>>
        %dma_wait3A_98 = tpu.memref_squeeze %dma_wait3A_97 : memref<1x31x80xi32, #tpu.memory_space<hbm>> -> memref<31x80xi32, #tpu.memory_space<hbm>>
        tpu.wait_dma2 semaphore(%run_scoped3A_64 : memref<!tpu.dma_semaphore, #tpu.memory_space<semaphore_mem>>) src(%dma_wait3A_98 : memref<31x80xi32, #tpu.memory_space<hbm>>) dst(%arg8 : memref<31x80xi32, #tpu.memory_space<vmem>>)
        tpu.yield
      }) : () -> ()
      %scan3A_29 = arith.constant 0 : i32
      %scan3A_30 = arith.constant 0 : i32
      %scan3A_31 = arith.constant 15 : i32
      %scan3A_32 = arith.addi %scan3A_30, %scan3A_31 : i32
      %scan3A_33 = arith.constant 1 : i32
      scf.for %scan3A_64 = %scan3A_30 to %scan3A_32 step %scan3A_33  : i32 {
        %mul3A_65 = arith.constant 31 : i32
        %mul3A_66 = arith.muli %scan3A_28, %mul3A_65 : i32
        %mul3A_67 = arith.constant 2 : i32
        %mul3A_68 = arith.muli %mul3A_67, %scan3A_64 : i32
        %add3A_69 = arith.addi %mul3A_66, %mul3A_68 : i32
        %mul3A_70 = arith.constant 4960 : i32
        %mul3A_71 = arith.muli %add3A, %mul3A_70 : i32
        %mul3A_72 = arith.constant 80 : i32
        %mul3A_73 = arith.muli %add3A_69, %mul3A_72 : i32
        %add3A_74 = arith.addi %mul3A_71, %mul3A_73 : i32
        %dma_start3A = arith.constant 0 : i32
        %dma_start3A_75 = tpu.memref_slice %arg2[%add3A_74, %dma_start3A] : memref<158720x128xf32, #tpu.memory_space<hbm>> -> memref<80x128xf32, #tpu.memory_space<hbm>>
        %dma_start3A_76 = arith.constant 0 : i32
        %dma_start3A_77 = tpu.memref_slice %arg2[%add3A_74, %dma_start3A_76] : memref<158720x128xf32, #tpu.memory_space<hbm>> -> memref<80x128xf32, #tpu.memory_space<hbm>>
        tpu.enqueue_dma source(%dma_start3A_77 : memref<80x128xf32, #tpu.memory_space<hbm>>) target(%arg9 : memref<80x128xf32, #tpu.memory_space<vmem>>) target_semaphore(%arg13 : memref<!tpu.dma_semaphore, #tpu.memory_space<semaphore_mem>>)
        %mul3A_78 = arith.constant 4960 : i32
        %mul3A_79 = arith.muli %add3A, %mul3A_78 : i32
        %add3A_80 = arith.constant 1 : i32
        %add3A_81 = arith.addi %add3A_69, %add3A_80 : i32
        %mul3A_82 = arith.constant 80 : i32
        %mul3A_83 = arith.muli %add3A_81, %mul3A_82 : i32
        %add3A_84 = arith.addi %mul3A_79, %mul3A_83 : i32
        %dma_start3A_85 = arith.constant 0 : i32
        %dma_start3A_86 = tpu.memref_slice %arg2[%add3A_84, %dma_start3A_85] : memref<158720x128xf32, #tpu.memory_space<hbm>> -> memref<80x128xf32, #tpu.memory_space<hbm>>
        %dma_start3A_87 = arith.constant 0 : i32
        %dma_start3A_88 = tpu.memref_slice %arg2[%add3A_84, %dma_start3A_87] : memref<158720x128xf32, #tpu.memory_space<hbm>> -> memref<80x128xf32, #tpu.memory_space<hbm>>
        tpu.enqueue_dma source(%dma_start3A_88 : memref<80x128xf32, #tpu.memory_space<hbm>>) target(%arg10 : memref<80x128xf32, #tpu.memory_space<vmem>>) target_semaphore(%arg14 : memref<!tpu.dma_semaphore, #tpu.memory_space<semaphore_mem>>)
        %dma_wait3A = arith.constant 0 : i32
        %dma_wait3A_89 = tpu.memref_slice %arg2[%add3A_74, %dma_wait3A] : memref<158720x128xf32, #tpu.memory_space<hbm>> -> memref<80x128xf32, #tpu.memory_space<hbm>>
        %dma_wait3A_90 = arith.constant 0 : i32
        %dma_wait3A_91 = tpu.memref_slice %arg2[%add3A_74, %dma_wait3A_90] : memref<158720x128xf32, #tpu.memory_space<hbm>> -> memref<80x128xf32, #tpu.memory_space<hbm>>
        tpu.wait_dma2 semaphore(%arg13 : memref<!tpu.dma_semaphore, #tpu.memory_space<semaphore_mem>>) src(%dma_wait3A_91 : memref<80x128xf32, #tpu.memory_space<hbm>>) dst(%arg9 : memref<80x128xf32, #tpu.memory_space<vmem>>)
        %mul3A_92 = arith.constant 2 : i32
        %mul3A_93 = arith.muli %mul3A_92, %scan3A_64 : i32
        %dma_start3A_94 = arith.constant 0 : i32
        %dma_start3A_95 = tpu.memref_slice %arg8[%mul3A_93, %dma_start3A_94] : memref<31x80xi32, #tpu.memory_space<vmem>> -> memref<1x80xi32, #tpu.memory_space<vmem>>
        %dma_start3A_96 = tpu.memref_squeeze %dma_start3A_95 : memref<1x80xi32, #tpu.memory_space<vmem>> -> memref<80xi32, #tpu.memory_space<vmem>>
        %dma_start3A_97 = arith.constant 0 : i32
        %dma_start3A_98 = arith.constant 0 : i32
        %dma_start3A_99 = tpu.memref_slice %arg7[%dma_start3A_97, %dma_start3A_98] : memref<10240x128xf32, #tpu.memory_space<vmem_shared>> -> memref<10240x128xf32, #tpu.memory_space<vmem_shared>>
        tpu.enqueue_indirect_dma source(%arg9 : memref<80x128xf32, #tpu.memory_space<vmem>>) target(%dma_start3A_99 : memref<10240x128xf32, #tpu.memory_space<vmem_shared>>) offsets(%dma_start3A_96 : memref<80xi32, #tpu.memory_space<vmem>>) semaphore(%arg15 : memref<!tpu.dma_semaphore, #tpu.memory_space<semaphore_mem>>) {add = true}
        %dma_wait3A_100 = arith.constant 0 : i32
        %dma_wait3A_101 = tpu.memref_slice %arg2[%add3A_84, %dma_wait3A_100] : memref<158720x128xf32, #tpu.memory_space<hbm>> -> memref<80x128xf32, #tpu.memory_space<hbm>>
        %dma_wait3A_102 = arith.constant 0 : i32
        %dma_wait3A_103 = tpu.memref_slice %arg2[%add3A_84, %dma_wait3A_102] : memref<158720x128xf32, #tpu.memory_space<hbm>> -> memref<80x128xf32, #tpu.memory_space<hbm>>
        tpu.wait_dma2 semaphore(%arg14 : memref<!tpu.dma_semaphore, #tpu.memory_space<semaphore_mem>>) src(%dma_wait3A_103 : memref<80x128xf32, #tpu.memory_space<hbm>>) dst(%arg10 : memref<80x128xf32, #tpu.memory_space<vmem>>)
        %mul3A_104 = arith.constant 2 : i32
        %mul3A_105 = arith.muli %mul3A_104, %scan3A_64 : i32
        %add3A_106 = arith.constant 1 : i32
        %add3A_107 = arith.addi %mul3A_105, %add3A_106 : i32
        %dma_start3A_108 = arith.constant 0 : i32
        %dma_start3A_109 = tpu.memref_slice %arg8[%add3A_107, %dma_start3A_108] : memref<31x80xi32, #tpu.memory_space<vmem>> -> memref<1x80xi32, #tpu.memory_space<vmem>>
        %dma_start3A_110 = tpu.memref_squeeze %dma_start3A_109 : memref<1x80xi32, #tpu.memory_space<vmem>> -> memref<80xi32, #tpu.memory_space<vmem>>
        %dma_start3A_111 = arith.constant 0 : i32
        %dma_start3A_112 = arith.constant 0 : i32
        %dma_start3A_113 = tpu.memref_slice %arg7[%dma_start3A_111, %dma_start3A_112] : memref<10240x128xf32, #tpu.memory_space<vmem_shared>> -> memref<10240x128xf32, #tpu.memory_space<vmem_shared>>
        tpu.enqueue_indirect_dma source(%arg10 : memref<80x128xf32, #tpu.memory_space<vmem>>) target(%dma_start3A_113 : memref<10240x128xf32, #tpu.memory_space<vmem_shared>>) offsets(%dma_start3A_110 : memref<80xi32, #tpu.memory_space<vmem>>) semaphore(%arg16 : memref<!tpu.dma_semaphore, #tpu.memory_space<semaphore_mem>>) {add = true}
        %mul3A_114 = arith.constant 2 : i32
        %mul3A_115 = arith.muli %mul3A_114, %scan3A_64 : i32
        %get3A_116 = arith.index_cast %mul3A_115 : i32 to index
        %get3A_117 = arith.constant 0 : index
        %get3A_118 = tpu.vector_load %arg8[%get3A_116, %get3A_117] {strides = array<i32>} : memref<31x80xi32, #tpu.memory_space<vmem>>, vector<16xi32>,
        tpu.vector_store_idx %arg11[%get3A_118], %broadcast_in_dim3A_14 {add = true} : memref<10240xf32, #tpu.memory_space<vmem>>[vector<16xi32>], vector<16xf32>,
        %get3A_119 = arith.index_cast %mul3A_115 : i32 to index
        %get3A_120 = arith.constant 16 : index
        %get3A_121 = tpu.vector_load %arg8[%get3A_119, %get3A_120] {strides = array<i32>} : memref<31x80xi32, #tpu.memory_space<vmem>>, vector<16xi32>,
        tpu.vector_store_idx %arg11[%get3A_121], %broadcast_in_dim3A_14 {add = true} : memref<10240xf32, #tpu.memory_space<vmem>>[vector<16xi32>], vector<16xf32>,
        %get3A_122 = arith.index_cast %mul3A_115 : i32 to index
        %get3A_123 = arith.constant 32 : index
        %get3A_124 = tpu.vector_load %arg8[%get3A_122, %get3A_123] {strides = array<i32>} : memref<31x80xi32, #tpu.memory_space<vmem>>, vector<16xi32>,
        tpu.vector_store_idx %arg11[%get3A_124], %broadcast_in_dim3A_14 {add = true} : memref<10240xf32, #tpu.memory_space<vmem>>[vector<16xi32>], vector<16xf32>,
        %get3A_125 = arith.index_cast %mul3A_115 : i32 to index
        %get3A_126 = arith.constant 48 : index
        %get3A_127 = tpu.vector_load %arg8[%get3A_125, %get3A_126] {strides = array<i32>} : memref<31x80xi32, #tpu.memory_space<vmem>>, vector<16xi32>,
        tpu.vector_store_idx %arg11[%get3A_127], %broadcast_in_dim3A_14 {add = true} : memref<10240xf32, #tpu.memory_space<vmem>>[vector<16xi32>], vector<16xf32>,
        %get3A_128 = arith.index_cast %mul3A_115 : i32 to index
        %get3A_129 = arith.constant 64 : index
        %get3A_130 = tpu.vector_load %arg8[%get3A_128, %get3A_129] {strides = array<i32>} : memref<31x80xi32, #tpu.memory_space<vmem>>, vector<16xi32>,
        tpu.vector_store_idx %arg11[%get3A_130], %broadcast_in_dim3A_14 {add = true} : memref<10240xf32, #tpu.memory_space<vmem>>[vector<16xi32>], vector<16xf32>,
        %mul3A_131 = arith.constant 2 : i32
        %mul3A_132 = arith.muli %mul3A_131, %scan3A_64 : i32
        %add3A_133 = arith.constant 1 : i32
        %add3A_134 = arith.addi %mul3A_132, %add3A_133 : i32
        %get3A_135 = arith.index_cast %add3A_134 : i32 to index
        %get3A_136 = arith.constant 0 : index
        %get3A_137 = tpu.vector_load %arg8[%get3A_135, %get3A_136] {strides = array<i32>} : memref<31x80xi32, #tpu.memory_space<vmem>>, vector<16xi32>,
        tpu.vector_store_idx %arg11[%get3A_137], %broadcast_in_dim3A_14 {add = true} : memref<10240xf32, #tpu.memory_space<vmem>>[vector<16xi32>], vector<16xf32>,
        %get3A_138 = arith.index_cast %add3A_134 : i32 to index
        %get3A_139 = arith.constant 16 : index
        %get3A_140 = tpu.vector_load %arg8[%get3A_138, %get3A_139] {strides = array<i32>} : memref<31x80xi32, #tpu.memory_space<vmem>>, vector<16xi32>,
        tpu.vector_store_idx %arg11[%get3A_140], %broadcast_in_dim3A_14 {add = true} : memref<10240xf32, #tpu.memory_space<vmem>>[vector<16xi32>], vector<16xf32>,
        %get3A_141 = arith.index_cast %add3A_134 : i32 to index
        %get3A_142 = arith.constant 32 : index
        %get3A_143 = tpu.vector_load %arg8[%get3A_141, %get3A_142] {strides = array<i32>} : memref<31x80xi32, #tpu.memory_space<vmem>>, vector<16xi32>,
        tpu.vector_store_idx %arg11[%get3A_143], %broadcast_in_dim3A_14 {add = true} : memref<10240xf32, #tpu.memory_space<vmem>>[vector<16xi32>], vector<16xf32>,
        %get3A_144 = arith.index_cast %add3A_134 : i32 to index
        %get3A_145 = arith.constant 48 : index
        %get3A_146 = tpu.vector_load %arg8[%get3A_144, %get3A_145] {strides = array<i32>} : memref<31x80xi32, #tpu.memory_space<vmem>>, vector<16xi32>,
        tpu.vector_store_idx %arg11[%get3A_146], %broadcast_in_dim3A_14 {add = true} : memref<10240xf32, #tpu.memory_space<vmem>>[vector<16xi32>], vector<16xf32>,
        %get3A_147 = arith.index_cast %add3A_134 : i32 to index
        %get3A_148 = arith.constant 64 : index
        %get3A_149 = tpu.vector_load %arg8[%get3A_147, %get3A_148] {strides = array<i32>} : memref<31x80xi32, #tpu.memory_space<vmem>>, vector<16xi32>,
        tpu.vector_store_idx %arg11[%get3A_149], %broadcast_in_dim3A_14 {add = true} : memref<10240xf32, #tpu.memory_space<vmem>>[vector<16xi32>], vector<16xf32>,
        %dma_wait3A_150 = arith.constant 0 : i32
        %dma_wait3A_151 = tpu.memref_slice %arg8[%mul3A_93, %dma_wait3A_150] : memref<31x80xi32, #tpu.memory_space<vmem>> -> memref<1x80xi32, #tpu.memory_space<vmem>>
        %dma_wait3A_152 = tpu.memref_squeeze %dma_wait3A_151 : memref<1x80xi32, #tpu.memory_space<vmem>> -> memref<80xi32, #tpu.memory_space<vmem>>
        %dma_wait3A_153 = arith.constant 0 : i32
        %dma_wait3A_154 = arith.constant 0 : i32
        %dma_wait3A_155 = tpu.memref_slice %arg7[%dma_wait3A_153, %dma_wait3A_154] : memref<10240x128xf32, #tpu.memory_space<vmem_shared>> -> memref<10240x128xf32, #tpu.memory_space<vmem_shared>>
        tpu.wait_indirect_dma semaphore(%arg15 : memref<!tpu.dma_semaphore, #tpu.memory_space<semaphore_mem>>) src(%arg9 : memref<80x128xf32, #tpu.memory_space<vmem>>) dst(%dma_wait3A_155 : memref<10240x128xf32, #tpu.memory_space<vmem_shared>>)
        %dma_wait3A_156 = arith.constant 0 : i32
        %dma_wait3A_157 = tpu.memref_slice %arg8[%add3A_107, %dma_wait3A_156] : memref<31x80xi32, #tpu.memory_space<vmem>> -> memref<1x80xi32, #tpu.memory_space<vmem>>
        %dma_wait3A_158 = tpu.memref_squeeze %dma_wait3A_157 : memref<1x80xi32, #tpu.memory_space<vmem>> -> memref<80xi32, #tpu.memory_space<vmem>>
        %dma_wait3A_159 = arith.constant 0 : i32
        %dma_wait3A_160 = arith.constant 0 : i32
        %dma_wait3A_161 = tpu.memref_slice %arg7[%dma_wait3A_159, %dma_wait3A_160] : memref<10240x128xf32, #tpu.memory_space<vmem_shared>> -> memref<10240x128xf32, #tpu.memory_space<vmem_shared>>
        tpu.wait_indirect_dma semaphore(%arg16 : memref<!tpu.dma_semaphore, #tpu.memory_space<semaphore_mem>>) src(%arg10 : memref<80x128xf32, #tpu.memory_space<vmem>>) dst(%dma_wait3A_161 : memref<10240x128xf32, #tpu.memory_space<vmem_shared>>)
      }
      %scan3A_34 = arith.constant 15 : i32
      %mul3A_35 = arith.constant 31 : i32
      %mul3A_36 = arith.muli %scan3A_28, %mul3A_35 : i32
      %add3A_37 = arith.constant 31 : i32
      %add3A_38 = arith.addi %mul3A_36, %add3A_37 : i32
      %sub3A = arith.constant 1 : i32
      %sub3A_39 = arith.subi %add3A_38, %sub3A : i32
      %mul3A_40 = arith.constant 4960 : i32
      %mul3A_41 = arith.muli %add3A, %mul3A_40 : i32
      %mul3A_42 = arith.constant 80 : i32
      %mul3A_43 = arith.muli %sub3A_39, %mul3A_42 : i32
      %add3A_44 = arith.addi %mul3A_41, %mul3A_43 : i32
      "tpu.region"() ({
        %run_scoped3A_64 = tpu.sem_alloc : memref<!tpu.dma_semaphore, #tpu.memory_space<semaphore_mem>>
        %dma_start3A = arith.constant 0 : i32
        %dma_start3A_65 = tpu.memref_slice %arg2[%add3A_44, %dma_start3A] : memref<158720x128xf32, #tpu.memory_space<hbm>> -> memref<80x128xf32, #tpu.memory_space<hbm>>
        %dma_start3A_66 = arith.constant 0 : i32
        %dma_start3A_67 = tpu.memref_slice %arg2[%add3A_44, %dma_start3A_66] : memref<158720x128xf32, #tpu.memory_space<hbm>> -> memref<80x128xf32, #tpu.memory_space<hbm>>
        tpu.enqueue_dma source(%dma_start3A_67 : memref<80x128xf32, #tpu.memory_space<hbm>>) target(%arg9 : memref<80x128xf32, #tpu.memory_space<vmem>>) target_semaphore(%run_scoped3A_64 : memref<!tpu.dma_semaphore, #tpu.memory_space<semaphore_mem>>)
        %dma_wait3A = arith.constant 0 : i32
        %dma_wait3A_68 = tpu.memref_slice %arg2[%add3A_44, %dma_wait3A] : memref<158720x128xf32, #tpu.memory_space<hbm>> -> memref<80x128xf32, #tpu.memory_space<hbm>>
        %dma_wait3A_69 = arith.constant 0 : i32
        %dma_wait3A_70 = tpu.memref_slice %arg2[%add3A_44, %dma_wait3A_69] : memref<158720x128xf32, #tpu.memory_space<hbm>> -> memref<80x128xf32, #tpu.memory_space<hbm>>
        tpu.wait_dma2 semaphore(%run_scoped3A_64 : memref<!tpu.dma_semaphore, #tpu.memory_space<semaphore_mem>>) src(%dma_wait3A_70 : memref<80x128xf32, #tpu.memory_space<hbm>>) dst(%arg9 : memref<80x128xf32, #tpu.memory_space<vmem>>)
        tpu.yield
      }) : () -> ()
      %run_scoped3A = arith.constant 30 : i32
      "tpu.region"() ({
        %run_scoped3A_64 = tpu.sem_alloc : memref<!tpu.dma_semaphore, #tpu.memory_space<semaphore_mem>>
        %dma_start3A = arith.constant 0 : i32
        %dma_start3A_65 = tpu.memref_slice %arg8[%run_scoped3A, %dma_start3A] : memref<31x80xi32, #tpu.memory_space<vmem>> -> memref<1x80xi32, #tpu.memory_space<vmem>>
        %dma_start3A_66 = tpu.memref_squeeze %dma_start3A_65 : memref<1x80xi32, #tpu.memory_space<vmem>> -> memref<80xi32, #tpu.memory_space<vmem>>
        %dma_start3A_67 = arith.constant 0 : i32
        %dma_start3A_68 = arith.constant 0 : i32
        %dma_start3A_69 = tpu.memref_slice %arg7[%dma_start3A_67, %dma_start3A_68] : memref<10240x128xf32, #tpu.memory_space<vmem_shared>> -> memref<10240x128xf32, #tpu.memory_space<vmem_shared>>
        tpu.enqueue_indirect_dma source(%arg9 : memref<80x128xf32, #tpu.memory_space<vmem>>) target(%dma_start3A_69 : memref<10240x128xf32, #tpu.memory_space<vmem_shared>>) offsets(%dma_start3A_66 : memref<80xi32, #tpu.memory_space<vmem>>) semaphore(%run_scoped3A_64 : memref<!tpu.dma_semaphore, #tpu.memory_space<semaphore_mem>>) {add = true}
        %dma_wait3A = arith.constant 0 : i32
        %dma_wait3A_70 = tpu.memref_slice %arg8[%run_scoped3A, %dma_wait3A] : memref<31x80xi32, #tpu.memory_space<vmem>> -> memref<1x80xi32, #tpu.memory_space<vmem>>
        %dma_wait3A_71 = tpu.memref_squeeze %dma_wait3A_70 : memref<1x80xi32, #tpu.memory_space<vmem>> -> memref<80xi32, #tpu.memory_space<vmem>>
        %dma_wait3A_72 = arith.constant 0 : i32
        %dma_wait3A_73 = arith.constant 0 : i32
        %dma_wait3A_74 = tpu.memref_slice %arg7[%dma_wait3A_72, %dma_wait3A_73] : memref<10240x128xf32, #tpu.memory_space<vmem_shared>> -> memref<10240x128xf32, #tpu.memory_space<vmem_shared>>
        tpu.wait_indirect_dma semaphore(%run_scoped3A_64 : memref<!tpu.dma_semaphore, #tpu.memory_space<semaphore_mem>>) src(%arg9 : memref<80x128xf32, #tpu.memory_space<vmem>>) dst(%dma_wait3A_74 : memref<10240x128xf32, #tpu.memory_space<vmem_shared>>)
        tpu.yield
      }) : () -> ()
      %get3A = arith.constant 30 : i32
      %get3A_45 = arith.index_cast %get3A : i32 to index
      %get3A_46 = arith.constant 0 : index
      %get3A_47 = tpu.vector_load %arg8[%get3A_45, %get3A_46] {strides = array<i32>} : memref<31x80xi32, #tpu.memory_space<vmem>>, vector<16xi32>,
      tpu.vector_store_idx %arg11[%get3A_47], %broadcast_in_dim3A_14 {add = true} : memref<10240xf32, #tpu.memory_space<vmem>>[vector<16xi32>], vector<16xf32>,
      %get3A_48 = arith.constant 30 : i32
      %get3A_49 = arith.index_cast %get3A_48 : i32 to index
      %get3A_50 = arith.constant 16 : index
      %get3A_51 = tpu.vector_load %arg8[%get3A_49, %get3A_50] {strides = array<i32>} : memref<31x80xi32, #tpu.memory_space<vmem>>, vector<16xi32>,
      tpu.vector_store_idx %arg11[%get3A_51], %broadcast_in_dim3A_14 {add = true} : memref<10240xf32, #tpu.memory_space<vmem>>[vector<16xi32>], vector<16xf32>,
      %get3A_52 = arith.constant 30 : i32
      %get3A_53 = arith.index_cast %get3A_52 : i32 to index
      %get3A_54 = arith.constant 32 : index
      %get3A_55 = tpu.vector_load %arg8[%get3A_53, %get3A_54] {strides = array<i32>} : memref<31x80xi32, #tpu.memory_space<vmem>>, vector<16xi32>,
      tpu.vector_store_idx %arg11[%get3A_55], %broadcast_in_dim3A_14 {add = true} : memref<10240xf32, #tpu.memory_space<vmem>>[vector<16xi32>], vector<16xf32>,
      %get3A_56 = arith.constant 30 : i32
      %get3A_57 = arith.index_cast %get3A_56 : i32 to index
      %get3A_58 = arith.constant 48 : index
      %get3A_59 = tpu.vector_load %arg8[%get3A_57, %get3A_58] {strides = array<i32>} : memref<31x80xi32, #tpu.memory_space<vmem>>, vector<16xi32>,
      tpu.vector_store_idx %arg11[%get3A_59], %broadcast_in_dim3A_14 {add = true} : memref<10240xf32, #tpu.memory_space<vmem>>[vector<16xi32>], vector<16xf32>,
      %get3A_60 = arith.constant 30 : i32
      %get3A_61 = arith.index_cast %get3A_60 : i32 to index
      %get3A_62 = arith.constant 64 : index
      %get3A_63 = tpu.vector_load %arg8[%get3A_61, %get3A_62] {strides = array<i32>} : memref<31x80xi32, #tpu.memory_space<vmem>>, vector<16xi32>,
      tpu.vector_store_idx %arg11[%get3A_63], %broadcast_in_dim3A_14 {add = true} : memref<10240xf32, #tpu.memory_space<vmem>>[vector<16xi32>], vector<16xf32>,
    }
    %scan3A_20 = arith.constant 2 : i32
    %barrier3A_21 = arith.constant 0 : index
    tpu.barrier barrier_id(%barrier3A_21)
    %scan3A_22 = arith.constant 0 : i32
    %scan3A_23 = arith.constant 0 : i32
    %scan3A_24 = arith.constant 20 : i32
    %scan3A_25 = arith.addi %scan3A_23, %scan3A_24 : i32
    %scan3A_26 = arith.constant 1 : i32
    scf.for %scan3A_28 = %scan3A_23 to %scan3A_25 step %scan3A_26  : i32 {
      %mul3A_29 = arith.constant 640 : i32
      %mul3A_30 = arith.muli %arg1, %mul3A_29 : i32
      %mul3A_31 = arith.constant 32 : i32
      %mul3A_32 = arith.muli %scan3A_28, %mul3A_31 : i32
      %add3A_33 = arith.addi %mul3A_30, %mul3A_32 : i32
      "tpu.region"() ({
        %run_scoped3A = tpu.sem_alloc : memref<!tpu.dma_semaphore, #tpu.memory_space<semaphore_mem>>
        %dma_start3A = arith.constant 0 : i32
        %dma_start3A_34 = tpu.memref_slice %arg7[%add3A_33, %dma_start3A] : memref<10240x128xf32, #tpu.memory_space<vmem_shared>> -> memref<32x128xf32, #tpu.memory_space<vmem_shared>>
        %dma_start3A_35 = arith.constant 0 : i32
        %dma_start3A_36 = tpu.memref_slice %arg7[%add3A_33, %dma_start3A_35] : memref<10240x128xf32, #tpu.memory_space<vmem_shared>> -> memref<32x128xf32, #tpu.memory_space<vmem_shared>>
        tpu.enqueue_dma source(%dma_start3A_36 : memref<32x128xf32, #tpu.memory_space<vmem_shared>>) target(%arg12 : memref<32x128xf32, #tpu.memory_space<vmem>>) target_semaphore(%run_scoped3A : memref<!tpu.dma_semaphore, #tpu.memory_space<semaphore_mem>>)
        %dma_wait3A = arith.constant 0 : i32
        %dma_wait3A_37 = tpu.memref_slice %arg7[%add3A_33, %dma_wait3A] : memref<10240x128xf32, #tpu.memory_space<vmem_shared>> -> memref<32x128xf32, #tpu.memory_space<vmem_shared>>
        %dma_wait3A_38 = arith.constant 0 : i32
        %dma_wait3A_39 = tpu.memref_slice %arg7[%add3A_33, %dma_wait3A_38] : memref<10240x128xf32, #tpu.memory_space<vmem_shared>> -> memref<32x128xf32, #tpu.memory_space<vmem_shared>>
        tpu.wait_dma2 semaphore(%run_scoped3A : memref<!tpu.dma_semaphore, #tpu.memory_space<semaphore_mem>>) src(%dma_wait3A_39 : memref<32x128xf32, #tpu.memory_space<vmem_shared>>) dst(%arg12 : memref<32x128xf32, #tpu.memory_space<vmem>>)
        tpu.yield
      }) : () -> ()
      "tpu.region"() ({
        %run_scoped3A = tpu.sem_alloc : memref<!tpu.dma_semaphore, #tpu.memory_space<semaphore_mem>>
        %dma_start3A = arith.constant 0 : i32
        %dma_start3A_34 = arith.constant 0 : i32
        %dma_start3A_35 = tpu.memref_slice %arg5[%arg0, %dma_start3A, %dma_start3A_34] : memref<2x10240x128xf32, #tpu.memory_space<hbm>> -> memref<1x10240x128xf32, #tpu.memory_space<hbm>>
        %dma_start3A_36 = tpu.memref_squeeze %dma_start3A_35 : memref<1x10240x128xf32, #tpu.memory_space<hbm>> -> memref<10240x128xf32, #tpu.memory_space<hbm>>
        %dma_start3A_37 = arith.constant 0 : i32
        %dma_start3A_38 = tpu.memref_slice %dma_start3A_36[%add3A_33, %dma_start3A_37] : memref<10240x128xf32, #tpu.memory_space<hbm>> -> memref<32x128xf32, #tpu.memory_space<hbm>>
        %dma_start3A_39 = arith.constant 0 : i32
        %dma_start3A_40 = arith.constant 0 : i32
        %dma_start3A_41 = tpu.memref_slice %arg5[%arg0, %dma_start3A_39, %dma_start3A_40] : memref<2x10240x128xf32, #tpu.memory_space<hbm>> -> memref<1x10240x128xf32, #tpu.memory_space<hbm>>
        %dma_start3A_42 = tpu.memref_squeeze %dma_start3A_41 : memref<1x10240x128xf32, #tpu.memory_space<hbm>> -> memref<10240x128xf32, #tpu.memory_space<hbm>>
        %dma_start3A_43 = arith.constant 0 : i32
        %dma_start3A_44 = tpu.memref_slice %dma_start3A_42[%add3A_33, %dma_start3A_43] : memref<10240x128xf32, #tpu.memory_space<hbm>> -> memref<32x128xf32, #tpu.memory_space<hbm>>
        tpu.enqueue_dma source(%arg12 : memref<32x128xf32, #tpu.memory_space<vmem>>) target(%dma_start3A_44 : memref<32x128xf32, #tpu.memory_space<hbm>>) target_semaphore(%run_scoped3A : memref<!tpu.dma_semaphore, #tpu.memory_space<semaphore_mem>>)
        %dma_wait3A = arith.constant 0 : i32
        %dma_wait3A_45 = arith.constant 0 : i32
        %dma_wait3A_46 = tpu.memref_slice %arg5[%arg0, %dma_wait3A, %dma_wait3A_45] : memref<2x10240x128xf32, #tpu.memory_space<hbm>> -> memref<1x10240x128xf32, #tpu.memory_space<hbm>>
        %dma_wait3A_47 = tpu.memref_squeeze %dma_wait3A_46 : memref<1x10240x128xf32, #tpu.memory_space<hbm>> -> memref<10240x128xf32, #tpu.memory_space<hbm>>
        %dma_wait3A_48 = arith.constant 0 : i32
        %dma_wait3A_49 = tpu.memref_slice %dma_wait3A_47[%add3A_33, %dma_wait3A_48] : memref<10240x128xf32, #tpu.memory_space<hbm>> -> memref<32x128xf32, #tpu.memory_space<hbm>>
        %dma_wait3A_50 = arith.constant 0 : i32
        %dma_wait3A_51 = arith.constant 0 : i32
        %dma_wait3A_52 = tpu.memref_slice %arg5[%arg0, %dma_wait3A_50, %dma_wait3A_51] : memref<2x10240x128xf32, #tpu.memory_space<hbm>> -> memref<1x10240x128xf32, #tpu.memory_space<hbm>>
        %dma_wait3A_53 = tpu.memref_squeeze %dma_wait3A_52 : memref<1x10240x128xf32, #tpu.memory_space<hbm>> -> memref<10240x128xf32, #tpu.memory_space<hbm>>
        %dma_wait3A_54 = arith.constant 0 : i32
        %dma_wait3A_55 = tpu.memref_slice %dma_wait3A_53[%add3A_33, %dma_wait3A_54] : memref<10240x128xf32, #tpu.memory_space<hbm>> -> memref<32x128xf32, #tpu.memory_space<hbm>>
        tpu.wait_dma2 semaphore(%run_scoped3A : memref<!tpu.dma_semaphore, #tpu.memory_space<semaphore_mem>>) src(%arg12 : memref<32x128xf32, #tpu.memory_space<vmem>>) dst(%dma_wait3A_55 : memref<32x128xf32, #tpu.memory_space<hbm>>)
        tpu.yield
      }) : () -> ()
    }
    %scan3A_27 = arith.constant 20 : i32
    "tpu.region"() ({
      %run_scoped3A = tpu.sem_alloc : memref<!tpu.dma_semaphore, #tpu.memory_space<semaphore_mem>>
      %dma_start3A = arith.constant 0 : i32
      %dma_start3A_28 = tpu.memref_slice %arg6[%add3A, %dma_start3A] : memref<32x10240xf32, #tpu.memory_space<hbm>> -> memref<1x10240xf32, #tpu.memory_space<hbm>>
      %dma_start3A_29 = tpu.memref_squeeze %dma_start3A_28 : memref<1x10240xf32, #tpu.memory_space<hbm>> -> memref<10240xf32, #tpu.memory_space<hbm>>
      %dma_start3A_30 = arith.constant 0 : i32
      %dma_start3A_31 = tpu.memref_slice %arg6[%add3A, %dma_start3A_30] : memref<32x10240xf32, #tpu.memory_space<hbm>> -> memref<1x10240xf32, #tpu.memory_space<hbm>>
      %dma_start3A_32 = tpu.memref_squeeze %dma_start3A_31 : memref<1x10240xf32, #tpu.memory_space<hbm>> -> memref<10240xf32, #tpu.memory_space<hbm>>
      tpu.enqueue_dma source(%arg11 : memref<10240xf32, #tpu.memory_space<vmem>>) target(%dma_start3A_32 : memref<10240xf32, #tpu.memory_space<hbm>>) target_semaphore(%run_scoped3A : memref<!tpu.dma_semaphore, #tpu.memory_space<semaphore_mem>>)
      %dma_wait3A = arith.constant 0 : i32
      %dma_wait3A_33 = tpu.memref_slice %arg6[%add3A, %dma_wait3A] : memref<32x10240xf32, #tpu.memory_space<hbm>> -> memref<1x10240xf32, #tpu.memory_space<hbm>>
      %dma_wait3A_34 = tpu.memref_squeeze %dma_wait3A_33 : memref<1x10240xf32, #tpu.memory_space<hbm>> -> memref<10240xf32, #tpu.memory_space<hbm>>
      %dma_wait3A_35 = arith.constant 0 : i32
      %dma_wait3A_36 = tpu.memref_slice %arg6[%add3A, %dma_wait3A_35] : memref<32x10240xf32, #tpu.memory_space<hbm>> -> memref<1x10240xf32, #tpu.memory_space<hbm>>
      %dma_wait3A_37 = tpu.memref_squeeze %dma_wait3A_36 : memref<1x10240xf32, #tpu.memory_space<hbm>> -> memref<10240xf32, #tpu.memory_space<hbm>>
      tpu.wait_dma2 semaphore(%run_scoped3A : memref<!tpu.dma_semaphore, #tpu.memory_space<semaphore_mem>>) src(%arg11 : memref<10240xf32, #tpu.memory_space<vmem>>) dst(%dma_wait3A_37 : memref<10240xf32, #tpu.memory_space<hbm>>)
      tpu.yield
    }) : () -> ()
    return
  }
}

#map = affine_map<(d0, d1) -> (0, 0)>
#map1 = affine_map<(d0, d1) -> (0, 0, 0, 0)>
#map2 = affine_map<(d0, d1) -> (0, 0, 0)>
module attributes {stable_mosaic.version = 14 : i64} {
  func.func @scatter_k(%arg0: i32, %arg1: i32, %arg2: memref<161280x128xf32, #tpu.memory_space<hbm>>, %arg3: memref<32x3x21x80xi32, #tpu.memory_space<hbm>>, %arg4: memref<10240x128xf32, #tpu.memory_space<hbm>>, %arg5: memref<2x10240x128xf32, #tpu.memory_space<hbm>>, %arg6: memref<32x10240xf32, #tpu.memory_space<hbm>>, %arg7: memref<10240x128xf32, #tpu.memory_space<vmem_shared>>, %arg8: memref<21x80xi32, #tpu.memory_space<vmem>>, %arg9: memref<80x128xf32, #tpu.memory_space<vmem>>, %arg10: memref<80x128xf32, #tpu.memory_space<vmem>>, %arg11: memref<10240xf32, #tpu.memory_space<vmem>>, %arg12: memref<32x128xf32, #tpu.memory_space<vmem>>, %arg13: memref<!tpu.dma_semaphore, #tpu.memory_space<semaphore_mem>>, %arg14: memref<!tpu.dma_semaphore, #tpu.memory_space<semaphore_mem>>, %arg15: memref<!tpu.dma_semaphore, #tpu.memory_space<semaphore_mem>>, %arg16: memref<!tpu.dma_semaphore, #tpu.memory_space<semaphore_mem>>) attributes {dimension_semantics = [#tpu.dimension_semantics<core_parallel>, #tpu.dimension_semantics<subcore_parallel>], iteration_bounds = array<i64: 2, 16>, scalar_prefetch = 0 : i64, scratch_operands = 10 : i64, tpu.core_type = #tpu.core_type<sc_vector_subcore>, window_params = [{transform_indices = #map}, {transform_indices = #map1}, {transform_indices = #map}, {transform_indices = #map2}, {transform_indices = #map}]} {
    %mul3A = arith.constant 2 : i32
    %mul3A_0 = arith.muli %arg1, %mul3A : i32
    %add3A = arith.addi %mul3A_0, %arg0 : i32
    %scan3A = arith.constant 0 : i32
    %scan3A_1 = arith.constant 0 : i32
    %scan3A_2 = arith.constant 20 : i32
    %scan3A_3 = arith.addi %scan3A_1, %scan3A_2 : i32
    %scan3A_4 = arith.constant 1 : i32
    scf.for %scan3A_28 = %scan3A_1 to %scan3A_3 step %scan3A_4  : i32 {
      %mul3A_29 = arith.constant 640 : i32
      %mul3A_30 = arith.muli %arg1, %mul3A_29 : i32
      %mul3A_31 = arith.constant 32 : i32
      %mul3A_32 = arith.muli %scan3A_28, %mul3A_31 : i32
      %add3A_33 = arith.addi %mul3A_30, %mul3A_32 : i32
      "tpu.region"() ({
        %run_scoped3A = tpu.sem_alloc : memref<!tpu.dma_semaphore, #tpu.memory_space<semaphore_mem>>
        %dma_start3A = arith.constant 0 : i32
        %dma_start3A_34 = tpu.memref_slice %arg4[%add3A_33, %dma_start3A] : memref<10240x128xf32, #tpu.memory_space<hbm>> -> memref<32x128xf32, #tpu.memory_space<hbm>>
        %dma_start3A_35 = arith.constant 0 : i32
        %dma_start3A_36 = tpu.memref_slice %arg4[%add3A_33, %dma_start3A_35] : memref<10240x128xf32, #tpu.memory_space<hbm>> -> memref<32x128xf32, #tpu.memory_space<hbm>>
        tpu.enqueue_dma source(%dma_start3A_36 : memref<32x128xf32, #tpu.memory_space<hbm>>) target(%arg12 : memref<32x128xf32, #tpu.memory_space<vmem>>) target_semaphore(%run_scoped3A : memref<!tpu.dma_semaphore, #tpu.memory_space<semaphore_mem>>)
        %dma_wait3A = arith.constant 0 : i32
        %dma_wait3A_37 = tpu.memref_slice %arg4[%add3A_33, %dma_wait3A] : memref<10240x128xf32, #tpu.memory_space<hbm>> -> memref<32x128xf32, #tpu.memory_space<hbm>>
        %dma_wait3A_38 = arith.constant 0 : i32
        %dma_wait3A_39 = tpu.memref_slice %arg4[%add3A_33, %dma_wait3A_38] : memref<10240x128xf32, #tpu.memory_space<hbm>> -> memref<32x128xf32, #tpu.memory_space<hbm>>
        tpu.wait_dma2 semaphore(%run_scoped3A : memref<!tpu.dma_semaphore, #tpu.memory_space<semaphore_mem>>) src(%dma_wait3A_39 : memref<32x128xf32, #tpu.memory_space<hbm>>) dst(%arg12 : memref<32x128xf32, #tpu.memory_space<vmem>>)
        tpu.yield
      }) : () -> ()
      "tpu.region"() ({
        %run_scoped3A = tpu.sem_alloc : memref<!tpu.dma_semaphore, #tpu.memory_space<semaphore_mem>>
        %dma_start3A = arith.constant 0 : i32
        %dma_start3A_34 = tpu.memref_slice %arg7[%add3A_33, %dma_start3A] : memref<10240x128xf32, #tpu.memory_space<vmem_shared>> -> memref<32x128xf32, #tpu.memory_space<vmem_shared>>
        %dma_start3A_35 = arith.constant 0 : i32
        %dma_start3A_36 = tpu.memref_slice %arg7[%add3A_33, %dma_start3A_35] : memref<10240x128xf32, #tpu.memory_space<vmem_shared>> -> memref<32x128xf32, #tpu.memory_space<vmem_shared>>
        tpu.enqueue_dma source(%arg12 : memref<32x128xf32, #tpu.memory_space<vmem>>) target(%dma_start3A_36 : memref<32x128xf32, #tpu.memory_space<vmem_shared>>) target_semaphore(%run_scoped3A : memref<!tpu.dma_semaphore, #tpu.memory_space<semaphore_mem>>)
        %dma_wait3A = arith.constant 0 : i32
        %dma_wait3A_37 = tpu.memref_slice %arg7[%add3A_33, %dma_wait3A] : memref<10240x128xf32, #tpu.memory_space<vmem_shared>> -> memref<32x128xf32, #tpu.memory_space<vmem_shared>>
        %dma_wait3A_38 = arith.constant 0 : i32
        %dma_wait3A_39 = tpu.memref_slice %arg7[%add3A_33, %dma_wait3A_38] : memref<10240x128xf32, #tpu.memory_space<vmem_shared>> -> memref<32x128xf32, #tpu.memory_space<vmem_shared>>
        tpu.wait_dma2 semaphore(%run_scoped3A : memref<!tpu.dma_semaphore, #tpu.memory_space<semaphore_mem>>) src(%arg12 : memref<32x128xf32, #tpu.memory_space<vmem>>) dst(%dma_wait3A_39 : memref<32x128xf32, #tpu.memory_space<vmem_shared>>)
        tpu.yield
      }) : () -> ()
    }
    %scan3A_5 = arith.constant 20 : i32
    %broadcast_in_dim3A = arith.constant 0.000000e+00 : f32
    %broadcast_in_dim3A_6 = vector.broadcast %broadcast_in_dim3A : f32 to vector<16xf32>
    %scan3A_7 = arith.constant 0 : i32
    %scan3A_8 = arith.constant 0 : i32
    %scan3A_9 = arith.constant 640 : i32
    %scan3A_10 = arith.addi %scan3A_8, %scan3A_9 : i32
    %scan3A_11 = arith.constant 1 : i32
    scf.for %scan3A_28 = %scan3A_8 to %scan3A_10 step %scan3A_11  : i32 {
      %mul3A_29 = arith.constant 16 : i32
      %mul3A_30 = arith.muli %scan3A_28, %mul3A_29 : i32
      %swap3A = arith.index_cast %mul3A_30 : i32 to index
      %swap3A_31 = tpu.vector_load %arg11[%swap3A] {strides = array<i32>} : memref<10240xf32, #tpu.memory_space<vmem>>, vector<16xf32>,
      tpu.vector_store %arg11[%swap3A], %broadcast_in_dim3A_6 {strides = array<i32>} : memref<10240xf32, #tpu.memory_space<vmem>>, vector<16xf32>,
    }
    %scan3A_12 = arith.constant 640 : i32
    %barrier3A = arith.constant 0 : index
    tpu.barrier barrier_id(%barrier3A)
    %broadcast_in_dim3A_13 = arith.constant 1.000000e+00 : f32
    %broadcast_in_dim3A_14 = vector.broadcast %broadcast_in_dim3A_13 : f32 to vector<16xf32>
    %scan3A_15 = arith.constant 0 : i32
    %scan3A_16 = arith.constant 0 : i32
    %scan3A_17 = arith.constant 3 : i32
    %scan3A_18 = arith.addi %scan3A_16, %scan3A_17 : i32
    %scan3A_19 = arith.constant 1 : i32
    scf.for %scan3A_28 = %scan3A_16 to %scan3A_18 step %scan3A_19  : i32 {
      "tpu.region"() ({
        %run_scoped3A_64 = tpu.sem_alloc : memref<!tpu.dma_semaphore, #tpu.memory_space<semaphore_mem>>
        %dma_start3A = arith.constant 0 : i32
        %dma_start3A_65 = arith.constant 0 : i32
        %dma_start3A_66 = arith.constant 0 : i32
        %dma_start3A_67 = tpu.memref_slice %arg3[%add3A, %dma_start3A, %dma_start3A_65, %dma_start3A_66] : memref<32x3x21x80xi32, #tpu.memory_space<hbm>> -> memref<1x3x21x80xi32, #tpu.memory_space<hbm>>
        %dma_start3A_68 = tpu.memref_squeeze %dma_start3A_67 : memref<1x3x21x80xi32, #tpu.memory_space<hbm>> -> memref<3x21x80xi32, #tpu.memory_space<hbm>>
        %dma_start3A_69 = arith.constant 0 : i32
        %dma_start3A_70 = arith.constant 0 : i32
        %dma_start3A_71 = tpu.memref_slice %dma_start3A_68[%scan3A_28, %dma_start3A_69, %dma_start3A_70] : memref<3x21x80xi32, #tpu.memory_space<hbm>> -> memref<1x21x80xi32, #tpu.memory_space<hbm>>
        %dma_start3A_72 = tpu.memref_squeeze %dma_start3A_71 : memref<1x21x80xi32, #tpu.memory_space<hbm>> -> memref<21x80xi32, #tpu.memory_space<hbm>>
        %dma_start3A_73 = arith.constant 0 : i32
        %dma_start3A_74 = arith.constant 0 : i32
        %dma_start3A_75 = arith.constant 0 : i32
        %dma_start3A_76 = tpu.memref_slice %arg3[%add3A, %dma_start3A_73, %dma_start3A_74, %dma_start3A_75] : memref<32x3x21x80xi32, #tpu.memory_space<hbm>> -> memref<1x3x21x80xi32, #tpu.memory_space<hbm>>
        %dma_start3A_77 = tpu.memref_squeeze %dma_start3A_76 : memref<1x3x21x80xi32, #tpu.memory_space<hbm>> -> memref<3x21x80xi32, #tpu.memory_space<hbm>>
        %dma_start3A_78 = arith.constant 0 : i32
        %dma_start3A_79 = arith.constant 0 : i32
        %dma_start3A_80 = tpu.memref_slice %dma_start3A_77[%scan3A_28, %dma_start3A_78, %dma_start3A_79] : memref<3x21x80xi32, #tpu.memory_space<hbm>> -> memref<1x21x80xi32, #tpu.memory_space<hbm>>
        %dma_start3A_81 = tpu.memref_squeeze %dma_start3A_80 : memref<1x21x80xi32, #tpu.memory_space<hbm>> -> memref<21x80xi32, #tpu.memory_space<hbm>>
        tpu.enqueue_dma source(%dma_start3A_81 : memref<21x80xi32, #tpu.memory_space<hbm>>) target(%arg8 : memref<21x80xi32, #tpu.memory_space<vmem>>) target_semaphore(%run_scoped3A_64 : memref<!tpu.dma_semaphore, #tpu.memory_space<semaphore_mem>>)
        %dma_wait3A = arith.constant 0 : i32
        %dma_wait3A_82 = arith.constant 0 : i32
        %dma_wait3A_83 = arith.constant 0 : i32
        %dma_wait3A_84 = tpu.memref_slice %arg3[%add3A, %dma_wait3A, %dma_wait3A_82, %dma_wait3A_83] : memref<32x3x21x80xi32, #tpu.memory_space<hbm>> -> memref<1x3x21x80xi32, #tpu.memory_space<hbm>>
        %dma_wait3A_85 = tpu.memref_squeeze %dma_wait3A_84 : memref<1x3x21x80xi32, #tpu.memory_space<hbm>> -> memref<3x21x80xi32, #tpu.memory_space<hbm>>
        %dma_wait3A_86 = arith.constant 0 : i32
        %dma_wait3A_87 = arith.constant 0 : i32
        %dma_wait3A_88 = tpu.memref_slice %dma_wait3A_85[%scan3A_28, %dma_wait3A_86, %dma_wait3A_87] : memref<3x21x80xi32, #tpu.memory_space<hbm>> -> memref<1x21x80xi32, #tpu.memory_space<hbm>>
        %dma_wait3A_89 = tpu.memref_squeeze %dma_wait3A_88 : memref<1x21x80xi32, #tpu.memory_space<hbm>> -> memref<21x80xi32, #tpu.memory_space<hbm>>
        %dma_wait3A_90 = arith.constant 0 : i32
        %dma_wait3A_91 = arith.constant 0 : i32
        %dma_wait3A_92 = arith.constant 0 : i32
        %dma_wait3A_93 = tpu.memref_slice %arg3[%add3A, %dma_wait3A_90, %dma_wait3A_91, %dma_wait3A_92] : memref<32x3x21x80xi32, #tpu.memory_space<hbm>> -> memref<1x3x21x80xi32, #tpu.memory_space<hbm>>
        %dma_wait3A_94 = tpu.memref_squeeze %dma_wait3A_93 : memref<1x3x21x80xi32, #tpu.memory_space<hbm>> -> memref<3x21x80xi32, #tpu.memory_space<hbm>>
        %dma_wait3A_95 = arith.constant 0 : i32
        %dma_wait3A_96 = arith.constant 0 : i32
        %dma_wait3A_97 = tpu.memref_slice %dma_wait3A_94[%scan3A_28, %dma_wait3A_95, %dma_wait3A_96] : memref<3x21x80xi32, #tpu.memory_space<hbm>> -> memref<1x21x80xi32, #tpu.memory_space<hbm>>
        %dma_wait3A_98 = tpu.memref_squeeze %dma_wait3A_97 : memref<1x21x80xi32, #tpu.memory_space<hbm>> -> memref<21x80xi32, #tpu.memory_space<hbm>>
        tpu.wait_dma2 semaphore(%run_scoped3A_64 : memref<!tpu.dma_semaphore, #tpu.memory_space<semaphore_mem>>) src(%dma_wait3A_98 : memref<21x80xi32, #tpu.memory_space<hbm>>) dst(%arg8 : memref<21x80xi32, #tpu.memory_space<vmem>>)
        tpu.yield
      }) : () -> ()
      %scan3A_29 = arith.constant 0 : i32
      %scan3A_30 = arith.constant 0 : i32
      %scan3A_31 = arith.constant 10 : i32
      %scan3A_32 = arith.addi %scan3A_30, %scan3A_31 : i32
      %scan3A_33 = arith.constant 1 : i32
      scf.for %scan3A_64 = %scan3A_30 to %scan3A_32 step %scan3A_33  : i32 {
        %mul3A_65 = arith.constant 21 : i32
        %mul3A_66 = arith.muli %scan3A_28, %mul3A_65 : i32
        %mul3A_67 = arith.constant 2 : i32
        %mul3A_68 = arith.muli %mul3A_67, %scan3A_64 : i32
        %add3A_69 = arith.addi %mul3A_66, %mul3A_68 : i32
        %mul3A_70 = arith.constant 5040 : i32
        %mul3A_71 = arith.muli %add3A, %mul3A_70 : i32
        %mul3A_72 = arith.constant 80 : i32
        %mul3A_73 = arith.muli %add3A_69, %mul3A_72 : i32
        %add3A_74 = arith.addi %mul3A_71, %mul3A_73 : i32
        %dma_start3A = arith.constant 0 : i32
        %dma_start3A_75 = tpu.memref_slice %arg2[%add3A_74, %dma_start3A] : memref<161280x128xf32, #tpu.memory_space<hbm>> -> memref<80x128xf32, #tpu.memory_space<hbm>>
        %dma_start3A_76 = arith.constant 0 : i32
        %dma_start3A_77 = tpu.memref_slice %arg2[%add3A_74, %dma_start3A_76] : memref<161280x128xf32, #tpu.memory_space<hbm>> -> memref<80x128xf32, #tpu.memory_space<hbm>>
        tpu.enqueue_dma source(%dma_start3A_77 : memref<80x128xf32, #tpu.memory_space<hbm>>) target(%arg9 : memref<80x128xf32, #tpu.memory_space<vmem>>) target_semaphore(%arg13 : memref<!tpu.dma_semaphore, #tpu.memory_space<semaphore_mem>>)
        %mul3A_78 = arith.constant 5040 : i32
        %mul3A_79 = arith.muli %add3A, %mul3A_78 : i32
        %add3A_80 = arith.constant 1 : i32
        %add3A_81 = arith.addi %add3A_69, %add3A_80 : i32
        %mul3A_82 = arith.constant 80 : i32
        %mul3A_83 = arith.muli %add3A_81, %mul3A_82 : i32
        %add3A_84 = arith.addi %mul3A_79, %mul3A_83 : i32
        %dma_start3A_85 = arith.constant 0 : i32
        %dma_start3A_86 = tpu.memref_slice %arg2[%add3A_84, %dma_start3A_85] : memref<161280x128xf32, #tpu.memory_space<hbm>> -> memref<80x128xf32, #tpu.memory_space<hbm>>
        %dma_start3A_87 = arith.constant 0 : i32
        %dma_start3A_88 = tpu.memref_slice %arg2[%add3A_84, %dma_start3A_87] : memref<161280x128xf32, #tpu.memory_space<hbm>> -> memref<80x128xf32, #tpu.memory_space<hbm>>
        tpu.enqueue_dma source(%dma_start3A_88 : memref<80x128xf32, #tpu.memory_space<hbm>>) target(%arg10 : memref<80x128xf32, #tpu.memory_space<vmem>>) target_semaphore(%arg14 : memref<!tpu.dma_semaphore, #tpu.memory_space<semaphore_mem>>)
        %dma_wait3A = arith.constant 0 : i32
        %dma_wait3A_89 = tpu.memref_slice %arg2[%add3A_74, %dma_wait3A] : memref<161280x128xf32, #tpu.memory_space<hbm>> -> memref<80x128xf32, #tpu.memory_space<hbm>>
        %dma_wait3A_90 = arith.constant 0 : i32
        %dma_wait3A_91 = tpu.memref_slice %arg2[%add3A_74, %dma_wait3A_90] : memref<161280x128xf32, #tpu.memory_space<hbm>> -> memref<80x128xf32, #tpu.memory_space<hbm>>
        tpu.wait_dma2 semaphore(%arg13 : memref<!tpu.dma_semaphore, #tpu.memory_space<semaphore_mem>>) src(%dma_wait3A_91 : memref<80x128xf32, #tpu.memory_space<hbm>>) dst(%arg9 : memref<80x128xf32, #tpu.memory_space<vmem>>)
        %mul3A_92 = arith.constant 2 : i32
        %mul3A_93 = arith.muli %mul3A_92, %scan3A_64 : i32
        %dma_start3A_94 = arith.constant 0 : i32
        %dma_start3A_95 = tpu.memref_slice %arg8[%mul3A_93, %dma_start3A_94] : memref<21x80xi32, #tpu.memory_space<vmem>> -> memref<1x80xi32, #tpu.memory_space<vmem>>
        %dma_start3A_96 = tpu.memref_squeeze %dma_start3A_95 : memref<1x80xi32, #tpu.memory_space<vmem>> -> memref<80xi32, #tpu.memory_space<vmem>>
        %dma_start3A_97 = arith.constant 0 : i32
        %dma_start3A_98 = arith.constant 0 : i32
        %dma_start3A_99 = tpu.memref_slice %arg7[%dma_start3A_97, %dma_start3A_98] : memref<10240x128xf32, #tpu.memory_space<vmem_shared>> -> memref<10240x128xf32, #tpu.memory_space<vmem_shared>>
        tpu.enqueue_indirect_dma source(%arg9 : memref<80x128xf32, #tpu.memory_space<vmem>>) target(%dma_start3A_99 : memref<10240x128xf32, #tpu.memory_space<vmem_shared>>) offsets(%dma_start3A_96 : memref<80xi32, #tpu.memory_space<vmem>>) semaphore(%arg15 : memref<!tpu.dma_semaphore, #tpu.memory_space<semaphore_mem>>) {add = true}
        %dma_wait3A_100 = arith.constant 0 : i32
        %dma_wait3A_101 = tpu.memref_slice %arg2[%add3A_84, %dma_wait3A_100] : memref<161280x128xf32, #tpu.memory_space<hbm>> -> memref<80x128xf32, #tpu.memory_space<hbm>>
        %dma_wait3A_102 = arith.constant 0 : i32
        %dma_wait3A_103 = tpu.memref_slice %arg2[%add3A_84, %dma_wait3A_102] : memref<161280x128xf32, #tpu.memory_space<hbm>> -> memref<80x128xf32, #tpu.memory_space<hbm>>
        tpu.wait_dma2 semaphore(%arg14 : memref<!tpu.dma_semaphore, #tpu.memory_space<semaphore_mem>>) src(%dma_wait3A_103 : memref<80x128xf32, #tpu.memory_space<hbm>>) dst(%arg10 : memref<80x128xf32, #tpu.memory_space<vmem>>)
        %mul3A_104 = arith.constant 2 : i32
        %mul3A_105 = arith.muli %mul3A_104, %scan3A_64 : i32
        %add3A_106 = arith.constant 1 : i32
        %add3A_107 = arith.addi %mul3A_105, %add3A_106 : i32
        %dma_start3A_108 = arith.constant 0 : i32
        %dma_start3A_109 = tpu.memref_slice %arg8[%add3A_107, %dma_start3A_108] : memref<21x80xi32, #tpu.memory_space<vmem>> -> memref<1x80xi32, #tpu.memory_space<vmem>>
        %dma_start3A_110 = tpu.memref_squeeze %dma_start3A_109 : memref<1x80xi32, #tpu.memory_space<vmem>> -> memref<80xi32, #tpu.memory_space<vmem>>
        %dma_start3A_111 = arith.constant 0 : i32
        %dma_start3A_112 = arith.constant 0 : i32
        %dma_start3A_113 = tpu.memref_slice %arg7[%dma_start3A_111, %dma_start3A_112] : memref<10240x128xf32, #tpu.memory_space<vmem_shared>> -> memref<10240x128xf32, #tpu.memory_space<vmem_shared>>
        tpu.enqueue_indirect_dma source(%arg10 : memref<80x128xf32, #tpu.memory_space<vmem>>) target(%dma_start3A_113 : memref<10240x128xf32, #tpu.memory_space<vmem_shared>>) offsets(%dma_start3A_110 : memref<80xi32, #tpu.memory_space<vmem>>) semaphore(%arg16 : memref<!tpu.dma_semaphore, #tpu.memory_space<semaphore_mem>>) {add = true}
        %mul3A_114 = arith.constant 2 : i32
        %mul3A_115 = arith.muli %mul3A_114, %scan3A_64 : i32
        %get3A_116 = arith.index_cast %mul3A_115 : i32 to index
        %get3A_117 = arith.constant 0 : index
        %get3A_118 = tpu.vector_load %arg8[%get3A_116, %get3A_117] {strides = array<i32>} : memref<21x80xi32, #tpu.memory_space<vmem>>, vector<16xi32>,
        tpu.vector_store_idx %arg11[%get3A_118], %broadcast_in_dim3A_14 {add = true} : memref<10240xf32, #tpu.memory_space<vmem>>[vector<16xi32>], vector<16xf32>,
        %get3A_119 = arith.index_cast %mul3A_115 : i32 to index
        %get3A_120 = arith.constant 16 : index
        %get3A_121 = tpu.vector_load %arg8[%get3A_119, %get3A_120] {strides = array<i32>} : memref<21x80xi32, #tpu.memory_space<vmem>>, vector<16xi32>,
        tpu.vector_store_idx %arg11[%get3A_121], %broadcast_in_dim3A_14 {add = true} : memref<10240xf32, #tpu.memory_space<vmem>>[vector<16xi32>], vector<16xf32>,
        %get3A_122 = arith.index_cast %mul3A_115 : i32 to index
        %get3A_123 = arith.constant 32 : index
        %get3A_124 = tpu.vector_load %arg8[%get3A_122, %get3A_123] {strides = array<i32>} : memref<21x80xi32, #tpu.memory_space<vmem>>, vector<16xi32>,
        tpu.vector_store_idx %arg11[%get3A_124], %broadcast_in_dim3A_14 {add = true} : memref<10240xf32, #tpu.memory_space<vmem>>[vector<16xi32>], vector<16xf32>,
        %get3A_125 = arith.index_cast %mul3A_115 : i32 to index
        %get3A_126 = arith.constant 48 : index
        %get3A_127 = tpu.vector_load %arg8[%get3A_125, %get3A_126] {strides = array<i32>} : memref<21x80xi32, #tpu.memory_space<vmem>>, vector<16xi32>,
        tpu.vector_store_idx %arg11[%get3A_127], %broadcast_in_dim3A_14 {add = true} : memref<10240xf32, #tpu.memory_space<vmem>>[vector<16xi32>], vector<16xf32>,
        %get3A_128 = arith.index_cast %mul3A_115 : i32 to index
        %get3A_129 = arith.constant 64 : index
        %get3A_130 = tpu.vector_load %arg8[%get3A_128, %get3A_129] {strides = array<i32>} : memref<21x80xi32, #tpu.memory_space<vmem>>, vector<16xi32>,
        tpu.vector_store_idx %arg11[%get3A_130], %broadcast_in_dim3A_14 {add = true} : memref<10240xf32, #tpu.memory_space<vmem>>[vector<16xi32>], vector<16xf32>,
        %mul3A_131 = arith.constant 2 : i32
        %mul3A_132 = arith.muli %mul3A_131, %scan3A_64 : i32
        %add3A_133 = arith.constant 1 : i32
        %add3A_134 = arith.addi %mul3A_132, %add3A_133 : i32
        %get3A_135 = arith.index_cast %add3A_134 : i32 to index
        %get3A_136 = arith.constant 0 : index
        %get3A_137 = tpu.vector_load %arg8[%get3A_135, %get3A_136] {strides = array<i32>} : memref<21x80xi32, #tpu.memory_space<vmem>>, vector<16xi32>,
        tpu.vector_store_idx %arg11[%get3A_137], %broadcast_in_dim3A_14 {add = true} : memref<10240xf32, #tpu.memory_space<vmem>>[vector<16xi32>], vector<16xf32>,
        %get3A_138 = arith.index_cast %add3A_134 : i32 to index
        %get3A_139 = arith.constant 16 : index
        %get3A_140 = tpu.vector_load %arg8[%get3A_138, %get3A_139] {strides = array<i32>} : memref<21x80xi32, #tpu.memory_space<vmem>>, vector<16xi32>,
        tpu.vector_store_idx %arg11[%get3A_140], %broadcast_in_dim3A_14 {add = true} : memref<10240xf32, #tpu.memory_space<vmem>>[vector<16xi32>], vector<16xf32>,
        %get3A_141 = arith.index_cast %add3A_134 : i32 to index
        %get3A_142 = arith.constant 32 : index
        %get3A_143 = tpu.vector_load %arg8[%get3A_141, %get3A_142] {strides = array<i32>} : memref<21x80xi32, #tpu.memory_space<vmem>>, vector<16xi32>,
        tpu.vector_store_idx %arg11[%get3A_143], %broadcast_in_dim3A_14 {add = true} : memref<10240xf32, #tpu.memory_space<vmem>>[vector<16xi32>], vector<16xf32>,
        %get3A_144 = arith.index_cast %add3A_134 : i32 to index
        %get3A_145 = arith.constant 48 : index
        %get3A_146 = tpu.vector_load %arg8[%get3A_144, %get3A_145] {strides = array<i32>} : memref<21x80xi32, #tpu.memory_space<vmem>>, vector<16xi32>,
        tpu.vector_store_idx %arg11[%get3A_146], %broadcast_in_dim3A_14 {add = true} : memref<10240xf32, #tpu.memory_space<vmem>>[vector<16xi32>], vector<16xf32>,
        %get3A_147 = arith.index_cast %add3A_134 : i32 to index
        %get3A_148 = arith.constant 64 : index
        %get3A_149 = tpu.vector_load %arg8[%get3A_147, %get3A_148] {strides = array<i32>} : memref<21x80xi32, #tpu.memory_space<vmem>>, vector<16xi32>,
        tpu.vector_store_idx %arg11[%get3A_149], %broadcast_in_dim3A_14 {add = true} : memref<10240xf32, #tpu.memory_space<vmem>>[vector<16xi32>], vector<16xf32>,
        %dma_wait3A_150 = arith.constant 0 : i32
        %dma_wait3A_151 = tpu.memref_slice %arg8[%mul3A_93, %dma_wait3A_150] : memref<21x80xi32, #tpu.memory_space<vmem>> -> memref<1x80xi32, #tpu.memory_space<vmem>>
        %dma_wait3A_152 = tpu.memref_squeeze %dma_wait3A_151 : memref<1x80xi32, #tpu.memory_space<vmem>> -> memref<80xi32, #tpu.memory_space<vmem>>
        %dma_wait3A_153 = arith.constant 0 : i32
        %dma_wait3A_154 = arith.constant 0 : i32
        %dma_wait3A_155 = tpu.memref_slice %arg7[%dma_wait3A_153, %dma_wait3A_154] : memref<10240x128xf32, #tpu.memory_space<vmem_shared>> -> memref<10240x128xf32, #tpu.memory_space<vmem_shared>>
        tpu.wait_indirect_dma semaphore(%arg15 : memref<!tpu.dma_semaphore, #tpu.memory_space<semaphore_mem>>) src(%arg9 : memref<80x128xf32, #tpu.memory_space<vmem>>) dst(%dma_wait3A_155 : memref<10240x128xf32, #tpu.memory_space<vmem_shared>>)
        %dma_wait3A_156 = arith.constant 0 : i32
        %dma_wait3A_157 = tpu.memref_slice %arg8[%add3A_107, %dma_wait3A_156] : memref<21x80xi32, #tpu.memory_space<vmem>> -> memref<1x80xi32, #tpu.memory_space<vmem>>
        %dma_wait3A_158 = tpu.memref_squeeze %dma_wait3A_157 : memref<1x80xi32, #tpu.memory_space<vmem>> -> memref<80xi32, #tpu.memory_space<vmem>>
        %dma_wait3A_159 = arith.constant 0 : i32
        %dma_wait3A_160 = arith.constant 0 : i32
        %dma_wait3A_161 = tpu.memref_slice %arg7[%dma_wait3A_159, %dma_wait3A_160] : memref<10240x128xf32, #tpu.memory_space<vmem_shared>> -> memref<10240x128xf32, #tpu.memory_space<vmem_shared>>
        tpu.wait_indirect_dma semaphore(%arg16 : memref<!tpu.dma_semaphore, #tpu.memory_space<semaphore_mem>>) src(%arg10 : memref<80x128xf32, #tpu.memory_space<vmem>>) dst(%dma_wait3A_161 : memref<10240x128xf32, #tpu.memory_space<vmem_shared>>)
      }
      %scan3A_34 = arith.constant 10 : i32
      %mul3A_35 = arith.constant 21 : i32
      %mul3A_36 = arith.muli %scan3A_28, %mul3A_35 : i32
      %add3A_37 = arith.constant 21 : i32
      %add3A_38 = arith.addi %mul3A_36, %add3A_37 : i32
      %sub3A = arith.constant 1 : i32
      %sub3A_39 = arith.subi %add3A_38, %sub3A : i32
      %mul3A_40 = arith.constant 5040 : i32
      %mul3A_41 = arith.muli %add3A, %mul3A_40 : i32
      %mul3A_42 = arith.constant 80 : i32
      %mul3A_43 = arith.muli %sub3A_39, %mul3A_42 : i32
      %add3A_44 = arith.addi %mul3A_41, %mul3A_43 : i32
      "tpu.region"() ({
        %run_scoped3A_64 = tpu.sem_alloc : memref<!tpu.dma_semaphore, #tpu.memory_space<semaphore_mem>>
        %dma_start3A = arith.constant 0 : i32
        %dma_start3A_65 = tpu.memref_slice %arg2[%add3A_44, %dma_start3A] : memref<161280x128xf32, #tpu.memory_space<hbm>> -> memref<80x128xf32, #tpu.memory_space<hbm>>
        %dma_start3A_66 = arith.constant 0 : i32
        %dma_start3A_67 = tpu.memref_slice %arg2[%add3A_44, %dma_start3A_66] : memref<161280x128xf32, #tpu.memory_space<hbm>> -> memref<80x128xf32, #tpu.memory_space<hbm>>
        tpu.enqueue_dma source(%dma_start3A_67 : memref<80x128xf32, #tpu.memory_space<hbm>>) target(%arg9 : memref<80x128xf32, #tpu.memory_space<vmem>>) target_semaphore(%run_scoped3A_64 : memref<!tpu.dma_semaphore, #tpu.memory_space<semaphore_mem>>)
        %dma_wait3A = arith.constant 0 : i32
        %dma_wait3A_68 = tpu.memref_slice %arg2[%add3A_44, %dma_wait3A] : memref<161280x128xf32, #tpu.memory_space<hbm>> -> memref<80x128xf32, #tpu.memory_space<hbm>>
        %dma_wait3A_69 = arith.constant 0 : i32
        %dma_wait3A_70 = tpu.memref_slice %arg2[%add3A_44, %dma_wait3A_69] : memref<161280x128xf32, #tpu.memory_space<hbm>> -> memref<80x128xf32, #tpu.memory_space<hbm>>
        tpu.wait_dma2 semaphore(%run_scoped3A_64 : memref<!tpu.dma_semaphore, #tpu.memory_space<semaphore_mem>>) src(%dma_wait3A_70 : memref<80x128xf32, #tpu.memory_space<hbm>>) dst(%arg9 : memref<80x128xf32, #tpu.memory_space<vmem>>)
        tpu.yield
      }) : () -> ()
      %run_scoped3A = arith.constant 20 : i32
      "tpu.region"() ({
        %run_scoped3A_64 = tpu.sem_alloc : memref<!tpu.dma_semaphore, #tpu.memory_space<semaphore_mem>>
        %dma_start3A = arith.constant 0 : i32
        %dma_start3A_65 = tpu.memref_slice %arg8[%run_scoped3A, %dma_start3A] : memref<21x80xi32, #tpu.memory_space<vmem>> -> memref<1x80xi32, #tpu.memory_space<vmem>>
        %dma_start3A_66 = tpu.memref_squeeze %dma_start3A_65 : memref<1x80xi32, #tpu.memory_space<vmem>> -> memref<80xi32, #tpu.memory_space<vmem>>
        %dma_start3A_67 = arith.constant 0 : i32
        %dma_start3A_68 = arith.constant 0 : i32
        %dma_start3A_69 = tpu.memref_slice %arg7[%dma_start3A_67, %dma_start3A_68] : memref<10240x128xf32, #tpu.memory_space<vmem_shared>> -> memref<10240x128xf32, #tpu.memory_space<vmem_shared>>
        tpu.enqueue_indirect_dma source(%arg9 : memref<80x128xf32, #tpu.memory_space<vmem>>) target(%dma_start3A_69 : memref<10240x128xf32, #tpu.memory_space<vmem_shared>>) offsets(%dma_start3A_66 : memref<80xi32, #tpu.memory_space<vmem>>) semaphore(%run_scoped3A_64 : memref<!tpu.dma_semaphore, #tpu.memory_space<semaphore_mem>>) {add = true}
        %dma_wait3A = arith.constant 0 : i32
        %dma_wait3A_70 = tpu.memref_slice %arg8[%run_scoped3A, %dma_wait3A] : memref<21x80xi32, #tpu.memory_space<vmem>> -> memref<1x80xi32, #tpu.memory_space<vmem>>
        %dma_wait3A_71 = tpu.memref_squeeze %dma_wait3A_70 : memref<1x80xi32, #tpu.memory_space<vmem>> -> memref<80xi32, #tpu.memory_space<vmem>>
        %dma_wait3A_72 = arith.constant 0 : i32
        %dma_wait3A_73 = arith.constant 0 : i32
        %dma_wait3A_74 = tpu.memref_slice %arg7[%dma_wait3A_72, %dma_wait3A_73] : memref<10240x128xf32, #tpu.memory_space<vmem_shared>> -> memref<10240x128xf32, #tpu.memory_space<vmem_shared>>
        tpu.wait_indirect_dma semaphore(%run_scoped3A_64 : memref<!tpu.dma_semaphore, #tpu.memory_space<semaphore_mem>>) src(%arg9 : memref<80x128xf32, #tpu.memory_space<vmem>>) dst(%dma_wait3A_74 : memref<10240x128xf32, #tpu.memory_space<vmem_shared>>)
        tpu.yield
      }) : () -> ()
      %get3A = arith.constant 20 : i32
      %get3A_45 = arith.index_cast %get3A : i32 to index
      %get3A_46 = arith.constant 0 : index
      %get3A_47 = tpu.vector_load %arg8[%get3A_45, %get3A_46] {strides = array<i32>} : memref<21x80xi32, #tpu.memory_space<vmem>>, vector<16xi32>,
      tpu.vector_store_idx %arg11[%get3A_47], %broadcast_in_dim3A_14 {add = true} : memref<10240xf32, #tpu.memory_space<vmem>>[vector<16xi32>], vector<16xf32>,
      %get3A_48 = arith.constant 20 : i32
      %get3A_49 = arith.index_cast %get3A_48 : i32 to index
      %get3A_50 = arith.constant 16 : index
      %get3A_51 = tpu.vector_load %arg8[%get3A_49, %get3A_50] {strides = array<i32>} : memref<21x80xi32, #tpu.memory_space<vmem>>, vector<16xi32>,
      tpu.vector_store_idx %arg11[%get3A_51], %broadcast_in_dim3A_14 {add = true} : memref<10240xf32, #tpu.memory_space<vmem>>[vector<16xi32>], vector<16xf32>,
      %get3A_52 = arith.constant 20 : i32
      %get3A_53 = arith.index_cast %get3A_52 : i32 to index
      %get3A_54 = arith.constant 32 : index
      %get3A_55 = tpu.vector_load %arg8[%get3A_53, %get3A_54] {strides = array<i32>} : memref<21x80xi32, #tpu.memory_space<vmem>>, vector<16xi32>,
      tpu.vector_store_idx %arg11[%get3A_55], %broadcast_in_dim3A_14 {add = true} : memref<10240xf32, #tpu.memory_space<vmem>>[vector<16xi32>], vector<16xf32>,
      %get3A_56 = arith.constant 20 : i32
      %get3A_57 = arith.index_cast %get3A_56 : i32 to index
      %get3A_58 = arith.constant 48 : index
      %get3A_59 = tpu.vector_load %arg8[%get3A_57, %get3A_58] {strides = array<i32>} : memref<21x80xi32, #tpu.memory_space<vmem>>, vector<16xi32>,
      tpu.vector_store_idx %arg11[%get3A_59], %broadcast_in_dim3A_14 {add = true} : memref<10240xf32, #tpu.memory_space<vmem>>[vector<16xi32>], vector<16xf32>,
      %get3A_60 = arith.constant 20 : i32
      %get3A_61 = arith.index_cast %get3A_60 : i32 to index
      %get3A_62 = arith.constant 64 : index
      %get3A_63 = tpu.vector_load %arg8[%get3A_61, %get3A_62] {strides = array<i32>} : memref<21x80xi32, #tpu.memory_space<vmem>>, vector<16xi32>,
      tpu.vector_store_idx %arg11[%get3A_63], %broadcast_in_dim3A_14 {add = true} : memref<10240xf32, #tpu.memory_space<vmem>>[vector<16xi32>], vector<16xf32>,
    }
    %scan3A_20 = arith.constant 3 : i32
    %barrier3A_21 = arith.constant 0 : index
    tpu.barrier barrier_id(%barrier3A_21)
    %scan3A_22 = arith.constant 0 : i32
    %scan3A_23 = arith.constant 0 : i32
    %scan3A_24 = arith.constant 20 : i32
    %scan3A_25 = arith.addi %scan3A_23, %scan3A_24 : i32
    %scan3A_26 = arith.constant 1 : i32
    scf.for %scan3A_28 = %scan3A_23 to %scan3A_25 step %scan3A_26  : i32 {
      %mul3A_29 = arith.constant 640 : i32
      %mul3A_30 = arith.muli %arg1, %mul3A_29 : i32
      %mul3A_31 = arith.constant 32 : i32
      %mul3A_32 = arith.muli %scan3A_28, %mul3A_31 : i32
      %add3A_33 = arith.addi %mul3A_30, %mul3A_32 : i32
      "tpu.region"() ({
        %run_scoped3A = tpu.sem_alloc : memref<!tpu.dma_semaphore, #tpu.memory_space<semaphore_mem>>
        %dma_start3A = arith.constant 0 : i32
        %dma_start3A_34 = tpu.memref_slice %arg7[%add3A_33, %dma_start3A] : memref<10240x128xf32, #tpu.memory_space<vmem_shared>> -> memref<32x128xf32, #tpu.memory_space<vmem_shared>>
        %dma_start3A_35 = arith.constant 0 : i32
        %dma_start3A_36 = tpu.memref_slice %arg7[%add3A_33, %dma_start3A_35] : memref<10240x128xf32, #tpu.memory_space<vmem_shared>> -> memref<32x128xf32, #tpu.memory_space<vmem_shared>>
        tpu.enqueue_dma source(%dma_start3A_36 : memref<32x128xf32, #tpu.memory_space<vmem_shared>>) target(%arg12 : memref<32x128xf32, #tpu.memory_space<vmem>>) target_semaphore(%run_scoped3A : memref<!tpu.dma_semaphore, #tpu.memory_space<semaphore_mem>>)
        %dma_wait3A = arith.constant 0 : i32
        %dma_wait3A_37 = tpu.memref_slice %arg7[%add3A_33, %dma_wait3A] : memref<10240x128xf32, #tpu.memory_space<vmem_shared>> -> memref<32x128xf32, #tpu.memory_space<vmem_shared>>
        %dma_wait3A_38 = arith.constant 0 : i32
        %dma_wait3A_39 = tpu.memref_slice %arg7[%add3A_33, %dma_wait3A_38] : memref<10240x128xf32, #tpu.memory_space<vmem_shared>> -> memref<32x128xf32, #tpu.memory_space<vmem_shared>>
        tpu.wait_dma2 semaphore(%run_scoped3A : memref<!tpu.dma_semaphore, #tpu.memory_space<semaphore_mem>>) src(%dma_wait3A_39 : memref<32x128xf32, #tpu.memory_space<vmem_shared>>) dst(%arg12 : memref<32x128xf32, #tpu.memory_space<vmem>>)
        tpu.yield
      }) : () -> ()
      "tpu.region"() ({
        %run_scoped3A = tpu.sem_alloc : memref<!tpu.dma_semaphore, #tpu.memory_space<semaphore_mem>>
        %dma_start3A = arith.constant 0 : i32
        %dma_start3A_34 = arith.constant 0 : i32
        %dma_start3A_35 = tpu.memref_slice %arg5[%arg0, %dma_start3A, %dma_start3A_34] : memref<2x10240x128xf32, #tpu.memory_space<hbm>> -> memref<1x10240x128xf32, #tpu.memory_space<hbm>>
        %dma_start3A_36 = tpu.memref_squeeze %dma_start3A_35 : memref<1x10240x128xf32, #tpu.memory_space<hbm>> -> memref<10240x128xf32, #tpu.memory_space<hbm>>
        %dma_start3A_37 = arith.constant 0 : i32
        %dma_start3A_38 = tpu.memref_slice %dma_start3A_36[%add3A_33, %dma_start3A_37] : memref<10240x128xf32, #tpu.memory_space<hbm>> -> memref<32x128xf32, #tpu.memory_space<hbm>>
        %dma_start3A_39 = arith.constant 0 : i32
        %dma_start3A_40 = arith.constant 0 : i32
        %dma_start3A_41 = tpu.memref_slice %arg5[%arg0, %dma_start3A_39, %dma_start3A_40] : memref<2x10240x128xf32, #tpu.memory_space<hbm>> -> memref<1x10240x128xf32, #tpu.memory_space<hbm>>
        %dma_start3A_42 = tpu.memref_squeeze %dma_start3A_41 : memref<1x10240x128xf32, #tpu.memory_space<hbm>> -> memref<10240x128xf32, #tpu.memory_space<hbm>>
        %dma_start3A_43 = arith.constant 0 : i32
        %dma_start3A_44 = tpu.memref_slice %dma_start3A_42[%add3A_33, %dma_start3A_43] : memref<10240x128xf32, #tpu.memory_space<hbm>> -> memref<32x128xf32, #tpu.memory_space<hbm>>
        tpu.enqueue_dma source(%arg12 : memref<32x128xf32, #tpu.memory_space<vmem>>) target(%dma_start3A_44 : memref<32x128xf32, #tpu.memory_space<hbm>>) target_semaphore(%run_scoped3A : memref<!tpu.dma_semaphore, #tpu.memory_space<semaphore_mem>>)
        %dma_wait3A = arith.constant 0 : i32
        %dma_wait3A_45 = arith.constant 0 : i32
        %dma_wait3A_46 = tpu.memref_slice %arg5[%arg0, %dma_wait3A, %dma_wait3A_45] : memref<2x10240x128xf32, #tpu.memory_space<hbm>> -> memref<1x10240x128xf32, #tpu.memory_space<hbm>>
        %dma_wait3A_47 = tpu.memref_squeeze %dma_wait3A_46 : memref<1x10240x128xf32, #tpu.memory_space<hbm>> -> memref<10240x128xf32, #tpu.memory_space<hbm>>
        %dma_wait3A_48 = arith.constant 0 : i32
        %dma_wait3A_49 = tpu.memref_slice %dma_wait3A_47[%add3A_33, %dma_wait3A_48] : memref<10240x128xf32, #tpu.memory_space<hbm>> -> memref<32x128xf32, #tpu.memory_space<hbm>>
        %dma_wait3A_50 = arith.constant 0 : i32
        %dma_wait3A_51 = arith.constant 0 : i32
        %dma_wait3A_52 = tpu.memref_slice %arg5[%arg0, %dma_wait3A_50, %dma_wait3A_51] : memref<2x10240x128xf32, #tpu.memory_space<hbm>> -> memref<1x10240x128xf32, #tpu.memory_space<hbm>>
        %dma_wait3A_53 = tpu.memref_squeeze %dma_wait3A_52 : memref<1x10240x128xf32, #tpu.memory_space<hbm>> -> memref<10240x128xf32, #tpu.memory_space<hbm>>
        %dma_wait3A_54 = arith.constant 0 : i32
        %dma_wait3A_55 = tpu.memref_slice %dma_wait3A_53[%add3A_33, %dma_wait3A_54] : memref<10240x128xf32, #tpu.memory_space<hbm>> -> memref<32x128xf32, #tpu.memory_space<hbm>>
        tpu.wait_dma2 semaphore(%run_scoped3A : memref<!tpu.dma_semaphore, #tpu.memory_space<semaphore_mem>>) src(%arg12 : memref<32x128xf32, #tpu.memory_space<vmem>>) dst(%dma_wait3A_55 : memref<32x128xf32, #tpu.memory_space<hbm>>)
        tpu.yield
      }) : () -> ()
    }
    %scan3A_27 = arith.constant 20 : i32
    "tpu.region"() ({
      %run_scoped3A = tpu.sem_alloc : memref<!tpu.dma_semaphore, #tpu.memory_space<semaphore_mem>>
      %dma_start3A = arith.constant 0 : i32
      %dma_start3A_28 = tpu.memref_slice %arg6[%add3A, %dma_start3A] : memref<32x10240xf32, #tpu.memory_space<hbm>> -> memref<1x10240xf32, #tpu.memory_space<hbm>>
      %dma_start3A_29 = tpu.memref_squeeze %dma_start3A_28 : memref<1x10240xf32, #tpu.memory_space<hbm>> -> memref<10240xf32, #tpu.memory_space<hbm>>
      %dma_start3A_30 = arith.constant 0 : i32
      %dma_start3A_31 = tpu.memref_slice %arg6[%add3A, %dma_start3A_30] : memref<32x10240xf32, #tpu.memory_space<hbm>> -> memref<1x10240xf32, #tpu.memory_space<hbm>>
      %dma_start3A_32 = tpu.memref_squeeze %dma_start3A_31 : memref<1x10240xf32, #tpu.memory_space<hbm>> -> memref<10240xf32, #tpu.memory_space<hbm>>
      tpu.enqueue_dma source(%arg11 : memref<10240xf32, #tpu.memory_space<vmem>>) target(%dma_start3A_32 : memref<10240xf32, #tpu.memory_space<hbm>>) target_semaphore(%run_scoped3A : memref<!tpu.dma_semaphore, #tpu.memory_space<semaphore_mem>>)
      %dma_wait3A = arith.constant 0 : i32
      %dma_wait3A_33 = tpu.memref_slice %arg6[%add3A, %dma_wait3A] : memref<32x10240xf32, #tpu.memory_space<hbm>> -> memref<1x10240xf32, #tpu.memory_space<hbm>>
      %dma_wait3A_34 = tpu.memref_squeeze %dma_wait3A_33 : memref<1x10240xf32, #tpu.memory_space<hbm>> -> memref<10240xf32, #tpu.memory_space<hbm>>
      %dma_wait3A_35 = arith.constant 0 : i32
      %dma_wait3A_36 = tpu.memref_slice %arg6[%add3A, %dma_wait3A_35] : memref<32x10240xf32, #tpu.memory_space<hbm>> -> memref<1x10240xf32, #tpu.memory_space<hbm>>
      %dma_wait3A_37 = tpu.memref_squeeze %dma_wait3A_36 : memref<1x10240xf32, #tpu.memory_space<hbm>> -> memref<10240xf32, #tpu.memory_space<hbm>>
      tpu.wait_dma2 semaphore(%run_scoped3A : memref<!tpu.dma_semaphore, #tpu.memory_space<semaphore_mem>>) src(%arg11 : memref<10240xf32, #tpu.memory_space<vmem>>) dst(%dma_wait3A_37 : memref<10240xf32, #tpu.memory_space<hbm>>)
      tpu.yield
    }) : () -> ()
    return
  }
}

module attributes {stable_mosaic.version = 14 : i64} {
  func.func @_xw_body(%arg0: i32, %arg1: memref<1024x128xf32, #tpu.memory_space<vmem>>, %arg2: memref<128x128xf32, #tpu.memory_space<vmem>>, %arg3: memref<1024x128xf32, #tpu.memory_space<vmem>>) attributes {dimension_semantics = [#tpu.dimension_semantics<arbitrary>], iteration_bounds = array<i64: 10>, scalar_prefetch = 0 : i64, scratch_operands = 0 : i64, tpu.core_type = #tpu.core_type<tc>, window_params = [{transform_indices = @transform_0, window_bounds = array<i64: 1024, 128>}, {pipeline_mode = #tpu.pipeline_mode<synchronous>, transform_indices = @transform_1, window_bounds = array<i64: 128, 128>}, {transform_indices = @transform_2, window_bounds = array<i64: 1024, 128>}]} {
    %get3A = arith.constant 0 : index
    %get3A_0 = arith.constant 0 : index
    %get3A_1 = vector.load %arg1[%get3A, %get3A_0] : memref<1024x128xf32, #tpu.memory_space<vmem>>, vector<1024x128xf32>
    %get3A_2 = arith.constant 0 : index
    %get3A_3 = arith.constant 0 : index
    %get3A_4 = vector.load %arg2[%get3A_2, %get3A_3] : memref<128x128xf32, #tpu.memory_space<vmem>>, vector<128x128xf32>
    %dot_general3A = arith.constant dense<0.000000e+00> : vector<1024x128xf32>
    %dot_general3A_5 = tpu.matmul %get3A_1, %get3A_4, %dot_general3A {dimension_numbers = #tpu.dot_dimension_numbers<[1], [0], [0], [1], [0, 0, 1, 1], [], []>, transpose_lhs_hint = false} : vector<1024x128xf32>, vector<128x128xf32>, vector<1024x128xf32> -> vector<1024x128xf32>
    %swap3A = arith.constant 0 : index
    %swap3A_6 = arith.constant 0 : index
    %swap3A_7 = vector.load %arg3[%swap3A, %swap3A_6] : memref<1024x128xf32, #tpu.memory_space<vmem>>, vector<1024x128xf32>
    tpu.vector_store %arg3[%swap3A, %swap3A_6], %dot_general3A_5 {strides = array<i32>} : memref<1024x128xf32, #tpu.memory_space<vmem>>, vector<1024x128xf32>,
    return
  }
  func.func @transform_0(%arg0: i32) -> (i32, i32) {
    %c0_i32 = arith.constant 0 : i32
    %c0_i32_0 = arith.constant 0 : i32
    return %arg0, %c0_i32 : i32, i32
  }
  func.func @transform_1(%arg0: i32) -> (i32, i32) {
    %c0_i32 = arith.constant 0 : i32
    %c0_i32_0 = arith.constant 0 : i32
    %c0_i32_1 = arith.constant 0 : i32
    return %c0_i32, %c0_i32_0 : i32, i32
  }
  func.func @transform_2(%arg0: i32) -> (i32, i32) {
    %c0_i32 = arith.constant 0 : i32
    %c0_i32_0 = arith.constant 0 : i32
    return %arg0, %c0_i32 : i32, i32
  }
}

module attributes {stable_mosaic.version = 14 : i64} {
  func.func @_mlp_body(%arg0: i32, %arg1: memref<2560x128xf32, #tpu.memory_space<vmem>>, %arg2: memref<2560x128xf32, #tpu.memory_space<vmem>>, %arg3: memref<128x128xf32, #tpu.memory_space<vmem>>, %arg4: memref<128x128xf32, #tpu.memory_space<vmem>>, %arg5: memref<1x128xf32, #tpu.memory_space<vmem>>, %arg6: memref<1x128xf32, #tpu.memory_space<vmem>>, %arg7: memref<2560x128xf32, #tpu.memory_space<vmem>>) attributes {dimension_semantics = [#tpu.dimension_semantics<arbitrary>], iteration_bounds = array<i64: 63>, scalar_prefetch = 0 : i64, scratch_operands = 0 : i64, tpu.core_type = #tpu.core_type<tc>, window_params = [{transform_indices = @transform_0, window_bounds = array<i64: 2560, 128>}, {transform_indices = @transform_1, window_bounds = array<i64: 2560, 128>}, {pipeline_mode = #tpu.pipeline_mode<synchronous>, transform_indices = @transform_2, window_bounds = array<i64: 128, 128>}, {pipeline_mode = #tpu.pipeline_mode<synchronous>, transform_indices = @transform_3, window_bounds = array<i64: 128, 128>}, {pipeline_mode = #tpu.pipeline_mode<synchronous>, transform_indices = @transform_4, window_bounds = array<i64: 1, 128>}, {pipeline_mode = #tpu.pipeline_mode<synchronous>, transform_indices = @transform_5, window_bounds = array<i64: 1, 128>}, {transform_indices = @transform_6, window_bounds = array<i64: 2560, 128>}]} {
    %get3A = arith.constant 0 : index
    %get3A_0 = arith.constant 0 : index
    %get3A_1 = vector.load %arg1[%get3A, %get3A_0] : memref<2560x128xf32, #tpu.memory_space<vmem>>, vector<2560x128xf32>
    %get3A_2 = arith.constant 0 : index
    %get3A_3 = arith.constant 0 : index
    %get3A_4 = vector.load %arg2[%get3A_2, %get3A_3] : memref<2560x128xf32, #tpu.memory_space<vmem>>, vector<2560x128xf32>
    %get3A_5 = arith.constant 0 : index
    %get3A_6 = arith.constant 0 : index
    %get3A_7 = vector.load %arg3[%get3A_5, %get3A_6] : memref<128x128xf32, #tpu.memory_space<vmem>>, vector<128x128xf32>
    %dot_general3A = arith.constant dense<0.000000e+00> : vector<2560x128xf32>
    %dot_general3A_8 = tpu.matmul %get3A_4, %get3A_7, %dot_general3A {dimension_numbers = #tpu.dot_dimension_numbers<[1], [0], [0], [1], [0, 0, 1, 1], [], []>, transpose_lhs_hint = false} : vector<2560x128xf32>, vector<128x128xf32>, vector<2560x128xf32> -> vector<2560x128xf32>
    %add3A = arith.addf %get3A_1, %dot_general3A_8 : vector<2560x128xf32>
    %get3A_9 = arith.constant 0 : index
    %get3A_10 = arith.constant 0 : index
    %get3A_11 = vector.load %arg5[%get3A_9, %get3A_10] : memref<1x128xf32, #tpu.memory_space<vmem>>, vector<1x128xf32>
    %add3A_12 = vector.broadcast %get3A_11 : vector<1x128xf32> to vector<2560x128xf32>
    %add3A_13 = arith.addf %add3A, %add3A_12 : vector<2560x128xf32>
    %max3A = arith.constant 0.000000e+00 : f32
    %max3A_14 = vector.broadcast %max3A : f32 to vector<2560x128xf32>
    %max3A_15 = arith.maximumf %add3A_13, %max3A_14 : vector<2560x128xf32>
    %get3A_16 = arith.constant 0 : index
    %get3A_17 = arith.constant 0 : index
    %get3A_18 = vector.load %arg4[%get3A_16, %get3A_17] : memref<128x128xf32, #tpu.memory_space<vmem>>, vector<128x128xf32>
    %dot_general3A_19 = arith.constant dense<0.000000e+00> : vector<2560x128xf32>
    %dot_general3A_20 = tpu.matmul %max3A_15, %get3A_18, %dot_general3A_19 {dimension_numbers = #tpu.dot_dimension_numbers<[1], [0], [0], [1], [0, 0, 1, 1], [], []>, transpose_lhs_hint = false} : vector<2560x128xf32>, vector<128x128xf32>, vector<2560x128xf32> -> vector<2560x128xf32>
    %get3A_21 = arith.constant 0 : index
    %get3A_22 = arith.constant 0 : index
    %get3A_23 = vector.load %arg6[%get3A_21, %get3A_22] : memref<1x128xf32, #tpu.memory_space<vmem>>, vector<1x128xf32>
    %add3A_24 = vector.broadcast %get3A_23 : vector<1x128xf32> to vector<2560x128xf32>
    %add3A_25 = arith.addf %dot_general3A_20, %add3A_24 : vector<2560x128xf32>
    %swap3A = arith.constant 0 : index
    %swap3A_26 = arith.constant 0 : index
    %swap3A_27 = vector.load %arg7[%swap3A, %swap3A_26] : memref<2560x128xf32, #tpu.memory_space<vmem>>, vector<2560x128xf32>
    tpu.vector_store %arg7[%swap3A, %swap3A_26], %add3A_25 {strides = array<i32>} : memref<2560x128xf32, #tpu.memory_space<vmem>>, vector<2560x128xf32>,
    return
  }
  func.func @transform_0(%arg0: i32) -> (i32, i32) {
    %c0_i32 = arith.constant 0 : i32
    %c0_i32_0 = arith.constant 0 : i32
    return %arg0, %c0_i32 : i32, i32
  }
  func.func @transform_1(%arg0: i32) -> (i32, i32) {
    %add3A = arith.constant 62 : i32
    %add3A_0 = arith.addi %arg0, %add3A : i32
    %c0_i32 = arith.constant 0 : i32
    %c0_i32_1 = arith.constant 0 : i32
    return %add3A_0, %c0_i32 : i32, i32
  }
  func.func @transform_2(%arg0: i32) -> (i32, i32) {
    %c0_i32 = arith.constant 0 : i32
    %c0_i32_0 = arith.constant 0 : i32
    %c0_i32_1 = arith.constant 0 : i32
    return %c0_i32, %c0_i32_0 : i32, i32
  }
  func.func @transform_3(%arg0: i32) -> (i32, i32) {
    %c0_i32 = arith.constant 0 : i32
    %c0_i32_0 = arith.constant 0 : i32
    %c0_i32_1 = arith.constant 0 : i32
    return %c0_i32, %c0_i32_0 : i32, i32
  }
  func.func @transform_4(%arg0: i32) -> (i32, i32) {
    %c0_i32 = arith.constant 0 : i32
    %c0_i32_0 = arith.constant 0 : i32
    %c0_i32_1 = arith.constant 0 : i32
    return %c0_i32, %c0_i32_0 : i32, i32
  }
  func.func @transform_5(%arg0: i32) -> (i32, i32) {
    %c0_i32 = arith.constant 0 : i32
    %c0_i32_0 = arith.constant 0 : i32
    %c0_i32_1 = arith.constant 0 : i32
    return %c0_i32, %c0_i32_0 : i32, i32
  }
  func.func @transform_6(%arg0: i32) -> (i32, i32) {
    %c0_i32 = arith.constant 0 : i32
    %c0_i32_0 = arith.constant 0 : i32
    return %arg0, %c0_i32 : i32, i32
  }
}

module attributes {stable_mosaic.version = 14 : i64} {
  func.func @_mlp_body(%arg0: i32, %arg1: memref<2560x128xf32, #tpu.memory_space<vmem>>, %arg2: memref<2560x128xf32, #tpu.memory_space<vmem>>, %arg3: memref<128x128xf32, #tpu.memory_space<vmem>>, %arg4: memref<128x128xf32, #tpu.memory_space<vmem>>, %arg5: memref<1x128xf32, #tpu.memory_space<vmem>>, %arg6: memref<1x128xf32, #tpu.memory_space<vmem>>, %arg7: memref<2560x128xf32, #tpu.memory_space<vmem>>) attributes {dimension_semantics = [#tpu.dimension_semantics<arbitrary>], iteration_bounds = array<i64: 62>, scalar_prefetch = 0 : i64, scratch_operands = 0 : i64, tpu.core_type = #tpu.core_type<tc>, window_params = [{transform_indices = @transform_0, window_bounds = array<i64: 2560, 128>}, {transform_indices = @transform_1, window_bounds = array<i64: 2560, 128>}, {pipeline_mode = #tpu.pipeline_mode<synchronous>, transform_indices = @transform_2, window_bounds = array<i64: 128, 128>}, {pipeline_mode = #tpu.pipeline_mode<synchronous>, transform_indices = @transform_3, window_bounds = array<i64: 128, 128>}, {pipeline_mode = #tpu.pipeline_mode<synchronous>, transform_indices = @transform_4, window_bounds = array<i64: 1, 128>}, {pipeline_mode = #tpu.pipeline_mode<synchronous>, transform_indices = @transform_5, window_bounds = array<i64: 1, 128>}, {transform_indices = @transform_6, window_bounds = array<i64: 2560, 128>}]} {
    %get3A = arith.constant 0 : index
    %get3A_0 = arith.constant 0 : index
    %get3A_1 = vector.load %arg1[%get3A, %get3A_0] : memref<2560x128xf32, #tpu.memory_space<vmem>>, vector<2560x128xf32>
    %get3A_2 = arith.constant 0 : index
    %get3A_3 = arith.constant 0 : index
    %get3A_4 = vector.load %arg2[%get3A_2, %get3A_3] : memref<2560x128xf32, #tpu.memory_space<vmem>>, vector<2560x128xf32>
    %get3A_5 = arith.constant 0 : index
    %get3A_6 = arith.constant 0 : index
    %get3A_7 = vector.load %arg3[%get3A_5, %get3A_6] : memref<128x128xf32, #tpu.memory_space<vmem>>, vector<128x128xf32>
    %dot_general3A = arith.constant dense<0.000000e+00> : vector<2560x128xf32>
    %dot_general3A_8 = tpu.matmul %get3A_4, %get3A_7, %dot_general3A {dimension_numbers = #tpu.dot_dimension_numbers<[1], [0], [0], [1], [0, 0, 1, 1], [], []>, transpose_lhs_hint = false} : vector<2560x128xf32>, vector<128x128xf32>, vector<2560x128xf32> -> vector<2560x128xf32>
    %add3A = arith.addf %get3A_1, %dot_general3A_8 : vector<2560x128xf32>
    %get3A_9 = arith.constant 0 : index
    %get3A_10 = arith.constant 0 : index
    %get3A_11 = vector.load %arg5[%get3A_9, %get3A_10] : memref<1x128xf32, #tpu.memory_space<vmem>>, vector<1x128xf32>
    %add3A_12 = vector.broadcast %get3A_11 : vector<1x128xf32> to vector<2560x128xf32>
    %add3A_13 = arith.addf %add3A, %add3A_12 : vector<2560x128xf32>
    %max3A = arith.constant 0.000000e+00 : f32
    %max3A_14 = vector.broadcast %max3A : f32 to vector<2560x128xf32>
    %max3A_15 = arith.maximumf %add3A_13, %max3A_14 : vector<2560x128xf32>
    %get3A_16 = arith.constant 0 : index
    %get3A_17 = arith.constant 0 : index
    %get3A_18 = vector.load %arg4[%get3A_16, %get3A_17] : memref<128x128xf32, #tpu.memory_space<vmem>>, vector<128x128xf32>
    %dot_general3A_19 = arith.constant dense<0.000000e+00> : vector<2560x128xf32>
    %dot_general3A_20 = tpu.matmul %max3A_15, %get3A_18, %dot_general3A_19 {dimension_numbers = #tpu.dot_dimension_numbers<[1], [0], [0], [1], [0, 0, 1, 1], [], []>, transpose_lhs_hint = false} : vector<2560x128xf32>, vector<128x128xf32>, vector<2560x128xf32> -> vector<2560x128xf32>
    %get3A_21 = arith.constant 0 : index
    %get3A_22 = arith.constant 0 : index
    %get3A_23 = vector.load %arg6[%get3A_21, %get3A_22] : memref<1x128xf32, #tpu.memory_space<vmem>>, vector<1x128xf32>
    %add3A_24 = vector.broadcast %get3A_23 : vector<1x128xf32> to vector<2560x128xf32>
    %add3A_25 = arith.addf %dot_general3A_20, %add3A_24 : vector<2560x128xf32>
    %swap3A = arith.constant 0 : index
    %swap3A_26 = arith.constant 0 : index
    %swap3A_27 = vector.load %arg7[%swap3A, %swap3A_26] : memref<2560x128xf32, #tpu.memory_space<vmem>>, vector<2560x128xf32>
    tpu.vector_store %arg7[%swap3A, %swap3A_26], %add3A_25 {strides = array<i32>} : memref<2560x128xf32, #tpu.memory_space<vmem>>, vector<2560x128xf32>,
    return
  }
  func.func @transform_0(%arg0: i32) -> (i32, i32) {
    %c0_i32 = arith.constant 0 : i32
    %c0_i32_0 = arith.constant 0 : i32
    return %arg0, %c0_i32 : i32, i32
  }
  func.func @transform_1(%arg0: i32) -> (i32, i32) {
    %add3A = arith.constant 0 : i32
    %add3A_0 = arith.addi %arg0, %add3A : i32
    %c0_i32 = arith.constant 0 : i32
    %c0_i32_1 = arith.constant 0 : i32
    return %add3A_0, %c0_i32 : i32, i32
  }
  func.func @transform_2(%arg0: i32) -> (i32, i32) {
    %c0_i32 = arith.constant 0 : i32
    %c0_i32_0 = arith.constant 0 : i32
    %c0_i32_1 = arith.constant 0 : i32
    return %c0_i32, %c0_i32_0 : i32, i32
  }
  func.func @transform_3(%arg0: i32) -> (i32, i32) {
    %c0_i32 = arith.constant 0 : i32
    %c0_i32_0 = arith.constant 0 : i32
    %c0_i32_1 = arith.constant 0 : i32
    return %c0_i32, %c0_i32_0 : i32, i32
  }
  func.func @transform_4(%arg0: i32) -> (i32, i32) {
    %c0_i32 = arith.constant 0 : i32
    %c0_i32_0 = arith.constant 0 : i32
    %c0_i32_1 = arith.constant 0 : i32
    return %c0_i32, %c0_i32_0 : i32, i32
  }
  func.func @transform_5(%arg0: i32) -> (i32, i32) {
    %c0_i32 = arith.constant 0 : i32
    %c0_i32_0 = arith.constant 0 : i32
    %c0_i32_1 = arith.constant 0 : i32
    return %c0_i32, %c0_i32_0 : i32, i32
  }
  func.func @transform_6(%arg0: i32) -> (i32, i32) {
    %c0_i32 = arith.constant 0 : i32
    %c0_i32_0 = arith.constant 0 : i32
    return %arg0, %c0_i32 : i32, i32
  }
}

module attributes {stable_mosaic.version = 14 : i64} {
  func.func @_fin_body(%arg0: i32, %arg1: memref<1024x128xf32, #tpu.memory_space<vmem>>, %arg2: memref<2x1024x128xf32, #tpu.memory_space<vmem>>, %arg3: memref<2x1024x128xf32, #tpu.memory_space<vmem>>, %arg4: memref<32x1024xf32, #tpu.memory_space<vmem>>, %arg5: memref<32x1024xf32, #tpu.memory_space<vmem>>, %arg6: memref<128x128xf32, #tpu.memory_space<vmem>>, %arg7: memref<128x128xf32, #tpu.memory_space<vmem>>, %arg8: memref<1x128xf32, #tpu.memory_space<vmem>>, %arg9: memref<128x128xf32, #tpu.memory_space<vmem>>, %arg10: memref<1x128xf32, #tpu.memory_space<vmem>>, %arg11: memref<1024x128xf32, #tpu.memory_space<vmem>>) attributes {dimension_semantics = [#tpu.dimension_semantics<arbitrary>], iteration_bounds = array<i64: 10>, scalar_prefetch = 0 : i64, scratch_operands = 0 : i64, tpu.core_type = #tpu.core_type<tc>, window_params = [{transform_indices = @transform_0, window_bounds = array<i64: 1024, 128>}, {transform_indices = @transform_1, window_bounds = array<i64: 2, 1024, 128>}, {transform_indices = @transform_2, window_bounds = array<i64: 2, 1024, 128>}, {transform_indices = @transform_3, window_bounds = array<i64: 32, 1024>}, {transform_indices = @transform_4, window_bounds = array<i64: 32, 1024>}, {pipeline_mode = #tpu.pipeline_mode<synchronous>, transform_indices = @transform_5, window_bounds = array<i64: 128, 128>}, {pipeline_mode = #tpu.pipeline_mode<synchronous>, transform_indices = @transform_6, window_bounds = array<i64: 128, 128>}, {pipeline_mode = #tpu.pipeline_mode<synchronous>, transform_indices = @transform_7, window_bounds = array<i64: 1, 128>}, {pipeline_mode = #tpu.pipeline_mode<synchronous>, transform_indices = @transform_8, window_bounds = array<i64: 128, 128>}, {pipeline_mode = #tpu.pipeline_mode<synchronous>, transform_indices = @transform_9, window_bounds = array<i64: 1, 128>}, {transform_indices = @transform_10, window_bounds = array<i64: 1024, 128>}]} {
    %broadcast_in_dim3A = arith.constant 1.000000e+00 : f32
    %broadcast_in_dim3A_0 = vector.broadcast %broadcast_in_dim3A : f32 to vector<32x1xf32>
    %get3A = arith.constant 0 : index
    %get3A_1 = arith.constant 0 : index
    %get3A_2 = vector.load %arg4[%get3A, %get3A_1] : memref<32x1024xf32, #tpu.memory_space<vmem>>, vector<32x1024xf32>
    %dot_general3A = arith.constant dense<0.000000e+00> : vector<1024x1xf32>
    %dot_general3A_3 = tpu.matmul %get3A_2, %broadcast_in_dim3A_0, %dot_general3A {dimension_numbers = #tpu.dot_dimension_numbers<[0], [0], [1], [1], [0, 1, 1, 1], [], []>, transpose_lhs_hint = false} : vector<32x1024xf32>, vector<32x1xf32>, vector<1024x1xf32> -> vector<1024x1xf32>
    %get3A_4 = arith.constant 0 : index
    %get3A_5 = arith.constant 0 : index
    %get3A_6 = vector.load %arg5[%get3A_4, %get3A_5] : memref<32x1024xf32, #tpu.memory_space<vmem>>, vector<32x1024xf32>
    %dot_general3A_7 = arith.constant dense<0.000000e+00> : vector<1024x1xf32>
    %dot_general3A_8 = tpu.matmul %get3A_6, %broadcast_in_dim3A_0, %dot_general3A_7 {dimension_numbers = #tpu.dot_dimension_numbers<[0], [0], [1], [1], [0, 1, 1, 1], [], []>, transpose_lhs_hint = false} : vector<32x1024xf32>, vector<32x1xf32>, vector<1024x1xf32> -> vector<1024x1xf32>
    %add3A = arith.addf %dot_general3A_3, %dot_general3A_8 : vector<1024x1xf32>
    %max3A = arith.constant 1.000000e+00 : f32
    %max3A_9 = vector.broadcast %max3A : f32 to vector<1024x1xf32>
    %max3A_10 = arith.maximumf %add3A, %max3A_9 : vector<1024x1xf32>
    %get3A_11 = arith.constant 0 : index
    %get3A_12 = arith.constant 0 : index
    %get3A_13 = arith.constant 0 : index
    %get3A_14 = vector.load %arg2[%get3A_11, %get3A_12, %get3A_13] : memref<2x1024x128xf32, #tpu.memory_space<vmem>>, vector<1x1024x128xf32>
    %get3A_15 = vector.shape_cast %get3A_14 : vector<1x1024x128xf32> to vector<1024x128xf32>
    %get3A_16 = arith.constant 1 : index
    %get3A_17 = arith.constant 0 : index
    %get3A_18 = arith.constant 0 : index
    %get3A_19 = vector.load %arg2[%get3A_16, %get3A_17, %get3A_18] : memref<2x1024x128xf32, #tpu.memory_space<vmem>>, vector<1x1024x128xf32>
    %get3A_20 = vector.shape_cast %get3A_19 : vector<1x1024x128xf32> to vector<1024x128xf32>
    %add3A_21 = arith.addf %get3A_15, %get3A_20 : vector<1024x128xf32>
    %get3A_22 = arith.constant 0 : index
    %get3A_23 = arith.constant 0 : index
    %get3A_24 = arith.constant 0 : index
    %get3A_25 = vector.load %arg3[%get3A_22, %get3A_23, %get3A_24] : memref<2x1024x128xf32, #tpu.memory_space<vmem>>, vector<1x1024x128xf32>
    %get3A_26 = vector.shape_cast %get3A_25 : vector<1x1024x128xf32> to vector<1024x128xf32>
    %add3A_27 = arith.addf %add3A_21, %get3A_26 : vector<1024x128xf32>
    %get3A_28 = arith.constant 1 : index
    %get3A_29 = arith.constant 0 : index
    %get3A_30 = arith.constant 0 : index
    %get3A_31 = vector.load %arg3[%get3A_28, %get3A_29, %get3A_30] : memref<2x1024x128xf32, #tpu.memory_space<vmem>>, vector<1x1024x128xf32>
    %get3A_32 = vector.shape_cast %get3A_31 : vector<1x1024x128xf32> to vector<1024x128xf32>
    %add3A_33 = arith.addf %add3A_27, %get3A_32 : vector<1024x128xf32>
    %div3A = vector.broadcast %max3A_10 : vector<1024x1xf32> to vector<1024x128xf32>
    %div3A_34 = arith.divf %add3A_33, %div3A : vector<1024x128xf32>
    %get3A_35 = arith.constant 0 : index
    %get3A_36 = arith.constant 0 : index
    %get3A_37 = vector.load %arg1[%get3A_35, %get3A_36] : memref<1024x128xf32, #tpu.memory_space<vmem>>, vector<1024x128xf32>
    %get3A_38 = arith.constant 0 : index
    %get3A_39 = arith.constant 0 : index
    %get3A_40 = vector.load %arg6[%get3A_38, %get3A_39] : memref<128x128xf32, #tpu.memory_space<vmem>>, vector<128x128xf32>
    %dot_general3A_41 = arith.constant dense<0.000000e+00> : vector<1024x128xf32>
    %dot_general3A_42 = tpu.matmul %get3A_37, %get3A_40, %dot_general3A_41 {dimension_numbers = #tpu.dot_dimension_numbers<[1], [0], [0], [1], [0, 0, 1, 1], [], []>, transpose_lhs_hint = false} : vector<1024x128xf32>, vector<128x128xf32>, vector<1024x128xf32> -> vector<1024x128xf32>
    %get3A_43 = arith.constant 0 : index
    %get3A_44 = arith.constant 0 : index
    %get3A_45 = vector.load %arg7[%get3A_43, %get3A_44] : memref<128x128xf32, #tpu.memory_space<vmem>>, vector<128x128xf32>
    %dot_general3A_46 = arith.constant dense<0.000000e+00> : vector<1024x128xf32>
    %dot_general3A_47 = tpu.matmul %div3A_34, %get3A_45, %dot_general3A_46 {dimension_numbers = #tpu.dot_dimension_numbers<[1], [0], [0], [1], [0, 0, 1, 1], [], []>, transpose_lhs_hint = false} : vector<1024x128xf32>, vector<128x128xf32>, vector<1024x128xf32> -> vector<1024x128xf32>
    %add3A_48 = arith.addf %dot_general3A_42, %dot_general3A_47 : vector<1024x128xf32>
    %get3A_49 = arith.constant 0 : index
    %get3A_50 = arith.constant 0 : index
    %get3A_51 = vector.load %arg8[%get3A_49, %get3A_50] : memref<1x128xf32, #tpu.memory_space<vmem>>, vector<1x128xf32>
    %add3A_52 = vector.broadcast %get3A_51 : vector<1x128xf32> to vector<1024x128xf32>
    %add3A_53 = arith.addf %add3A_48, %add3A_52 : vector<1024x128xf32>
    %max3A_54 = arith.constant 0.000000e+00 : f32
    %max3A_55 = vector.broadcast %max3A_54 : f32 to vector<1024x128xf32>
    %max3A_56 = arith.maximumf %add3A_53, %max3A_55 : vector<1024x128xf32>
    %get3A_57 = arith.constant 0 : index
    %get3A_58 = arith.constant 0 : index
    %get3A_59 = vector.load %arg9[%get3A_57, %get3A_58] : memref<128x128xf32, #tpu.memory_space<vmem>>, vector<128x128xf32>
    %dot_general3A_60 = arith.constant dense<0.000000e+00> : vector<1024x128xf32>
    %dot_general3A_61 = tpu.matmul %max3A_56, %get3A_59, %dot_general3A_60 {dimension_numbers = #tpu.dot_dimension_numbers<[1], [0], [0], [1], [0, 0, 1, 1], [], []>, transpose_lhs_hint = false} : vector<1024x128xf32>, vector<128x128xf32>, vector<1024x128xf32> -> vector<1024x128xf32>
    %get3A_62 = arith.constant 0 : index
    %get3A_63 = arith.constant 0 : index
    %get3A_64 = vector.load %arg10[%get3A_62, %get3A_63] : memref<1x128xf32, #tpu.memory_space<vmem>>, vector<1x128xf32>
    %add3A_65 = vector.broadcast %get3A_64 : vector<1x128xf32> to vector<1024x128xf32>
    %add3A_66 = arith.addf %dot_general3A_61, %add3A_65 : vector<1024x128xf32>
    %swap3A = arith.constant 0 : index
    %swap3A_67 = arith.constant 0 : index
    %swap3A_68 = vector.load %arg11[%swap3A, %swap3A_67] : memref<1024x128xf32, #tpu.memory_space<vmem>>, vector<1024x128xf32>
    tpu.vector_store %arg11[%swap3A, %swap3A_67], %add3A_66 {strides = array<i32>} : memref<1024x128xf32, #tpu.memory_space<vmem>>, vector<1024x128xf32>,
    return
  }
  func.func @transform_0(%arg0: i32) -> (i32, i32) {
    %c0_i32 = arith.constant 0 : i32
    %c0_i32_0 = arith.constant 0 : i32
    return %arg0, %c0_i32 : i32, i32
  }
  func.func @transform_1(%arg0: i32) -> (i32, i32, i32) {
    %c0_i32 = arith.constant 0 : i32
    %c0_i32_0 = arith.constant 0 : i32
    %c0_i32_1 = arith.constant 0 : i32
    return %c0_i32, %arg0, %c0_i32_0 : i32, i32, i32
  }
  func.func @transform_2(%arg0: i32) -> (i32, i32, i32) {
    %c0_i32 = arith.constant 0 : i32
    %c0_i32_0 = arith.constant 0 : i32
    %c0_i32_1 = arith.constant 0 : i32
    return %c0_i32, %arg0, %c0_i32_0 : i32, i32, i32
  }
  func.func @transform_3(%arg0: i32) -> (i32, i32) {
    %c0_i32 = arith.constant 0 : i32
    %c0_i32_0 = arith.constant 0 : i32
    return %c0_i32, %arg0 : i32, i32
  }
  func.func @transform_4(%arg0: i32) -> (i32, i32) {
    %c0_i32 = arith.constant 0 : i32
    %c0_i32_0 = arith.constant 0 : i32
    return %c0_i32, %arg0 : i32, i32
  }
  func.func @transform_5(%arg0: i32) -> (i32, i32) {
    %c0_i32 = arith.constant 0 : i32
    %c0_i32_0 = arith.constant 0 : i32
    %c0_i32_1 = arith.constant 0 : i32
    return %c0_i32, %c0_i32_0 : i32, i32
  }
  func.func @transform_6(%arg0: i32) -> (i32, i32) {
    %c0_i32 = arith.constant 0 : i32
    %c0_i32_0 = arith.constant 0 : i32
    %c0_i32_1 = arith.constant 0 : i32
    return %c0_i32, %c0_i32_0 : i32, i32
  }
  func.func @transform_7(%arg0: i32) -> (i32, i32) {
    %c0_i32 = arith.constant 0 : i32
    %c0_i32_0 = arith.constant 0 : i32
    %c0_i32_1 = arith.constant 0 : i32
    return %c0_i32, %c0_i32_0 : i32, i32
  }
  func.func @transform_8(%arg0: i32) -> (i32, i32) {
    %c0_i32 = arith.constant 0 : i32
    %c0_i32_0 = arith.constant 0 : i32
    %c0_i32_1 = arith.constant 0 : i32
    return %c0_i32, %c0_i32_0 : i32, i32
  }
  func.func @transform_9(%arg0: i32) -> (i32, i32) {
    %c0_i32 = arith.constant 0 : i32
    %c0_i32_0 = arith.constant 0 : i32
    %c0_i32_1 = arith.constant 0 : i32
    return %c0_i32, %c0_i32_0 : i32, i32
  }
  func.func @transform_10(%arg0: i32) -> (i32, i32) {
    %c0_i32 = arith.constant 0 : i32
    %c0_i32_0 = arith.constant 0 : i32
    return %arg0, %c0_i32 : i32, i32
  }
}

</mosaic_0001>

<sc_bundles>
// kernel: kernel.10.cloned.1.call-start
scs
__scs_entry_jumppad:
0x0: {  	(pc) =	sbr.rel $0x88, $3  }
0x1: {  	(tag) =	ssettag $0x0;
	lr =	simm.s32 $0x1  }
0x2: {  	[smem:$0x3F96] =	sst lr;
	_ =	strace $0xD0000000  }
0x3: {  	_ = 	snop  }
0x4: {  	_ = 	snop  }
0x5: {  	_ = 	snop  }
0x6: {  	_ = 	snop  }
0x7: {  	_ = 	snop  }
__scs_overlays_trampoline_lowered:
0x8: {  	[smem:$0x3FA5] =	sst s0  }
0x9: {  	[smem:$0x3FA6] =	sst s1  }
0xa: {  	[smem:$0x3FA7] =	sst s2  }
0xb: {  	[smem:$0x3FA8] =	sst s3  }
0xc: {  	[smem:$0x3FA9] =	sst s4  }
0xd: {  	[smem:$0x3FAA] =	sst s5  }
0xe: {  	[smem:$0x3FAB] =	sst s6  }
0xf: {  	[smem:$0x3FAC] =	sst s7  }
0x10: {  	[smem:$0x3FAD] =	sst s8  }
0x11: {  	[smem:$0x3FAE] =	sst s9;
	s0 =	simm.s32 @!p0 $0x0  }
0x12: {  	s1 =	sld [smem:$0x3F94];
	s0 =	simm.s32 @p0 $0x1  }
0x13: {  	[smem:$0x3FAF] =	sst s0;
	s0 =	simm.s32 @!p1 $0x0  }
0x14: {  	s2 =	sld [smem:$0x3F93];
	s0 =	simm.s32 @p1 $0x1  }
0x15: {  	[smem:$0x3FB0] =	sst s0;
	s0 =	simm.s32 @!p2 $0x0  }
0x16: {  	s3 =	sld [smem:$0x3FDB];
	s0 =	simm.s32 @p2 $0x1  }
0x17: {  	s4 =	simm.s32 $0x1BF5;
	[smem:$0x3FB2] =	sst s0  }
0x18: {  	s0 =	sld [smem:$0x3F95];
	_ =	swait.ge [sflag:s4], $0x0  }
0x19: {  	s7 =	sld [smem:$0x3F96]  }
0x1a: {  	s8 =	sadd.s32 $0xFFFFE003, lr  }
0x1b: {  	s9 =	sadd.s32 $0xFFFFFEF7, lr;
	s5 =	simm.s32 $0xFFFFFFFF;
	p2 =	slt.u32 s8, $0xFFFFF086  }
0x1c: {  	p1 =	slt.u32 s9, $0xF7A;
	s5 =	simm.s32 @!p2 $0x0  }
0x1d: {  	s5 =	simm.s32 @p1 $0x1;
	p0 =	seq.s32 s7, s2  }
0x1e: {  	s7 =	smul.u32 @!p0 $0xF7A, s2;
	p2 =	seq.s32 @!p0 s5, $0x0  }
0x1f: {  	s9 =	smul.u32 $0xF7A, s1;
	s8 =	simm.s32 @!p0 $0x1BF5;
	p2 =	por !p2, p0  }
0x20: {  	[sflag:s8] =	ssyncset.s32 @!p0 $0xFFFFF086;
	s6 =	sadd.s32 @!p0 s3, s7;
	s7 =	simm.s32 @!p0 $0x108  }
0x21: {  	s3 =	sadd.s32 s3, s9;
	s6 =	sadd.s32 @!p0 $0x88, s6;
	s7 =	simm.s32 @p2 $0x1082  }
0x22: {  	[simem:s7], [sflag:s8] =	dma.local @!p0 [hbm:s6], $0xF7A  }
0x23: {  	s9 =	sor.u32 $0xD0000000, s2;
	s6 =	simm.s32 $0x108;
	_ =	swait.ge @!p0 [sflag:s8], $0x0  }
0x24: {  	s3 =	sadd.s32 $0x88, s3;
	s6 =	simm.s32 @!p1 $0x1082;
	[sflag:s4] =	ssyncset.s32 $0xFFFFF086  }
0x25: {  	[simem:s6], [sflag:s4] =	dma.local [hbm:s3], $0xF7A  }
0x26: {  	[smem:$0x3F96] =	sst s1;
	(tag) =	ssettag s2;
	_ =	strace s9  }
0x27: {  	s1 =	sld [smem:$0x3FA6]  }
0x28: {  	s2 =	sld [smem:$0x3FA7]  }
0x29: {  	s4 =	sld [smem:$0x3FA9]  }
0x2a: {  	p0 =	seq.s32 s5, $0x0;
	s5 =	sld [smem:$0x3FAA]  }
0x2b: {  	s6 =	sld [smem:$0x3FAB]  }
0x2c: {  	s7 =	sld [smem:$0x3FAC]  }
0x2d: {  	s3 =	simm.s32 $0x108;
	s8 =	sld [smem:$0x3FAD]  }
0x2e: {  	s3 =	simm.s32 @!p0 $0x1082;
	s9 =	sld [smem:$0x3FAE]  }
0x2f: {  	lr =	sadd.s32 s0, s3;
	s0 =	sld [smem:$0x3FA5]  }
0x30: {  	s3 =	sld [smem:$0x3FA8]  }
0x31: {  	[smem:$0x3FB1] =	sst s10  }
0x32: {  	s10 =	sld [smem:$0x3FAF];
	_ =	sdelay $0x3  }
0x33: {  	p0 =	seq.s32 s10, $0x1;
	s10 =	sld [smem:$0x3FB1];
	_ =	sdelay $0x3  }
0x34: {  	[smem:$0x3FB1] =	sst s10  }
0x35: {  	s10 =	sld [smem:$0x3FB0];
	_ =	sdelay $0x3  }
0x36: {  	p1 =	seq.s32 s10, $0x1;
	s10 =	sld [smem:$0x3FB1];
	_ =	sdelay $0x3  }
0x37: {  	[smem:$0x3FB1] =	sst s10  }
0x38: {  	s10 =	sld [smem:$0x3FB2]  }
0x39: {  	_ = 	snop;
	(pc) =	sbr.ind lr, $3  }
0x3a: {  	_ = 	snop  }
0x3b: {  	_ = 	snop  }
0x3c: {  	p2 =	seq.s32 s10, $0x1;
	s10 =	sld [smem:$0x3FB1]  }
0x3d: {  	_ =	shalt  }
0x3e: {  	_ =	shalt  }
0x3f: {  	_ =	shalt  }
0x40: {  	_ =	shalt  }
0x41: {  	_ =	shalt  }
0x42: {  	_ =	shalt  }
0x43: {  	_ =	shalt  }
0x44: {  	_ =	shalt  }
0x45: {  	_ =	shalt  }
0x46: {  	_ =	shalt  }
0x47: {  	_ =	shalt  }
0x48: {  	_ =	shalt  }
0x49: {  	_ =	shalt  }
0x4a: {  	_ =	shalt  }
0x4b: {  	_ =	shalt  }
0x4c: {  	_ =	shalt  }
0x4d: {  	_ =	shalt  }
0x4e: {  	_ =	shalt  }
0x4f: {  	_ =	shalt  }
0x50: {  	_ =	shalt  }
0x51: {  	_ =	shalt  }
0x52: {  	_ =	shalt  }
0x53: {  	_ =	shalt  }
0x54: {  	_ =	shalt  }
0x55: {  	_ =	shalt  }
0x56: {  	_ =	shalt  }
0x57: {  	_ =	shalt  }
0x58: {  	_ =	shalt  }
0x59: {  	_ =	shalt  }
0x5a: {  	_ =	shalt  }
0x5b: {  	_ =	shalt  }
0x5c: {  	_ =	shalt  }
0x5d: {  	_ =	shalt  }
0x5e: {  	_ =	shalt  }
0x5f: {  	_ =	shalt  }
0x60: {  	_ =	shalt  }
0x61: {  	_ =	shalt  }
0x62: {  	_ =	shalt  }
0x63: {  	_ =	shalt  }
0x64: {  	_ =	shalt  }
0x65: {  	_ =	shalt  }
0x66: {  	_ =	shalt  }
0x67: {  	_ =	shalt  }
0x68: {  	_ =	shalt  }
0x69: {  	_ =	shalt  }
0x6a: {  	_ =	shalt  }
0x6b: {  	_ =	shalt  }
0x6c: {  	_ =	shalt  }
0x6d: {  	_ =	shalt  }
0x6e: {  	_ =	shalt  }
0x6f: {  	_ =	shalt  }
0x70: {  	_ =	shalt  }
0x71: {  	_ =	shalt  }
0x72: {  	_ =	shalt  }
0x73: {  	_ =	shalt  }
0x74: {  	_ =	shalt  }
0x75: {  	_ =	shalt  }
0x76: {  	_ =	shalt  }
0x77: {  	_ =	shalt  }
0x78: {  	_ =	shalt  }
0x79: {  	_ =	shalt  }
0x7a: {  	_ =	shalt  }
0x7b: {  	_ =	shalt  }
0x7c: {  	_ =	shalt  }
0x7d: {  	_ =	shalt  }
0x7e: {  	_ =	shalt  }
0x7f: {  	_ =	shalt  }
0x80: {  	_ =	shalt  }
0x81: {  	_ =	shalt  }
0x82: {  	_ =	shalt  }
0x83: {  	_ =	shalt  }
0x84: {  	_ =	shalt  }
0x85: {  	_ =	shalt  }
0x86: {  	_ =	shalt  }
0x87: {  	_ =	shalt  }
.Lfunc_end0:
.L_simem_size_0:
called_computation_lowered:
.L_overlay_start_0:
0x88: {  	s2 =	sld [smem:$0x3FD9]  }
0x89: {  	s3 =	sld [smem:$0x3FFE];
	_ =	sdelay $0x1  }
0x8a: {  	s1 =	srdreg.scid  }
0x8b: {  	s0 =	sand.u32 $0x1, s1  }
0x8c: {  	s17 =	sshll.u32 s0, $0xA;
	s2 =	sadd.s32 s3, s2  }
0x8d: {  	s2 =	sadd.s32 s2, s17  }
0x8e: {  	[smem:$0x3FBD] =	sst s2  }
0x8f: {  	_ = 	snop  }
0x90: {  	(tm) =	ssettm $0x1  }
0x91: {  	s18 =	sld [smem:$0x3FFB];
	_ =	sdelay $0x3  }
0x92: {  	_ =	strace s18  }
0x93: {  	s2 =	sld [smem:$0x3FFC];
	_ =	sdelay $0x3  }
0x94: {  	_ =	strace s2  }
0x95: {  	s2 =	sld [smem:$0x3FFD];
	_ =	sdelay $0x3  }
0x96: {  	_ =	strace s2  }
0x97: {  	_ =	strace $0x8FFFFFFF  }
0x98: {  	s19 =	sld [smem:$0x3FDB];
	_ =	sdelay $0x1  }
0x99: {  	s20 =	simm.s32 $_scs_section_size  }
0x9a: {  	s4 =	simm.s32 $_size__tile_overlayer_lowered;
	s5 =	simm.s32 $_tile_overlayer_lowered  }
0x9b: {  	s6 =	simm.s32 $0x1BFF;
	s21 =	sshll.u32 s5, $0x1;
	s3 =	sadd.s32 s20, s19  }
0x9c: {  	s22 =	simm.s32 $0x0;
	s4 =	sshll.u32 s4, $0x1;
	s5 =	sadd.s32 s21, s3  }
0x9d: {  	[timem:s22], [sflag:s6] =	dma.local [hbm:s5], s4  }
0x9e: {  	_ =	swait.ge [sflag:s6], s4  }
0x9f: {  	s4 =	ssub.s32 $0x0, s4;
	[sflag:s6] =	ssyncset.done $0x0  }
0xa0: {  	[sflag:s6] =	ssyncadd.s32 s4;
	_ =	sdelay $0x1  }
0xa1: {  	s23 =	simm.s32 $0x1B8B  }
0xa2: {  	_ =	swait.ge [sflag:s23], $0x1  }
0xa3: {  	[sflag:s23] =	ssyncset.done $0x0  }
0xa4: {  	[sflag:s23] =	ssyncadd.s32 $0xFFFFFFFF  }
0xa5: {  	s4 =	sld [smem:$0x0]  }
0xa6: {  	s5 =	sand.u32 $0xFFFFFFFE, s1  }
0xa7: {  	p0 =	sne.s32 s1, s5  }
0xa8: {  	s5 =	sshll.u32 @p0 s5, $0xE  }
0xa9: {  	s5 =	sadd.s32 @p0 $0x11B8D, s5;
	s6 =	sshll.u32 @p0 s4, $0x11  }
0xaa: {  	s5 =	sor.u32 @p0 s6, s5  }
0xab: {  	[sflag:s5] =	ssyncadd.remote.s32 @p0 $0x1;
	_ =	sdelay $0x1  }
0xac: {  	s5 =	simm.s32 @p0 $0x1B8D  }
0xad: {  	_ =	swait.eq @p0 [sflag:s5], $0x1  }
0xae: {  	[sflag:s5] =	ssyncadd.s32 @p0 $0xFFFFFFFF  }
0xaf: {  	s6 =	sshll.u32 @!p0 s1, $0xE  }
0xb0: {  	s6 =	sor.u32 @!p0 $0x4000, s6;
	s5 =	simm.s32 @!p0 $0x1B8D  }
0xb1: {  	s4 =	sshll.u32 @!p0 s4, $0x11;
	s6 =	sadd.s32 @!p0 $0x11B8D, s6;
	_ =	swait.eq @!p0 [sflag:s5], $0x1  }
0xb2: {  	s4 =	sor.u32 @!p0 s4, s6;
	[sflag:s5] =	ssyncadd.s32 @!p0 $0xFFFFFFFF  }
0xb3: {  	s25 =	simm.s32 $0x1B8E;
	s24 =	sld [smem:$0x3FFE];
	[sflag:s4] =	ssyncadd.remote.s32 @!p0 $0x1  }
0xb4: {  	s26 =	simm.s32 $execute0_lowered;
	[smem:$0x3FD2] =	sst s25  }
0xb5: {  	s5 =	sshll.u32 s26, $0x1;
	_ =	strace $0x80000049;
	[dreg:$0x1] =	wrdreg $0xFFFFFFFF  }
0xb6: {  	s28 =	simm.s32 $_size_execute0_lowered;
	s3 =	sadd.s32 s3, s5;
	[dreg:$0x0] =	wrdreg $0x0  }
0xb7: {  	s5 =	sshll.u32 s28, $0x1;
	[dreg:$0x2] =	wrdreg s3  }
0xb8: {  	[dreg:$0x3] =	wrdreg s5  }
0xb9: {  	[dreg:$0x4] =	wrdreg $0xC0  }
0xba: {  	_ =	task [dreg:s22], $0x5FFFF  }
0xbb: {  	[dreg:$0x1] =	wrdreg $0xFFFFFFFF  }
0xbc: {  	[dreg:$0x0] =	wrdreg $0x60  }
0xbd: {  	[dreg:$0x2] =	wrdreg s24  }
0xbe: {  	[dreg:$0x3] =	wrdreg $0x0  }
0xbf: {  	[dreg:$0x4] =	wrdreg $0x9  }
0xc0: {  	_ =	task.clear_ibuf [dreg:s22], $0x5FFFF;
	_ =	strace $0x90000049  }
0xc1: {  	s29 =	simm.s32 $0x9;
	_ =	strace $0x8000004B  }
0xc2: {  	_ =	swait.ge [sflag:s29], $0x1  }
0xc3: {  	[sflag:s29] =	ssyncadd.s32 $0xFFFFFFFF  }
0xc4: {  	_ =	strace $0x9000004B  }
0xc5: {  	_ =	sfence  }
0xc6: {  	s30 =	sld [smem:$0x0];
	_ =	sdelay $0x2  }
0xc7: {  	s31 =	sshll.u32 s1, $0xD;
	s1 =	sshrl.u32 s1, $0x2  }
0xc8: {  	s4 =	sand.u32 $0x4000, s31;
	s1 =	sadd.s32 s1, s30  }
0xc9: {  	s0 =	sor.u32 s4, s0;
	s1 =	sshll.u32 s1, $0x11  }
0xca: {  	s0 =	sor.u32 s1, s0  }
0xcb: {  	s0 =	sadd.s32 $0x8F2B, s0  }
0xcc: {  	[sflag:s0] =	ssyncadd.remote.s32 $0x1  }
0xcd: {  	_ =	sfence.sel $0xFFFF  }
0xce: {  	[dreg:$0x0] =	wrdreg $0xFFFFFFFF;
	(pc) =	sbr.abs _section_cstart, $3  }
0xcf: {  	[dreg:$0x1] =	wrdreg $0xFFFFFFFF  }
0xd0: {  	_ =	task.clear_ibuf [dreg:s22], $0x2FFFF;
	_ =	strace $0x9FFFFFFF  }
0xd1: {  	(tm) =	ssettm $0x7FFFFFFF  }
tec
execute0_lowered:
.L_overlay_start_1:
0x0: {  	(tag) =	ssettag $0x1  }
0x1: {  	s0 =	rddreg [dreg:$0x0];
	s16 =	stileid.u32  }
0x2: {  	s1 =	rddreg [dreg:$0x1];
	s4 =	smul.u32 $0x280, s16  }
0x3: {  	s2 =	srdreg.scid;
	s30 =	simm.s32 $0x1C800;
	s7 =	smul.u32 $0x2800, s16  }
0x4: {  	s31 =	simm.s32 $0x7;
	s3 =	sadd.s32 $0x34200, s0;
	s22 =	smul.u32 $0x26C00, s16  }
0x5: {  	s2 =	sand.u32 $0x1, s2;
	s5 =	sshll.u32 s16, $0x1;
	s25 =	smul.u32 $0x50000, s16  }
0x6: {  	s6 =	ssub.s32 $0x2, s2;
	s5 =	sor.u32 s2, s5;
	s2 =	smul.u32 $0x13600, s2  }
0x7: {  	s8 =	sshrl.u32 s6, $0x1;
	s9 =	sor.u32 $0x40, s4;
	s7 =	sadd.s32 s3, s7  }
0x8: {  	s13 =	sadd.s32 $0x100, s4;
	s24 =	sshll.u32 s5, $0xA;
	s5 =	smul.u32 $0x1360, s5  }
0x9: {  	s26 =	sshrl.u32 s25, $0x2;
	s6 =	ssub.s32 s6, s8;
	[dreg:$0x3] =	wrdreg s7  }
0xa: {  	s17 =	sshll.u32 s9, $0x4;
	s8 =	sadd.s32 $0xC0, s4;
	s19 =	sshll.u32 s13, $0x4  }
0xb: {  	s13 =	sshll.u32 s13, $0x7;
	s7 =	sadd.s32 s3, s17;
	s11 =	sshll.u32 s8, $0x4  }
0xc: {  	s17 =	sadd.s32 $0x960, s5;
	s5 =	sshll.u32 s9, $0x7;
	[dreg:$0x4] =	wrdreg s7  }
0xd: {  	s7 =	sadd.s32 $0x80, s4;
	s18 =	sadd.s32 s3, s11;
	s11 =	sadd.s32 $0x180, s4  }
0xe: {  	s10 =	sshll.u32 s7, $0x4;
	[dreg:$0x6] =	wrdreg s18;
	s14 =	sshll.u32 s11, $0x4  }
0xf: {  	s18 =	sadd.s32 $0x1C0, s4;
	s10 =	sadd.s32 s3, s10;
	s20 =	sadd.s32 s3, s14  }
0x10: {  	s21 =	sshll.u32 s18, $0x4;
	s14 =	sadd.s32 s2, s22;
	s2 =	sadd.s32 s24, s0  }
0x11: {  	s24 =	sshll.u32 s18, $0x7;
	s18 =	simm.s32 $0x0;
	[dreg:$0x5] =	wrdreg s10  }
0x12: {  	s10 =	sadd.s32 s3, s19;
	[dreg:$0x9] =	wrdreg s20;
	s19 =	sadd.s32 $0x200, s4  }
0x13: {  	s16 =	sadd.s32 $0x2D7000, s2;
	s2 =	simm.s32 $0x15000;
	[dreg:$0x7] =	wrdreg s10  }
0x14: {  	s10 =	sadd.s32 $0x140, s4;
	s23 =	sshll.u32 s19, $0x4;
	s4 =	sadd.s32 $0x240, s4  }
0x15: {  	s25 =	sshll.u32 s19, $0x7;
	s12 =	sshll.u32 s10, $0x4;
	s15 =	sshll.u32 s4, $0x4  }
0x16: {  	s20 =	sshll.u32 s10, $0x7;
	s28 =	sadd.s32 s25, s1;
	s12 =	sadd.s32 s3, s12  }
0x17: {  	s10 =	simm.s32 $0x14000;
	s22 =	sadd.s32 s20, s1;
	[dreg:$0x8] =	wrdreg s12  }
0x18: {  	s12 =	sadd.s32 s3, s21;
	s21 =	sshll.u32 s11, $0x7;
	s11 =	simm.s32 $0x6  }
0x19: {  	[dreg:$0xa] =	wrdreg s12;
	s12 =	sadd.s32 s3, s23;
	s3 =	sadd.s32 s3, s15  }
0x1a: {  	s15 =	sadd.s32 $0x2DF000, s0;
	s0 =	sadd.s32 s26, s1;
	[dreg:$0xb] =	wrdreg s12  }
0x1b: {  	s23 =	sadd.s32 s21, s1;
	s12 =	simm.s32 $0x0;
	[dreg:$0xc] =	wrdreg s3  }
0x1c: {  	s26 =	sshll.u32 s4, $0x7;
	s3 =	smax.u32 s6, $0x1;
	[smem:$0x7FF] =	sst s12  }
0x1d: {  	s6 =	sshll.u32 s7, $0x7;
	_ =	strace $0x8000004A;
	[dreg:$0xd] =	wrdreg s3  }
0x1e: {  	s7 =	sshll.u32 s8, $0x7;
	s8 =	sadd.s32 s6, s1;
	[dreg:$0xe] =	wrdreg s0  }
0x1f: {  	s4 =	simm.s32 $0x1A000;
	s9 =	sadd.s32 s7, s1;
	[dreg:$0x10] =	wrdreg s8  }
0x20: {  	s29 =	sadd.s32 s26, s1;
	s6 =	simm.s32 $0x2;
	[dreg:$0x11] =	wrdreg s9  }
0x21: {  	s7 =	simm.s32 $0x3;
	s0 =	sadd.s32 s5, s1;
	[dreg:$0x13] =	wrdreg s22  }
0x22: {  	[dreg:$0x14] =	wrdreg s23;
	s3 =	simm.s32 $0x17800;
	s5 =	simm.s32 $0x1  }
0x23: {  	s8 =	simm.s32 $0x4;
	[dreg:$0xf] =	wrdreg s0;
	s0 =	sadd.s32 s13, s1  }
0x24: {  	s9 =	simm.s32 $0x5;
	[dreg:$0x12] =	wrdreg s0;
	s0 =	sadd.s32 s24, s1  }
0x25: {  	s13 =	simm.s32 $0x14F00;
	[dreg:$0x15] =	wrdreg s0;
	s0 =	simm.s32 $0x50  }
.LBB2_1:
0x26: {  	s19 =	rddreg [dreg:$0x3]  }
0x27: {  	[tilespmem:s30], [sflag:$0x7] =	stream.linear.gather [hbm4b:s19+s12], $0x2000, $0x38;
	[tilespmem:$0x1E800] =	vst v63  }
0x28: {  	_ =	swait.ge [sflag:s31], $0x2000  }
0x29: {  	[sflag:s31] =	ssyncset.done $0x0  }
0x2a: {  	s24 =	rddreg [dreg:$0xe];
	[sflag:s31] =	ssyncadd.s32 $0xFFFFE000  }
0x2b: {  	[spmem:s24] =	stream.linear.scatter [tilespmem:s30], [sflag:$0x7], $0x2000, $0x38;
	[tilespmem:$0x1E800] =	vst v63  }
0x2c: {  	_ =	swait.ge [sflag:s31], $0x2000  }
0x2d: {  	[sflag:s31] =	ssyncset.done $0x0  }
0x2e: {  	s25 =	rddreg [dreg:$0x4];
	[sflag:s31] =	ssyncadd.s32 $0xFFFFE000  }
0x2f: {  	[tilespmem:s30], [sflag:$0x7] =	stream.linear.gather [hbm4b:s25+s12], $0x2000, $0x38;
	[tilespmem:$0x1E800] =	vst v63  }
0x30: {  	_ =	swait.ge [sflag:s31], $0x2000  }
0x31: {  	[sflag:s31] =	ssyncset.done $0x0  }
0x32: {  	s26 =	rddreg [dreg:$0xf];
	[sflag:s31] =	ssyncadd.s32 $0xFFFFE000  }
0x33: {  	[spmem:s26] =	stream.linear.scatter [tilespmem:s30], [sflag:$0x7], $0x2000, $0x38;
	[tilespmem:$0x1E800] =	vst v63  }
0x34: {  	_ =	swait.ge [sflag:s31], $0x2000  }
0x35: {  	[sflag:s31] =	ssyncset.done $0x0  }
0x36: {  	s20 =	rddreg [dreg:$0x5];
	[sflag:s31] =	ssyncadd.s32 $0xFFFFE000  }
0x37: {  	[tilespmem:s30], [sflag:$0x7] =	stream.linear.gather [hbm4b:s20+s12], $0x2000, $0x38;
	[tilespmem:$0x1E800] =	vst v63  }
0x38: {  	_ =	swait.ge [sflag:s31], $0x2000  }
0x39: {  	[sflag:s31] =	ssyncset.done $0x0  }
0x3a: {  	s21 =	rddreg [dreg:$0x10];
	[sflag:s31] =	ssyncadd.s32 $0xFFFFE000  }
0x3b: {  	[spmem:s21] =	stream.linear.scatter [tilespmem:s30], [sflag:$0x7], $0x2000, $0x38;
	[tilespmem:$0x1E800] =	vst v63  }
0x3c: {  	_ =	swait.ge [sflag:s31], $0x2000  }
0x3d: {  	[sflag:s31] =	ssyncset.done $0x0  }
0x3e: {  	s22 =	rddreg [dreg:$0x6];
	[sflag:s31] =	ssyncadd.s32 $0xFFFFE000  }
0x3f: {  	[tilespmem:s30], [sflag:$0x7] =	stream.linear.gather [hbm4b:s22+s12], $0x2000, $0x38;
	[tilespmem:$0x1E800] =	vst v63  }
0x40: {  	_ =	swait.ge [sflag:s31], $0x2000  }
0x41: {  	[sflag:s31] =	ssyncset.done $0x0  }
0x42: {  	s23 =	rddreg [dreg:$0x11];
	[sflag:s31] =	ssyncadd.s32 $0xFFFFE000  }
0x43: {  	[spmem:s23] =	stream.linear.scatter [tilespmem:s30], [sflag:$0x7], $0x2000, $0x38;
	[tilespmem:$0x1E800] =	vst v63  }
0x44: {  	_ =	swait.ge [sflag:s31], $0x2000  }
0x45: {  	[sflag:s31] =	ssyncset.done $0x0  }
0x46: {  	s24 =	rddreg [dreg:$0x7];
	[sflag:s31] =	ssyncadd.s32 $0xFFFFE000  }
0x47: {  	[tilespmem:s30], [sflag:$0x7] =	stream.linear.gather [hbm4b:s24+s12], $0x2000, $0x38;
	[tilespmem:$0x1E800] =	vst v63  }
0x48: {  	_ =	swait.ge [sflag:s31], $0x2000  }
0x49: {  	[sflag:s31] =	ssyncset.done $0x0  }
0x4a: {  	s25 =	rddreg [dreg:$0x12];
	[sflag:s31] =	ssyncadd.s32 $0xFFFFE000  }
0x4b: {  	[spmem:s25] =	stream.linear.scatter [tilespmem:s30], [sflag:$0x7], $0x2000, $0x38;
	[tilespmem:$0x1E800] =	vst v63  }
0x4c: {  	_ =	swait.ge [sflag:s31], $0x2000  }
0x4d: {  	[sflag:s31] =	ssyncset.done $0x0  }
0x4e: {  	s26 =	rddreg [dreg:$0x8];
	[sflag:s31] =	ssyncadd.s32 $0xFFFFE000  }
0x4f: {  	[tilespmem:s30], [sflag:$0x7] =	stream.linear.gather [hbm4b:s26+s12], $0x2000, $0x38;
	[tilespmem:$0x1E800] =	vst v63  }
0x50: {  	_ =	swait.ge [sflag:s31], $0x2000  }
0x51: {  	[sflag:s31] =	ssyncset.done $0x0  }
0x52: {  	s20 =	rddreg [dreg:$0x13];
	[sflag:s31] =	ssyncadd.s32 $0xFFFFE000  }
0x53: {  	[spmem:s20] =	stream.linear.scatter [tilespmem:s30], [sflag:$0x7], $0x2000, $0x38;
	[tilespmem:$0x1E800] =	vst v63  }
0x54: {  	_ =	swait.ge [sflag:s31], $0x2000  }
0x55: {  	[sflag:s31] =	ssyncset.done $0x0  }
0x56: {  	s21 =	rddreg [dreg:$0x9];
	[sflag:s31] =	ssyncadd.s32 $0xFFFFE000  }
0x57: {  	[tilespmem:s30], [sflag:$0x7] =	stream.linear.gather [hbm4b:s21+s12], $0x2000, $0x38;
	[tilespmem:$0x1E800] =	vst v63  }
0x58: {  	_ =	swait.ge [sflag:s31], $0x2000  }
0x59: {  	[sflag:s31] =	ssyncset.done $0x0  }
0x5a: {  	s22 =	rddreg [dreg:$0x14];
	[sflag:s31] =	ssyncadd.s32 $0xFFFFE000  }
0x5b: {  	[spmem:s22] =	stream.linear.scatter [tilespmem:s30], [sflag:$0x7], $0x2000, $0x38;
	[tilespmem:$0x1E800] =	vst v63  }
0x5c: {  	_ =	swait.ge [sflag:s31], $0x2000  }
0x5d: {  	[sflag:s31] =	ssyncset.done $0x0  }
0x5e: {  	s23 =	rddreg [dreg:$0xa];
	[sflag:s31] =	ssyncadd.s32 $0xFFFFE000  }
0x5f: {  	[tilespmem:s30], [sflag:$0x7] =	stream.linear.gather [hbm4b:s23+s12], $0x2000, $0x38;
	[tilespmem:$0x1E800] =	vst v63  }
0x60: {  	_ =	swait.ge [sflag:s31], $0x2000  }
0x61: {  	[sflag:s31] =	ssyncset.done $0x0  }
0x62: {  	s24 =	rddreg [dreg:$0x15];
	[sflag:s31] =	ssyncadd.s32 $0xFFFFE000  }
0x63: {  	[spmem:s24] =	stream.linear.scatter [tilespmem:s30], [sflag:$0x7], $0x2000, $0x38;
	[tilespmem:$0x1E800] =	vst v63  }
0x64: {  	_ =	swait.ge [sflag:s31], $0x2000  }
0x65: {  	[sflag:s31] =	ssyncset.done $0x0  }
0x66: {  	s25 =	rddreg [dreg:$0xb];
	[sflag:s31] =	ssyncadd.s32 $0xFFFFE000  }
0x67: {  	[tilespmem:s30], [sflag:$0x7] =	stream.linear.gather [hbm4b:s25+s12], $0x2000, $0x38;
	[tilespmem:$0x1E800] =	vst v63  }
0x68: {  	_ =	swait.ge [sflag:s31], $0x2000  }
0x69: {  	[sflag:s31] =	ssyncset.done $0x0  }
0x6a: {  	[sflag:s31] =	ssyncadd.s32 $0xFFFFE000  }
0x6b: {  	[spmem:s28] =	stream.linear.scatter [tilespmem:s30], [sflag:$0x7], $0x2000, $0x38;
	[tilespmem:$0x1E800] =	vst v63  }
0x6c: {  	_ =	swait.ge [sflag:s31], $0x2000  }
0x6d: {  	[sflag:s31] =	ssyncset.done $0x0  }
0x6e: {  	s26 =	rddreg [dreg:$0xc];
	[sflag:s31] =	ssyncadd.s32 $0xFFFFE000  }
0x6f: {  	[tilespmem:s30], [sflag:$0x7] =	stream.linear.gather [hbm4b:s26+s12], $0x2000, $0x38;
	[tilespmem:$0x1E800] =	vst v63  }
0x70: {  	_ =	swait.ge [sflag:s31], $0x2000  }
0x71: {  	[sflag:s31] =	ssyncset.done $0x0  }
0x72: {  	[sflag:s31] =	ssyncadd.s32 $0xFFFFE000  }
0x73: {  	[spmem:s29] =	stream.linear.scatter [tilespmem:s30], [sflag:$0x7], $0x2000, $0x38;
	[tilespmem:$0x1E800] =	vst v63  }
0x74: {  	_ =	swait.ge [sflag:s31], $0x2000  }
0x75: {  	[sflag:s31] =	ssyncset.done $0x0  }
0x76: {  	[sflag:s31] =	ssyncadd.s32 $0xFFFFE000  }
0x77: {  	p1 =	por $0x1, $0x1;
	s19 =	simm.s32 $0x0;
	[bflag:$0x0] =	sbarrier.arrive $0xFFFF  }
.LBB2_2:
0x78: {  	s20 =	sshll.u32 s19, $0x9  }
0x79: {  	s21 =	simm.s32 $0x0;
	s20 =	sadd.s32 s20, s16  }
0x7a: {  	[tilespmem:s10], [sflag:$0x7] =	stream.linear.gather [hbm4b:s20+s21], $0xF80, $0x38;
	[tilespmem:$0x1E800] =	vst v63  }
0x7b: {  	_ =	swait.ge [sflag:s31], $0xF80  }
0x7c: {  	[sflag:s31] =	ssyncset.done $0x0  }
0x7d: {  	s22 =	simm.s32 $0x14000;
	[sflag:s31] =	ssyncadd.s32 $0xFFFFF080  }
0x7e: {  	[tilespmem:s2], [sflag:$0x1] =	stream.indirect.gather [spmem:s1], $0x80, s22, s0, $0xb8;
	[tilespmem:$0x1E800] =	vst v63  }
0x7f: {  	s23 =	simm.s32 $0x14080  }
0x80: {  	[tilespmem:s3], [sflag:$0x2] =	stream.indirect.gather [spmem:s1], $0x80, s23, s0, $0xb8;
	[tilespmem:$0x1E800] =	vst v63  }
0x81: {  	s24 =	smul.u32 $0x9B00, s19;
	s25 =	simm.s32 $0x14100  }
0x82: {  	[tilespmem:s4], [sflag:$0x3] =	stream.indirect.gather [spmem:s1], $0x80, s25, s0, $0xb8;
	[tilespmem:$0x1E800] =	vst v63  }
0x83: {  	_ =	swait.ge [sflag:s5], $0x2800  }
0x84: {  	s20 =	sadd.s32 s24, s15;
	[sflag:s5] =	ssyncset.done $0x0  }
0x85: {  	s26 =	sadd.s32 s14, s20;
	[sflag:s5] =	ssyncadd.s32 $0xFFFFD800  }
0x86: {  	[hbm4b:s26+s12] =	stream.linear.scatter [tilespmem:s2], [sflag:$0x4], $0x2800, $0x38;
	[tilespmem:$0x1E800] =	vst v63  }
0x87: {  	_ =	swait.ge [sflag:s6], $0x2800  }
0x88: {  	[sflag:s6] =	ssyncset.done $0x0  }
0x89: {  	s22 =	sadd.s32 $0x500, s26;
	[sflag:s6] =	ssyncadd.s32 $0xFFFFD800  }
0x8a: {  	[hbm4b:s22+s12] =	stream.linear.scatter [tilespmem:s3], [sflag:$0x5], $0x2800, $0x38;
	[tilespmem:$0x1E800] =	vst v63  }
0x8b: {  	_ =	swait.ge [sflag:s7], $0x2800  }
0x8c: {  	[sflag:s7] =	ssyncset.done $0x0  }
0x8d: {  	s21 =	sadd.s32 $0xA00, s26;
	[sflag:s7] =	ssyncadd.s32 $0xFFFFD800  }
0x8e: {  	[hbm4b:s21+s12] =	stream.linear.scatter [tilespmem:s4], [sflag:$0x6], $0x2800, $0x38;
	[tilespmem:$0x1E800] =	vst v63  }
0x8f: {  	_ =	swait.ge [sflag:s8], $0x2800  }
0x90: {  	[sflag:s8] =	ssyncset.done $0x0  }
0x91: {  	[sflag:s8] =	ssyncadd.s32 $0xFFFFD800  }
0x92: {  	_ =	swait.ge [sflag:s9], $0x2800  }
0x93: {  	[sflag:s9] =	ssyncset.done $0x0  }
0x94: {  	[sflag:s9] =	ssyncadd.s32 $0xFFFFD800  }
0x95: {  	p0 =	por p1, p1;
	s23 =	simm.s32 $0xC00;
	_ =	swait.ge [sflag:s11], $0x2800  }
0x96: {  	s22 =	simm.s32 $0x180;
	s21 =	sadd.s32 $0xF00, s14;
	[sflag:s11] =	ssyncset.done $0x0  }
.LBB2_3:
0x97: {  	s24 =	sadd.s32 $0x14000, s22  }
0x98: {  	[sflag:s11] =	ssyncadd.s32 $0xFFFFD800;
	s25 =	smov.u32 s23;
	s26 =	sadd.s32 $0x600, s23  }
0x99: {  	[tilespmem:s2], [sflag:$0x1] =	stream.indirect.gather [spmem:s1], $0x80, s24, s0, $0xb8;
	[tilespmem:$0x1E800] =	vst v63  }
0x9a: {  	p1 =	sne.s32 s23, $0x3600;
	s23 =	sadd.s32 $0x14080, s22  }
0x9b: {  	[tilespmem:s3], [sflag:$0x2] =	stream.indirect.gather [spmem:s1], $0x80, s23, s0, $0xb8;
	[tilespmem:$0x1E800] =	vst v63  }
0x9c: {  	s22 =	sadd.s32 $0x14100, s22  }
0x9d: {  	[tilespmem:s4], [sflag:$0x3] =	stream.indirect.gather [spmem:s1], $0x80, s22, s0, $0xb8;
	[tilespmem:$0x1E800] =	vst v63  }
0x9e: {  	_ =	swait.ge [sflag:s5], $0x2800  }
0x9f: {  	[sflag:s5] =	ssyncset.done $0x0  }
0xa0: {  	s22 =	sadd.s32 s21, s20;
	[sflag:s5] =	ssyncadd.s32 $0xFFFFD800  }
0xa1: {  	[hbm4b:s22+s12] =	stream.linear.scatter [tilespmem:s2], [sflag:$0x4], $0x2800, $0x38;
	[tilespmem:$0x1E800] =	vst v63  }
0xa2: {  	_ =	swait.ge [sflag:s6], $0x2800  }
0xa3: {  	[sflag:s6] =	ssyncset.done $0x0  }
0xa4: {  	s23 =	sadd.s32 $0x500, s22;
	[sflag:s6] =	ssyncadd.s32 $0xFFFFD800  }
0xa5: {  	[hbm4b:s23+s12] =	stream.linear.scatter [tilespmem:s3], [sflag:$0x5], $0x2800, $0x38;
	[tilespmem:$0x1E800] =	vst v63  }
0xa6: {  	_ =	swait.ge [sflag:s7], $0x2800  }
0xa7: {  	[sflag:s7] =	ssyncset.done $0x0  }
0xa8: {  	s22 =	sadd.s32 $0xA00, s22;
	[sflag:s7] =	ssyncadd.s32 $0xFFFFD800  }
0xa9: {  	[hbm4b:s22+s12] =	stream.linear.scatter [tilespmem:s4], [sflag:$0x6], $0x2800, $0x38;
	[tilespmem:$0x1E800] =	vst v63  }
0xaa: {  	_ =	swait.ge [sflag:s8], $0x2800  }
0xab: {  	[sflag:s8] =	ssyncset.done $0x0  }
0xac: {  	[sflag:s8] =	ssyncadd.s32 $0xFFFFD800  }
.Ltmp0:
0xad: {  	_ =	swait.ge [sflag:s9], $0x2800;
	(pc) =	sbr.rel @p1 .LBB2_3-.Ltmp0, $4  }
0xae: {  	[sflag:s9] =	ssyncset.done $0x0  }
0xaf: {  	[sflag:s9] =	ssyncadd.s32 $0xFFFFD800  }
0xb0: {  	s21 =	sadd.s32 $0xF00, s21;
	_ =	swait.ge [sflag:s11], $0x2800  }
0xb1: {  	s23 =	smov.u32 s26;
	s22 =	sshra.s32 s25, $0x2;
	[sflag:s11] =	ssyncset.done $0x0  }
0xb2: {  	s23 =	sadd.s32 $0x14000, s22;
	[sflag:s11] =	ssyncadd.s32 $0xFFFFD800  }
0xb3: {  	[tilespmem:s2], [sflag:$0x1] =	stream.indirect.gather [spmem:s1], $0x80, s23, s0, $0xb8;
	[tilespmem:$0x1E800] =	vst v63  }
0xb4: {  	s24 =	sadd.s32 $0x14080, s22  }
0xb5: {  	[tilespmem:s3], [sflag:$0x2] =	stream.indirect.gather [spmem:s1], $0x80, s24, s0, $0xb8;
	[tilespmem:$0x1E800] =	vst v63  }
0xb6: {  	s25 =	sadd.s32 $0x14100, s22  }
0xb7: {  	[tilespmem:s4], [sflag:$0x3] =	stream.indirect.gather [spmem:s1], $0x80, s25, s0, $0xb8;
	[tilespmem:$0x1E800] =	vst v63  }
0xb8: {  	_ =	swait.ge [sflag:s5], $0x2800  }
0xb9: {  	[sflag:s5] =	ssyncset.done $0x0  }
0xba: {  	s20 =	sadd.s32 s21, s20;
	[sflag:s5] =	ssyncadd.s32 $0xFFFFD800  }
0xbb: {  	[hbm4b:s20+s12] =	stream.linear.scatter [tilespmem:s2], [sflag:$0x4], $0x2800, $0x38;
	[tilespmem:$0x1E800] =	vst v63  }
0xbc: {  	_ =	swait.ge [sflag:s6], $0x2800  }
0xbd: {  	[sflag:s6] =	ssyncset.done $0x0  }
0xbe: {  	s21 =	sadd.s32 $0x500, s20;
	[sflag:s6] =	ssyncadd.s32 $0xFFFFD800  }
0xbf: {  	[hbm4b:s21+s12] =	stream.linear.scatter [tilespmem:s3], [sflag:$0x5], $0x2800, $0x38;
	[tilespmem:$0x1E800] =	vst v63  }
0xc0: {  	_ =	swait.ge [sflag:s7], $0x2800  }
0xc1: {  	[sflag:s7] =	ssyncset.done $0x0  }
0xc2: {  	s20 =	sadd.s32 $0xA00, s20;
	[sflag:s7] =	ssyncadd.s32 $0xFFFFD800  }
0xc3: {  	[hbm4b:s20+s12] =	stream.linear.scatter [tilespmem:s4], [sflag:$0x6], $0x2800, $0x38;
	[tilespmem:$0x1E800] =	vst v63  }
0xc4: {  	_ =	swait.ge [sflag:s8], $0x2800  }
0xc5: {  	[sflag:s8] =	ssyncset.done $0x0  }
0xc6: {  	[sflag:s8] =	ssyncadd.s32 $0xFFFFD800  }
0xc7: {  	_ =	swait.ge [sflag:s9], $0x2800  }
0xc8: {  	[sflag:s9] =	ssyncset.done $0x0  }
0xc9: {  	[sflag:s9] =	ssyncadd.s32 $0xFFFFD800  }
0xca: {  	_ =	swait.ge [sflag:s11], $0x2800  }
0xcb: {  	[sflag:s11] =	ssyncset.done $0x0  }
0xcc: {  	s19 =	smul.u32 $0x9B0, s19;
	s26 =	simm.s32 $0x1;
	[sflag:s11] =	ssyncadd.s32 $0xFFFFD800  }
0xcd: {  	[tilespmem:s2], [sflag:$0x1] =	stream.indirect.gather [spmem:s1], $0x80, s13, s0, $0xb8;
	[tilespmem:$0x1E800] =	vst v63  }
0xce: {  	s19 =	sadd.s32 s19, s17;
	_ =	swait.ge [sflag:s26], $0x2800  }
0xcf: {  	s19 =	sshll.u32 s19, $0x4;
	[sflag:s26] =	ssyncset.done $0x0  }
.Ltmp1:
0xd0: {  	s19 =	sadd.s32 s15, s19;
	[sflag:s26] =	ssyncadd.s32 $0xFFFFD800;
	(pc) =	sbr.rel @p0 .LBB2_2-.Ltmp1, $4  }
0xd1: {  	[hbm4b:s19+s12] =	stream.linear.scatter [tilespmem:s2], [sflag:$0x7], $0x2800, $0x38;
	[tilespmem:$0x1E800] =	vst v63  }
0xd2: {  	_ =	swait.ge [sflag:s31], $0x2800  }
0xd3: {  	[sflag:s31] =	ssyncset.done $0x0  }
0xd4: {  	p1 =	por $0x0, $0x0;
	s19 =	simm.s32 $0x1;
	[sflag:s31] =	ssyncadd.s32 $0xFFFFD800  }
0xd5: {  	s18 =	sadd.s32 $0x1, s18;
	s19 =	rddreg [dreg:$0xd]  }
0xd6: {  	p0 =	sne.s32 s18, s19  }
.Ltmp2:
0xd7: {  	_ = 	snop;
	(pc) =	sbr.rel @p0 .LBB2_1-.Ltmp2, $1  }
0xd8: {  	_ =	sdelay $0x3  }
0xd9: {  	_ =	sfence.sel $0x180000  }
0xda: {  	[bflag:$0x0] =	sbarrier.arrive $0xFFFF  }
0xdb: {  	_ =	strace $0x9000004A  }
0xdc: {  	s0 =	stileid.u32;
	[bflag:$0x2] =	sbarrier.arrive $0xFFFF  }
0xdd: {  	p0 =	sne.s32 s0, $0x0;
	s0 =	rddreg [dreg:$0x2]  }
0xde: {  	s0 =	sadd.s32 @!p0 $0x100000, s0  }
0xdf: {  	[sflag:s0] =	ssyncadd.tile.s32 @!p0 $0x1;
	_ =	shalt  }
.Lfunc_end2:
_tile_overlayer_lowered:
.L_overlay_start_2:
0xe0: {  	(tag) =	ssettag $0x2  }
0xe1: {  	s0 =	rddreg [dreg:$0x0];
	s2 =	stileid.u32  }
0xe2: {  	s1 =	rddreg [dreg:$0x1];
	p0 =	sne.s32 s2, $0x0  }
0xe3: {  	s3 =	rddreg [dreg:$0x2];
	[bflag:$0x3] =	sbarrier.arrive $0xFFFF;
	s2 =	simm.s32 @!p0 $0x1C07  }
0xe4: {  	[timem:s3], [sflag:s2] =	dma.local @!p0 [hbm:s0], s1  }
0xe5: {  	s0 =	simm.s32 @!p0 $0x7  }
0xe6: {  	_ =	swait.ge @!p0 [sflag:s0], s1  }
0xe7: {  	s1 =	ssub.s32 @!p0 $0x0, s1;
	[sflag:s0] =	ssyncset.done @!p0 $0x0  }
0xe8: {  	[sflag:s0] =	ssyncadd.s32 @!p0 s1  }
0xe9: {  	[bflag:$0x3] =	sbarrier.arrive $0xFFFF  }
0xea: {  	_ =	shalt  }

// kernel: kernel.13.cloned.1.call-start
scs
__scs_entry_jumppad:
0x0: {  	(pc) =	sbr.rel $0x88, $3  }
0x1: {  	(tag) =	ssettag $0x0;
	lr =	simm.s32 $0x1  }
0x2: {  	[smem:$0x3F96] =	sst lr;
	_ =	strace $0xD0000000  }
0x3: {  	_ = 	snop  }
0x4: {  	_ = 	snop  }
0x5: {  	_ = 	snop  }
0x6: {  	_ = 	snop  }
0x7: {  	_ = 	snop  }
__scs_overlays_trampoline_lowered:
0x8: {  	[smem:$0x3FA5] =	sst s0  }
0x9: {  	[smem:$0x3FA6] =	sst s1  }
0xa: {  	[smem:$0x3FA7] =	sst s2  }
0xb: {  	[smem:$0x3FA8] =	sst s3  }
0xc: {  	[smem:$0x3FA9] =	sst s4  }
0xd: {  	[smem:$0x3FAA] =	sst s5  }
0xe: {  	[smem:$0x3FAB] =	sst s6  }
0xf: {  	[smem:$0x3FAC] =	sst s7  }
0x10: {  	[smem:$0x3FAD] =	sst s8  }
0x11: {  	[smem:$0x3FAE] =	sst s9;
	s0 =	simm.s32 @!p0 $0x0  }
0x12: {  	s1 =	sld [smem:$0x3F94];
	s0 =	simm.s32 @p0 $0x1  }
0x13: {  	[smem:$0x3FAF] =	sst s0;
	s0 =	simm.s32 @!p1 $0x0  }
0x14: {  	s2 =	sld [smem:$0x3F93];
	s0 =	simm.s32 @p1 $0x1  }
0x15: {  	[smem:$0x3FB0] =	sst s0;
	s0 =	simm.s32 @!p2 $0x0  }
0x16: {  	s3 =	sld [smem:$0x3FDB];
	s0 =	simm.s32 @p2 $0x1  }
0x17: {  	s4 =	simm.s32 $0x1BF5;
	[smem:$0x3FB2] =	sst s0  }
0x18: {  	s0 =	sld [smem:$0x3F95];
	_ =	swait.ge [sflag:s4], $0x0  }
0x19: {  	s7 =	sld [smem:$0x3F96]  }
0x1a: {  	s8 =	sadd.s32 $0xFFFFE003, lr  }
0x1b: {  	s9 =	sadd.s32 $0xFFFFFEF7, lr;
	s5 =	simm.s32 $0xFFFFFFFF;
	p2 =	slt.u32 s8, $0xFFFFF086  }
0x1c: {  	p1 =	slt.u32 s9, $0xF7A;
	s5 =	simm.s32 @!p2 $0x0  }
0x1d: {  	s5 =	simm.s32 @p1 $0x1;
	p0 =	seq.s32 s7, s2  }
0x1e: {  	s7 =	smul.u32 @!p0 $0xF7A, s2;
	p2 =	seq.s32 @!p0 s5, $0x0  }
0x1f: {  	s9 =	smul.u32 $0xF7A, s1;
	s8 =	simm.s32 @!p0 $0x1BF5;
	p2 =	por !p2, p0  }
0x20: {  	[sflag:s8] =	ssyncset.s32 @!p0 $0xFFFFF086;
	s6 =	sadd.s32 @!p0 s3, s7;
	s7 =	simm.s32 @!p0 $0x108  }
0x21: {  	s3 =	sadd.s32 s3, s9;
	s6 =	sadd.s32 @!p0 $0x88, s6;
	s7 =	simm.s32 @p2 $0x1082  }
0x22: {  	[simem:s7], [sflag:s8] =	dma.local @!p0 [hbm:s6], $0xF7A  }
0x23: {  	s9 =	sor.u32 $0xD0000000, s2;
	s6 =	simm.s32 $0x108;
	_ =	swait.ge @!p0 [sflag:s8], $0x0  }
0x24: {  	s3 =	sadd.s32 $0x88, s3;
	s6 =	simm.s32 @!p1 $0x1082;
	[sflag:s4] =	ssyncset.s32 $0xFFFFF086  }
0x25: {  	[simem:s6], [sflag:s4] =	dma.local [hbm:s3], $0xF7A  }
0x26: {  	[smem:$0x3F96] =	sst s1;
	(tag) =	ssettag s2;
	_ =	strace s9  }
0x27: {  	s1 =	sld [smem:$0x3FA6]  }
0x28: {  	s2 =	sld [smem:$0x3FA7]  }
0x29: {  	s4 =	sld [smem:$0x3FA9]  }
0x2a: {  	p0 =	seq.s32 s5, $0x0;
	s5 =	sld [smem:$0x3FAA]  }
0x2b: {  	s6 =	sld [smem:$0x3FAB]  }
0x2c: {  	s7 =	sld [smem:$0x3FAC]  }
0x2d: {  	s3 =	simm.s32 $0x108;
	s8 =	sld [smem:$0x3FAD]  }
0x2e: {  	s3 =	simm.s32 @!p0 $0x1082;
	s9 =	sld [smem:$0x3FAE]  }
0x2f: {  	lr =	sadd.s32 s0, s3;
	s0 =	sld [smem:$0x3FA5]  }
0x30: {  	s3 =	sld [smem:$0x3FA8]  }
0x31: {  	[smem:$0x3FB1] =	sst s10  }
0x32: {  	s10 =	sld [smem:$0x3FAF];
	_ =	sdelay $0x3  }
0x33: {  	p0 =	seq.s32 s10, $0x1;
	s10 =	sld [smem:$0x3FB1];
	_ =	sdelay $0x3  }
0x34: {  	[smem:$0x3FB1] =	sst s10  }
0x35: {  	s10 =	sld [smem:$0x3FB0];
	_ =	sdelay $0x3  }
0x36: {  	p1 =	seq.s32 s10, $0x1;
	s10 =	sld [smem:$0x3FB1];
	_ =	sdelay $0x3  }
0x37: {  	[smem:$0x3FB1] =	sst s10  }
0x38: {  	s10 =	sld [smem:$0x3FB2]  }
0x39: {  	_ = 	snop;
	(pc) =	sbr.ind lr, $3  }
0x3a: {  	_ = 	snop  }
0x3b: {  	_ = 	snop  }
0x3c: {  	p2 =	seq.s32 s10, $0x1;
	s10 =	sld [smem:$0x3FB1]  }
0x3d: {  	_ =	shalt  }
0x3e: {  	_ =	shalt  }
0x3f: {  	_ =	shalt  }
0x40: {  	_ =	shalt  }
0x41: {  	_ =	shalt  }
0x42: {  	_ =	shalt  }
0x43: {  	_ =	shalt  }
0x44: {  	_ =	shalt  }
0x45: {  	_ =	shalt  }
0x46: {  	_ =	shalt  }
0x47: {  	_ =	shalt  }
0x48: {  	_ =	shalt  }
0x49: {  	_ =	shalt  }
0x4a: {  	_ =	shalt  }
0x4b: {  	_ =	shalt  }
0x4c: {  	_ =	shalt  }
0x4d: {  	_ =	shalt  }
0x4e: {  	_ =	shalt  }
0x4f: {  	_ =	shalt  }
0x50: {  	_ =	shalt  }
0x51: {  	_ =	shalt  }
0x52: {  	_ =	shalt  }
0x53: {  	_ =	shalt  }
0x54: {  	_ =	shalt  }
0x55: {  	_ =	shalt  }
0x56: {  	_ =	shalt  }
0x57: {  	_ =	shalt  }
0x58: {  	_ =	shalt  }
0x59: {  	_ =	shalt  }
0x5a: {  	_ =	shalt  }
0x5b: {  	_ =	shalt  }
0x5c: {  	_ =	shalt  }
0x5d: {  	_ =	shalt  }
0x5e: {  	_ =	shalt  }
0x5f: {  	_ =	shalt  }
0x60: {  	_ =	shalt  }
0x61: {  	_ =	shalt  }
0x62: {  	_ =	shalt  }
0x63: {  	_ =	shalt  }
0x64: {  	_ =	shalt  }
0x65: {  	_ =	shalt  }
0x66: {  	_ =	shalt  }
0x67: {  	_ =	shalt  }
0x68: {  	_ =	shalt  }
0x69: {  	_ =	shalt  }
0x6a: {  	_ =	shalt  }
0x6b: {  	_ =	shalt  }
0x6c: {  	_ =	shalt  }
0x6d: {  	_ =	shalt  }
0x6e: {  	_ =	shalt  }
0x6f: {  	_ =	shalt  }
0x70: {  	_ =	shalt  }
0x71: {  	_ =	shalt  }
0x72: {  	_ =	shalt  }
0x73: {  	_ =	shalt  }
0x74: {  	_ =	shalt  }
0x75: {  	_ =	shalt  }
0x76: {  	_ =	shalt  }
0x77: {  	_ =	shalt  }
0x78: {  	_ =	shalt  }
0x79: {  	_ =	shalt  }
0x7a: {  	_ =	shalt  }
0x7b: {  	_ =	shalt  }
0x7c: {  	_ =	shalt  }
0x7d: {  	_ =	shalt  }
0x7e: {  	_ =	shalt  }
0x7f: {  	_ =	shalt  }
0x80: {  	_ =	shalt  }
0x81: {  	_ =	shalt  }
0x82: {  	_ =	shalt  }
0x83: {  	_ =	shalt  }
0x84: {  	_ =	shalt  }
0x85: {  	_ =	shalt  }
0x86: {  	_ =	shalt  }
0x87: {  	_ =	shalt  }
.Lfunc_end0:
.L_simem_size_0:
called_computation.1_lowered:
.L_overlay_start_0:
0x88: {  	s2 =	sld [smem:$0x3FD9]  }
0x89: {  	s3 =	sld [smem:$0x3FFE];
	_ =	sdelay $0x1  }
0x8a: {  	s1 =	srdreg.scid  }
0x8b: {  	s0 =	sand.u32 $0x1, s1  }
0x8c: {  	s16 =	sshll.u32 s0, $0xA;
	s2 =	sadd.s32 s3, s2  }
0x8d: {  	s2 =	sadd.s32 s2, s16  }
0x8e: {  	[smem:$0x3FBD] =	sst s2  }
0x8f: {  	_ = 	snop  }
0x90: {  	(tm) =	ssettm $0x1  }
0x91: {  	s17 =	sld [smem:$0x3FFB];
	_ =	sdelay $0x3  }
0x92: {  	_ =	strace s17  }
0x93: {  	s2 =	sld [smem:$0x3FFC];
	_ =	sdelay $0x3  }
0x94: {  	_ =	strace s2  }
0x95: {  	s2 =	sld [smem:$0x3FFD];
	_ =	sdelay $0x3  }
0x96: {  	_ =	strace s2  }
0x97: {  	_ =	strace $0x8FFFFFFF  }
0x98: {  	s18 =	sld [smem:$0x3FDB];
	_ =	sdelay $0x1  }
0x99: {  	s19 =	simm.s32 $_scs_section_size  }
0x9a: {  	s4 =	simm.s32 $_size__tile_overlayer_lowered;
	s5 =	simm.s32 $_tile_overlayer_lowered  }
0x9b: {  	s22 =	simm.s32 $0x1BFF;
	s21 =	sshll.u32 s5, $0x1;
	s2 =	sadd.s32 s19, s18  }
0x9c: {  	s6 =	simm.s32 $0x0;
	s20 =	sshll.u32 s4, $0x1;
	s4 =	sadd.s32 s21, s2  }
0x9d: {  	[timem:s6], [sflag:s22] =	dma.local [hbm:s4], s20  }
0x9e: {  	_ =	swait.ge [sflag:s22], s20  }
0x9f: {  	s3 =	ssub.s32 $0x0, s20;
	[sflag:s22] =	ssyncset.done $0x0  }
0xa0: {  	[sflag:s22] =	ssyncadd.s32 s3;
	_ =	sdelay $0x1  }
0xa1: {  	s23 =	simm.s32 $0x1B8B  }
0xa2: {  	_ =	swait.ge [sflag:s23], $0x1  }
0xa3: {  	[sflag:s23] =	ssyncset.done $0x0  }
0xa4: {  	s25 =	simm.s32 $0x1B8E;
	s24 =	sld [smem:$0x3FFE];
	[sflag:s23] =	ssyncadd.s32 $0xFFFFFFFF  }
0xa5: {  	s26 =	simm.s32 $execute0_lowered;
	[smem:$0x3FD2] =	sst s25  }
0xa6: {  	s4 =	sshll.u32 s26, $0x1;
	_ =	strace $0x80000046;
	[dreg:$0x1] =	wrdreg $0xFFFFFFFF  }
0xa7: {  	s28 =	simm.s32 $_size_execute0_lowered;
	s2 =	sadd.s32 s2, s4;
	[dreg:$0x0] =	wrdreg $0x0  }
0xa8: {  	s4 =	sshll.u32 s28, $0x1;
	[dreg:$0x2] =	wrdreg s2  }
0xa9: {  	[dreg:$0x3] =	wrdreg s4  }
0xaa: {  	[dreg:$0x4] =	wrdreg $0xC0  }
0xab: {  	_ =	task [dreg:s6], $0x5FFFF  }
0xac: {  	[dreg:$0x1] =	wrdreg $0xFFFFFFFF  }
0xad: {  	[dreg:$0x0] =	wrdreg $0x60  }
0xae: {  	[dreg:$0x2] =	wrdreg s24  }
0xaf: {  	[dreg:$0x3] =	wrdreg $0x0  }
0xb0: {  	[dreg:$0x4] =	wrdreg $0xA  }
0xb1: {  	_ =	task.clear_ibuf [dreg:s6], $0x5FFFF;
	_ =	strace $0x90000046  }
0xb2: {  	s29 =	simm.s32 $0xA;
	_ =	strace $0x80000048  }
0xb3: {  	_ =	swait.ge [sflag:s29], $0x1  }
0xb4: {  	[sflag:s29] =	ssyncadd.s32 $0xFFFFFFFF  }
0xb5: {  	_ =	strace $0x90000048  }
0xb6: {  	_ =	sfence  }
0xb7: {  	s30 =	sld [smem:$0x0];
	_ =	sdelay $0x2  }
0xb8: {  	s31 =	sshll.u32 s1, $0xD;
	s1 =	sshrl.u32 s1, $0x2  }
0xb9: {  	s3 =	sand.u32 $0x4000, s31;
	s1 =	sadd.s32 s1, s30  }
0xba: {  	s0 =	sor.u32 s3, s0;
	s1 =	sshll.u32 s1, $0x11  }
0xbb: {  	s0 =	sor.u32 s1, s0  }
0xbc: {  	s0 =	sadd.s32 $0x8F2B, s0  }
0xbd: {  	[sflag:s0] =	ssyncadd.remote.s32 $0x1  }
0xbe: {  	_ =	sfence.sel $0xFFFF  }
0xbf: {  	[dreg:$0x0] =	wrdreg $0xFFFFFFFF;
	(pc) =	sbr.abs _section_cstart, $3  }
0xc0: {  	[dreg:$0x1] =	wrdreg $0xFFFFFFFF  }
0xc1: {  	_ =	task.clear_ibuf [dreg:s6], $0x2FFFF;
	_ =	strace $0x9FFFFFFF  }
0xc2: {  	(tm) =	ssettm $0x7FFFFFFF  }
0xc3: {  	_ =	shalt  }
tec
execute0_lowered:
.L_overlay_start_1:
0x0: {  	(tag) =	ssettag $0x1  }
0x1: {  	s0 =	srdreg.scid;
	s11 =	stileid.u32  }
0x2: {  	s3 =	rddreg [dreg:$0x0];
	s2 =	simm.s32 $0x0;
	s28 =	simm.s32 $0x1C400  }
0x3: {  	s29 =	simm.s32 $0x7;
	s30 =	simm.s32 $0x14000;
	s5 =	smul.u32 $0x27600, s11  }
0x4: {  	s31 =	simm.s32 $0x50;
	s0 =	sand.u32 $0x1, s0;
	s8 =	smul.u32 $0x280, s11  }
0x5: {  	s1 =	sshll.u32 s11, $0x1;
	[smem:$0x7FF] =	sst s2;
	s10 =	smul.u32 $0x2800, s11  }
0x6: {  	s4 =	sor.u32 s0, s1;
	s7 =	ssub.s32 $0x2, s0;
	s0 =	smul.u32 $0x13B00, s0  }
0x7: {  	s6 =	sadd.s32 $0x34200, s3;
	s1 =	rddreg [dreg:$0x1];
	s4 =	smul.u32 $0x480, s4  }
0x8: {  	s9 =	sshrl.u32 s7, $0x1;
	s25 =	sadd.s32 s6, s10;
	s19 =	sadd.s32 $0xC0, s8  }
0x9: {  	s15 =	sadd.s32 $0x100, s8;
	s22 =	sadd.s32 $0x140, s8;
	s17 =	sadd.s32 $0x1C0, s8  }
0xa: {  	[dreg:$0x3] =	wrdreg s25;
	s13 =	sshll.u32 s19, $0x4;
	s21 =	sshll.u32 s15, $0x4  }
0xb: {  	s14 =	sshll.u32 s22, $0x4;
	s24 =	sshll.u32 s17, $0x4;
	s22 =	sshll.u32 s22, $0x7  }
0xc: {  	s4 =	sadd.s32 s4, s3;
	s3 =	sadd.s32 s5, s3;
	s5 =	ssub.s32 s7, s9  }
0xd: {  	s7 =	sor.u32 $0x40, s8;
	s9 =	smul.u32 $0x50000, s11;
	s11 =	sadd.s32 $0x80, s8  }
0xe: {  	s20 =	sadd.s32 s6, s13;
	s13 =	sadd.s32 $0x180, s8;
	s14 =	sadd.s32 s6, s14  }
0xf: {  	s26 =	sshll.u32 s7, $0x4;
	s12 =	sshll.u32 s11, $0x4;
	[dreg:$0x6] =	wrdreg s20  }
0x10: {  	s16 =	sshll.u32 s13, $0x4;
	[dreg:$0x8] =	wrdreg s14;
	s14 =	sadd.s32 s6, s24  }
0x11: {  	s0 =	sadd.s32 s0, s3;
	s24 =	sshll.u32 s17, $0x7;
	s10 =	sadd.s32 s6, s26  }
0x12: {  	s12 =	sadd.s32 s6, s12;
	s23 =	sadd.s32 s6, s16;
	[dreg:$0xa] =	wrdreg s14  }
0x13: {  	s16 =	sadd.s32 $0x200, s8;
	s8 =	sadd.s32 $0x240, s8;
	[dreg:$0x4] =	wrdreg s10  }
0x14: {  	s26 =	sshrl.u32 s9, $0x2;
	s9 =	sshll.u32 s7, $0x7;
	[dreg:$0x5] =	wrdreg s12  }
0x15: {  	s7 =	simm.s32 $0x4;
	s12 =	sadd.s32 s6, s21;
	[dreg:$0x9] =	wrdreg s23  }
0x16: {  	s25 =	sshll.u32 s16, $0x4;
	s18 =	sshll.u32 s8, $0x4;
	s3 =	sadd.s32 s26, s1  }
0x17: {  	s10 =	sshll.u32 s11, $0x7;
	s21 =	sshll.u32 s15, $0x7;
	s23 =	sshll.u32 s13, $0x7  }
0x18: {  	s26 =	sshll.u32 s8, $0x7;
	s11 =	simm.s32 $0x14C00;
	s8 =	simm.s32 $0x5  }
0x19: {  	[dreg:$0x7] =	wrdreg s12;
	s14 =	sadd.s32 s6, s25;
	s6 =	sadd.s32 s6, s18  }
0x1a: {  	s18 =	sshll.u32 s19, $0x7;
	s19 =	sadd.s32 s10, s1;
	s25 =	sshll.u32 s16, $0x7  }
0x1b: {  	s12 =	sadd.s32 $0x5CC00, s0;
	s0 =	simm.s32 $0x17400;
	[dreg:$0xb] =	wrdreg s14  }
0x1c: {  	s10 =	simm.s32 $0x0;
	[dreg:$0xc] =	wrdreg s6;
	s6 =	smax.u32 s5, $0x1  }
0x1d: {  	s14 =	sadd.s32 $0x3200, s4;
	_ =	strace $0x80000047;
	[dreg:$0xd] =	wrdreg s6  }
0x1e: {  	s20 =	sadd.s32 s18, s1;
	s4 =	simm.s32 $0x1;
	[dreg:$0xe] =	wrdreg s3  }
0x1f: {  	s5 =	simm.s32 $0x2;
	s3 =	sadd.s32 s9, s1;
	[dreg:$0x10] =	wrdreg s19  }
0x20: {  	[dreg:$0x11] =	wrdreg s20;
	s6 =	simm.s32 $0x3;
	s9 =	simm.s32 $0x6  }
0x21: {  	[dreg:$0xf] =	wrdreg s3;
	s3 =	sadd.s32 s21, s1;
	s21 =	sadd.s32 s22, s1  }
0x22: {  	s22 =	sadd.s32 s23, s1;
	s23 =	sadd.s32 s24, s1;
	s24 =	sadd.s32 s25, s1  }
0x23: {  	s25 =	sadd.s32 s26, s1;
	[dreg:$0x12] =	wrdreg s3;
	s3 =	simm.s32 $0x19C00  }
.LBB2_1:
0x24: {  	s13 =	rddreg [dreg:$0x3]  }
0x25: {  	[tilespmem:s28], [sflag:$0x7] =	stream.linear.gather [hbm4b:s13+s2], $0x2000, $0x38;
	[tilespmem:$0x1E400] =	vst v63  }
0x26: {  	_ =	swait.ge [sflag:s29], $0x2000  }
0x27: {  	[sflag:s29] =	ssyncset.done $0x0  }
0x28: {  	s15 =	rddreg [dreg:$0xe];
	[sflag:s29] =	ssyncadd.s32 $0xFFFFE000  }
0x29: {  	[spmem:s15] =	stream.linear.scatter [tilespmem:s28], [sflag:$0x7], $0x2000, $0x38;
	[tilespmem:$0x1E400] =	vst v63  }
0x2a: {  	_ =	swait.ge [sflag:s29], $0x2000  }
0x2b: {  	[sflag:s29] =	ssyncset.done $0x0  }
0x2c: {  	s16 =	rddreg [dreg:$0x4];
	[sflag:s29] =	ssyncadd.s32 $0xFFFFE000  }
0x2d: {  	[tilespmem:s28], [sflag:$0x7] =	stream.linear.gather [hbm4b:s16+s2], $0x2000, $0x38;
	[tilespmem:$0x1E400] =	vst v63  }
0x2e: {  	_ =	swait.ge [sflag:s29], $0x2000  }
0x2f: {  	[sflag:s29] =	ssyncset.done $0x0  }
0x30: {  	s17 =	rddreg [dreg:$0xf];
	[sflag:s29] =	ssyncadd.s32 $0xFFFFE000  }
0x31: {  	[spmem:s17] =	stream.linear.scatter [tilespmem:s28], [sflag:$0x7], $0x2000, $0x38;
	[tilespmem:$0x1E400] =	vst v63  }
0x32: {  	_ =	swait.ge [sflag:s29], $0x2000  }
0x33: {  	[sflag:s29] =	ssyncset.done $0x0  }
0x34: {  	s18 =	rddreg [dreg:$0x5];
	[sflag:s29] =	ssyncadd.s32 $0xFFFFE000  }
0x35: {  	[tilespmem:s28], [sflag:$0x7] =	stream.linear.gather [hbm4b:s18+s2], $0x2000, $0x38;
	[tilespmem:$0x1E400] =	vst v63  }
0x36: {  	_ =	swait.ge [sflag:s29], $0x2000  }
0x37: {  	[sflag:s29] =	ssyncset.done $0x0  }
0x38: {  	s19 =	rddreg [dreg:$0x10];
	[sflag:s29] =	ssyncadd.s32 $0xFFFFE000  }
0x39: {  	[spmem:s19] =	stream.linear.scatter [tilespmem:s28], [sflag:$0x7], $0x2000, $0x38;
	[tilespmem:$0x1E400] =	vst v63  }
0x3a: {  	_ =	swait.ge [sflag:s29], $0x2000  }
0x3b: {  	[sflag:s29] =	ssyncset.done $0x0  }
0x3c: {  	s20 =	rddreg [dreg:$0x6];
	[sflag:s29] =	ssyncadd.s32 $0xFFFFE000  }
0x3d: {  	[tilespmem:s28], [sflag:$0x7] =	stream.linear.gather [hbm4b:s20+s2], $0x2000, $0x38;
	[tilespmem:$0x1E400] =	vst v63  }
0x3e: {  	_ =	swait.ge [sflag:s29], $0x2000  }
0x3f: {  	[sflag:s29] =	ssyncset.done $0x0  }
0x40: {  	s26 =	rddreg [dreg:$0x11];
	[sflag:s29] =	ssyncadd.s32 $0xFFFFE000  }
0x41: {  	[spmem:s26] =	stream.linear.scatter [tilespmem:s28], [sflag:$0x7], $0x2000, $0x38;
	[tilespmem:$0x1E400] =	vst v63  }
0x42: {  	_ =	swait.ge [sflag:s29], $0x2000  }
0x43: {  	[sflag:s29] =	ssyncset.done $0x0  }
0x44: {  	s15 =	rddreg [dreg:$0x7];
	[sflag:s29] =	ssyncadd.s32 $0xFFFFE000  }
0x45: {  	[tilespmem:s28], [sflag:$0x7] =	stream.linear.gather [hbm4b:s15+s2], $0x2000, $0x38;
	[tilespmem:$0x1E400] =	vst v63  }
0x46: {  	_ =	swait.ge [sflag:s29], $0x2000  }
0x47: {  	[sflag:s29] =	ssyncset.done $0x0  }
0x48: {  	s16 =	rddreg [dreg:$0x12];
	[sflag:s29] =	ssyncadd.s32 $0xFFFFE000  }
0x49: {  	[spmem:s16] =	stream.linear.scatter [tilespmem:s28], [sflag:$0x7], $0x2000, $0x38;
	[tilespmem:$0x1E400] =	vst v63  }
0x4a: {  	_ =	swait.ge [sflag:s29], $0x2000  }
0x4b: {  	[sflag:s29] =	ssyncset.done $0x0  }
0x4c: {  	s17 =	rddreg [dreg:$0x8];
	[sflag:s29] =	ssyncadd.s32 $0xFFFFE000  }
0x4d: {  	[tilespmem:s28], [sflag:$0x7] =	stream.linear.gather [hbm4b:s17+s2], $0x2000, $0x38;
	[tilespmem:$0x1E400] =	vst v63  }
0x4e: {  	_ =	swait.ge [sflag:s29], $0x2000  }
0x4f: {  	[sflag:s29] =	ssyncset.done $0x0  }
0x50: {  	[sflag:s29] =	ssyncadd.s32 $0xFFFFE000  }
0x51: {  	[spmem:s21] =	stream.linear.scatter [tilespmem:s28], [sflag:$0x7], $0x2000, $0x38;
	[tilespmem:$0x1E400] =	vst v63  }
0x52: {  	_ =	swait.ge [sflag:s29], $0x2000  }
0x53: {  	[sflag:s29] =	ssyncset.done $0x0  }
0x54: {  	s18 =	rddreg [dreg:$0x9];
	[sflag:s29] =	ssyncadd.s32 $0xFFFFE000  }
0x55: {  	[tilespmem:s28], [sflag:$0x7] =	stream.linear.gather [hbm4b:s18+s2], $0x2000, $0x38;
	[tilespmem:$0x1E400] =	vst v63  }
0x56: {  	_ =	swait.ge [sflag:s29], $0x2000  }
0x57: {  	[sflag:s29] =	ssyncset.done $0x0  }
0x58: {  	[sflag:s29] =	ssyncadd.s32 $0xFFFFE000  }
0x59: {  	[spmem:s22] =	stream.linear.scatter [tilespmem:s28], [sflag:$0x7], $0x2000, $0x38;
	[tilespmem:$0x1E400] =	vst v63  }
0x5a: {  	_ =	swait.ge [sflag:s29], $0x2000  }
0x5b: {  	[sflag:s29] =	ssyncset.done $0x0  }
0x5c: {  	s19 =	rddreg [dreg:$0xa];
	[sflag:s29] =	ssyncadd.s32 $0xFFFFE000  }
0x5d: {  	[tilespmem:s28], [sflag:$0x7] =	stream.linear.gather [hbm4b:s19+s2], $0x2000, $0x38;
	[tilespmem:$0x1E400] =	vst v63  }
0x5e: {  	_ =	swait.ge [sflag:s29], $0x2000  }
0x5f: {  	[sflag:s29] =	ssyncset.done $0x0  }
0x60: {  	[sflag:s29] =	ssyncadd.s32 $0xFFFFE000  }
0x61: {  	[spmem:s23] =	stream.linear.scatter [tilespmem:s28], [sflag:$0x7], $0x2000, $0x38;
	[tilespmem:$0x1E400] =	vst v63  }
0x62: {  	_ =	swait.ge [sflag:s29], $0x2000  }
0x63: {  	[sflag:s29] =	ssyncset.done $0x0  }
0x64: {  	s20 =	rddreg [dreg:$0xb];
	[sflag:s29] =	ssyncadd.s32 $0xFFFFE000  }
0x65: {  	[tilespmem:s28], [sflag:$0x7] =	stream.linear.gather [hbm4b:s20+s2], $0x2000, $0x38;
	[tilespmem:$0x1E400] =	vst v63  }
0x66: {  	_ =	swait.ge [sflag:s29], $0x2000  }
0x67: {  	[sflag:s29] =	ssyncset.done $0x0  }
0x68: {  	[sflag:s29] =	ssyncadd.s32 $0xFFFFE000  }
0x69: {  	[spmem:s24] =	stream.linear.scatter [tilespmem:s28], [sflag:$0x7], $0x2000, $0x38;
	[tilespmem:$0x1E400] =	vst v63  }
0x6a: {  	_ =	swait.ge [sflag:s29], $0x2000  }
0x6b: {  	[sflag:s29] =	ssyncset.done $0x0  }
0x6c: {  	s26 =	rddreg [dreg:$0xc];
	[sflag:s29] =	ssyncadd.s32 $0xFFFFE000  }
0x6d: {  	[tilespmem:s28], [sflag:$0x7] =	stream.linear.gather [hbm4b:s26+s2], $0x2000, $0x38;
	[tilespmem:$0x1E400] =	vst v63  }
0x6e: {  	_ =	swait.ge [sflag:s29], $0x2000  }
0x6f: {  	[sflag:s29] =	ssyncset.done $0x0  }
0x70: {  	[sflag:s29] =	ssyncadd.s32 $0xFFFFE000  }
0x71: {  	[spmem:s25] =	stream.linear.scatter [tilespmem:s28], [sflag:$0x7], $0x2000, $0x38;
	[tilespmem:$0x1E400] =	vst v63  }
0x72: {  	_ =	swait.ge [sflag:s29], $0x2000  }
0x73: {  	[sflag:s29] =	ssyncset.done $0x0  }
0x74: {  	[sflag:s29] =	ssyncadd.s32 $0xFFFFE000  }
0x75: {  	s13 =	simm.s32 $0x0;
	s26 =	smov.u32 s12;
	[bflag:$0x0] =	sbarrier.arrive $0xFFFF  }
.LBB2_2:
0x76: {  	s15 =	smul.u32 $0x180, s13;
	_ =	sdelay $0x1  }
0x77: {  	s16 =	simm.s32 $0x0;
	s15 =	sadd.s32 s15, s14  }
0x78: {  	[tilespmem:s30], [sflag:$0x7] =	stream.linear.gather [hbm4b:s15+s16], $0xA80, $0x38;
	[tilespmem:$0x1E400] =	vst v63  }
0x79: {  	_ =	swait.ge [sflag:s29], $0xA80  }
0x7a: {  	[sflag:s29] =	ssyncset.done $0x0  }
0x7b: {  	s16 =	simm.s32 $0x14000;
	[sflag:s29] =	ssyncadd.s32 $0xFFFFF580  }
0x7c: {  	[tilespmem:s11], [sflag:$0x1] =	stream.indirect.gather [spmem:s1], $0x80, s16, s31, $0xb8;
	[tilespmem:$0x1E400] =	vst v63  }
0x7d: {  	s17 =	simm.s32 $0x14080  }
0x7e: {  	[tilespmem:s0], [sflag:$0x2] =	stream.indirect.gather [spmem:s1], $0x80, s17, s31, $0xb8;
	[tilespmem:$0x1E400] =	vst v63  }
0x7f: {  	s18 =	simm.s32 $0x14100  }
0x80: {  	[tilespmem:s3], [sflag:$0x3] =	stream.indirect.gather [spmem:s1], $0x80, s18, s31, $0xb8;
	[tilespmem:$0x1E400] =	vst v63  }
0x81: {  	_ =	swait.ge [sflag:s4], $0x2800  }
0x82: {  	[sflag:s4] =	ssyncset.done $0x0  }
0x83: {  	s19 =	sadd.s32 $0xFFFFF600, s26;
	[sflag:s4] =	ssyncadd.s32 $0xFFFFD800  }
0x84: {  	[hbm4b:s19+s2] =	stream.linear.scatter [tilespmem:s11], [sflag:$0x4], $0x2800, $0x38;
	[tilespmem:$0x1E400] =	vst v63  }
0x85: {  	_ =	swait.ge [sflag:s5], $0x2800  }
0x86: {  	[sflag:s5] =	ssyncset.done $0x0  }
0x87: {  	s20 =	sadd.s32 $0xFFFFFB00, s26;
	[sflag:s5] =	ssyncadd.s32 $0xFFFFD800  }
0x88: {  	[hbm4b:s20+s2] =	stream.linear.scatter [tilespmem:s0], [sflag:$0x5], $0x2800, $0x38;
	[tilespmem:$0x1E400] =	vst v63  }
0x89: {  	_ =	swait.ge [sflag:s6], $0x2800  }
0x8a: {  	[sflag:s6] =	ssyncset.done $0x0  }
0x8b: {  	[sflag:s6] =	ssyncadd.s32 $0xFFFFD800  }
0x8c: {  	[hbm4b:s26+s2] =	stream.linear.scatter [tilespmem:s3], [sflag:$0x6], $0x2800, $0x38;
	[tilespmem:$0x1E400] =	vst v63  }
0x8d: {  	_ =	swait.ge [sflag:s7], $0x2800  }
0x8e: {  	[sflag:s7] =	ssyncset.done $0x0  }
0x8f: {  	[sflag:s7] =	ssyncadd.s32 $0xFFFFD800  }
0x90: {  	_ =	swait.ge [sflag:s8], $0x2800  }
0x91: {  	[sflag:s8] =	ssyncset.done $0x0  }
0x92: {  	[sflag:s8] =	ssyncadd.s32 $0xFFFFD800  }
0x93: {  	s15 =	sadd.s32 $0xF00, s26;
	_ =	swait.ge [sflag:s9], $0x2800  }
0x94: {  	s16 =	simm.s32 $0x180;
	s17 =	simm.s32 $0xC00;
	[sflag:s9] =	ssyncset.done $0x0  }
.LBB2_3:
0x95: {  	s18 =	sadd.s32 $0x14000, s16  }
0x96: {  	[sflag:s9] =	ssyncadd.s32 $0xFFFFD800;
	s19 =	smov.u32 s17;
	s20 =	sadd.s32 $0x600, s17  }
0x97: {  	[tilespmem:s11], [sflag:$0x1] =	stream.indirect.gather [spmem:s1], $0x80, s18, s31, $0xb8;
	[tilespmem:$0x1E400] =	vst v63  }
0x98: {  	p0 =	sne.s32 s17, $0x2400;
	s17 =	sadd.s32 $0x14080, s16  }
0x99: {  	[tilespmem:s0], [sflag:$0x2] =	stream.indirect.gather [spmem:s1], $0x80, s17, s31, $0xb8;
	[tilespmem:$0x1E400] =	vst v63  }
0x9a: {  	s16 =	sadd.s32 $0x14100, s16  }
0x9b: {  	[tilespmem:s3], [sflag:$0x3] =	stream.indirect.gather [spmem:s1], $0x80, s16, s31, $0xb8;
	[tilespmem:$0x1E400] =	vst v63  }
0x9c: {  	_ =	swait.ge [sflag:s4], $0x2800  }
0x9d: {  	[sflag:s4] =	ssyncset.done $0x0  }
0x9e: {  	s16 =	sadd.s32 $0xFFFFF600, s15;
	[sflag:s4] =	ssyncadd.s32 $0xFFFFD800  }
0x9f: {  	[hbm4b:s16+s2] =	stream.linear.scatter [tilespmem:s11], [sflag:$0x4], $0x2800, $0x38;
	[tilespmem:$0x1E400] =	vst v63  }
0xa0: {  	_ =	swait.ge [sflag:s5], $0x2800  }
0xa1: {  	[sflag:s5] =	ssyncset.done $0x0  }
0xa2: {  	s16 =	sadd.s32 $0xFFFFFB00, s15;
	[sflag:s5] =	ssyncadd.s32 $0xFFFFD800  }
0xa3: {  	[hbm4b:s16+s2] =	stream.linear.scatter [tilespmem:s0], [sflag:$0x5], $0x2800, $0x38;
	[tilespmem:$0x1E400] =	vst v63  }
0xa4: {  	_ =	swait.ge [sflag:s6], $0x2800  }
0xa5: {  	[sflag:s6] =	ssyncset.done $0x0  }
0xa6: {  	[sflag:s6] =	ssyncadd.s32 $0xFFFFD800  }
0xa7: {  	[hbm4b:s15+s2] =	stream.linear.scatter [tilespmem:s3], [sflag:$0x6], $0x2800, $0x38;
	[tilespmem:$0x1E400] =	vst v63  }
0xa8: {  	_ =	swait.ge [sflag:s7], $0x2800  }
0xa9: {  	[sflag:s7] =	ssyncset.done $0x0  }
0xaa: {  	[sflag:s7] =	ssyncadd.s32 $0xFFFFD800  }
.Ltmp0:
0xab: {  	_ =	swait.ge [sflag:s8], $0x2800;
	(pc) =	sbr.rel @p0 .LBB2_3-.Ltmp0, $4  }
0xac: {  	[sflag:s8] =	ssyncset.done $0x0  }
0xad: {  	[sflag:s8] =	ssyncadd.s32 $0xFFFFD800  }
0xae: {  	s17 =	smov.u32 s20;
	_ =	swait.ge [sflag:s9], $0x2800  }
0xaf: {  	s16 =	sshra.s32 s19, $0x2;
	s15 =	sadd.s32 $0xF00, s15;
	[sflag:s9] =	ssyncset.done $0x0  }
0xb0: {  	s17 =	sadd.s32 $0x14000, s16;
	[sflag:s9] =	ssyncadd.s32 $0xFFFFD800  }
0xb1: {  	[tilespmem:s11], [sflag:$0x1] =	stream.indirect.gather [spmem:s1], $0x80, s17, s31, $0xb8;
	[tilespmem:$0x1E400] =	vst v63  }
0xb2: {  	s20 =	sadd.s32 $0x14080, s16  }
0xb3: {  	[tilespmem:s0], [sflag:$0x2] =	stream.indirect.gather [spmem:s1], $0x80, s20, s31, $0xb8;
	[tilespmem:$0x1E400] =	vst v63  }
0xb4: {  	s18 =	sadd.s32 $0x14100, s16  }
0xb5: {  	[tilespmem:s3], [sflag:$0x3] =	stream.indirect.gather [spmem:s1], $0x80, s18, s31, $0xb8;
	[tilespmem:$0x1E400] =	vst v63  }
0xb6: {  	_ =	swait.ge [sflag:s4], $0x2800  }
0xb7: {  	[sflag:s4] =	ssyncset.done $0x0  }
0xb8: {  	s19 =	sadd.s32 $0xFFFFF600, s15;
	[sflag:s4] =	ssyncadd.s32 $0xFFFFD800  }
0xb9: {  	[hbm4b:s19+s2] =	stream.linear.scatter [tilespmem:s11], [sflag:$0x4], $0x2800, $0x38;
	[tilespmem:$0x1E400] =	vst v63  }
0xba: {  	_ =	swait.ge [sflag:s5], $0x2800  }
0xbb: {  	[sflag:s5] =	ssyncset.done $0x0  }
0xbc: {  	s20 =	sadd.s32 $0xFFFFFB00, s15;
	[sflag:s5] =	ssyncadd.s32 $0xFFFFD800  }
0xbd: {  	[hbm4b:s20+s2] =	stream.linear.scatter [tilespmem:s0], [sflag:$0x5], $0x2800, $0x38;
	[tilespmem:$0x1E400] =	vst v63  }
0xbe: {  	_ =	swait.ge [sflag:s6], $0x2800  }
0xbf: {  	[sflag:s6] =	ssyncset.done $0x0  }
0xc0: {  	[sflag:s6] =	ssyncadd.s32 $0xFFFFD800  }
0xc1: {  	[hbm4b:s15+s2] =	stream.linear.scatter [tilespmem:s3], [sflag:$0x6], $0x2800, $0x38;
	[tilespmem:$0x1E400] =	vst v63  }
0xc2: {  	_ =	swait.ge [sflag:s7], $0x2800  }
0xc3: {  	[sflag:s7] =	ssyncset.done $0x0  }
0xc4: {  	s13 =	sadd.s32 $0x1, s13;
	[sflag:s7] =	ssyncadd.s32 $0xFFFFD800  }
0xc5: {  	p0 =	sne.s32 s13, $0x3;
	_ =	swait.ge [sflag:s8], $0x2800  }
.Ltmp1:
0xc6: {  	[sflag:s8] =	ssyncset.done $0x0;
	(pc) =	sbr.rel @p0 .LBB2_2-.Ltmp1, $4  }
0xc7: {  	[sflag:s8] =	ssyncadd.s32 $0xFFFFD800  }
0xc8: {  	_ =	swait.ge [sflag:s9], $0x2800  }
0xc9: {  	[sflag:s9] =	ssyncset.done $0x0  }
0xca: {  	s26 =	sadd.s32 $0x6900, s26;
	[sflag:s9] =	ssyncadd.s32 $0xFFFFD800  }
0xcb: {  	s10 =	sadd.s32 $0x1, s10;
	s13 =	rddreg [dreg:$0xd]  }
0xcc: {  	p0 =	sne.s32 s10, s13  }
.Ltmp2:
0xcd: {  	_ = 	snop;
	(pc) =	sbr.rel @p0 .LBB2_1-.Ltmp2, $1  }
0xce: {  	_ =	sdelay $0x3  }
0xcf: {  	_ =	sfence.sel $0x180000  }
0xd0: {  	[bflag:$0x0] =	sbarrier.arrive $0xFFFF  }
0xd1: {  	_ =	strace $0x90000047  }
0xd2: {  	s0 =	stileid.u32;
	[bflag:$0x2] =	sbarrier.arrive $0xFFFF  }
0xd3: {  	p0 =	sne.s32 s0, $0x0;
	s0 =	rddreg [dreg:$0x2]  }
0xd4: {  	s0 =	sadd.s32 @!p0 $0x100000, s0  }
0xd5: {  	[sflag:s0] =	ssyncadd.tile.s32 @!p0 $0x1;
	_ =	shalt  }
.Lfunc_end2:
_tile_overlayer_lowered:
.L_overlay_start_2:
0xd6: {  	(tag) =	ssettag $0x2  }
0xd7: {  	s0 =	rddreg [dreg:$0x0];
	s2 =	stileid.u32  }
0xd8: {  	s1 =	rddreg [dreg:$0x1];
	p0 =	sne.s32 s2, $0x0  }
0xd9: {  	s3 =	rddreg [dreg:$0x2];
	[bflag:$0x3] =	sbarrier.arrive $0xFFFF;
	s2 =	simm.s32 @!p0 $0x1C07  }
0xda: {  	[timem:s3], [sflag:s2] =	dma.local @!p0 [hbm:s0], s1  }
0xdb: {  	s0 =	simm.s32 @!p0 $0x7  }
0xdc: {  	_ =	swait.ge @!p0 [sflag:s0], s1  }
0xdd: {  	s1 =	ssub.s32 @!p0 $0x0, s1;
	[sflag:s0] =	ssyncset.done @!p0 $0x0  }
0xde: {  	[sflag:s0] =	ssyncadd.s32 @!p0 s1  }
0xdf: {  	[bflag:$0x3] =	sbarrier.arrive $0xFFFF  }
0xe0: {  	_ =	shalt  }

// kernel: kernel.16.cloned.1.call-start
scs
__scs_entry_jumppad:
0x0: {  	(pc) =	sbr.rel $0x88, $3  }
0x1: {  	(tag) =	ssettag $0x0;
	lr =	simm.s32 $0x1  }
0x2: {  	[smem:$0x3F96] =	sst lr;
	_ =	strace $0xD0000000  }
0x3: {  	_ = 	snop  }
0x4: {  	_ = 	snop  }
0x5: {  	_ = 	snop  }
0x6: {  	_ = 	snop  }
0x7: {  	_ = 	snop  }
__scs_overlays_trampoline_lowered:
0x8: {  	[smem:$0x3FA5] =	sst s0  }
0x9: {  	[smem:$0x3FA6] =	sst s1  }
0xa: {  	[smem:$0x3FA7] =	sst s2  }
0xb: {  	[smem:$0x3FA8] =	sst s3  }
0xc: {  	[smem:$0x3FA9] =	sst s4  }
0xd: {  	[smem:$0x3FAA] =	sst s5  }
0xe: {  	[smem:$0x3FAB] =	sst s6  }
0xf: {  	[smem:$0x3FAC] =	sst s7  }
0x10: {  	[smem:$0x3FAD] =	sst s8  }
0x11: {  	[smem:$0x3FAE] =	sst s9;
	s0 =	simm.s32 @!p0 $0x0  }
0x12: {  	s1 =	sld [smem:$0x3F94];
	s0 =	simm.s32 @p0 $0x1  }
0x13: {  	[smem:$0x3FAF] =	sst s0;
	s0 =	simm.s32 @!p1 $0x0  }
0x14: {  	s2 =	sld [smem:$0x3F93];
	s0 =	simm.s32 @p1 $0x1  }
0x15: {  	[smem:$0x3FB0] =	sst s0;
	s0 =	simm.s32 @!p2 $0x0  }
0x16: {  	s3 =	sld [smem:$0x3FDB];
	s0 =	simm.s32 @p2 $0x1  }
0x17: {  	s4 =	simm.s32 $0x1BF5;
	[smem:$0x3FB2] =	sst s0  }
0x18: {  	s0 =	sld [smem:$0x3F95];
	_ =	swait.ge [sflag:s4], $0x0  }
0x19: {  	s7 =	sld [smem:$0x3F96]  }
0x1a: {  	s8 =	sadd.s32 $0xFFFFE003, lr  }
0x1b: {  	s9 =	sadd.s32 $0xFFFFFEF7, lr;
	s5 =	simm.s32 $0xFFFFFFFF;
	p2 =	slt.u32 s8, $0xFFFFF086  }
0x1c: {  	p1 =	slt.u32 s9, $0xF7A;
	s5 =	simm.s32 @!p2 $0x0  }
0x1d: {  	s5 =	simm.s32 @p1 $0x1;
	p0 =	seq.s32 s7, s2  }
0x1e: {  	s7 =	smul.u32 @!p0 $0xF7A, s2;
	p2 =	seq.s32 @!p0 s5, $0x0  }
0x1f: {  	s9 =	smul.u32 $0xF7A, s1;
	s8 =	simm.s32 @!p0 $0x1BF5;
	p2 =	por !p2, p0  }
0x20: {  	[sflag:s8] =	ssyncset.s32 @!p0 $0xFFFFF086;
	s6 =	sadd.s32 @!p0 s3, s7;
	s7 =	simm.s32 @!p0 $0x108  }
0x21: {  	s3 =	sadd.s32 s3, s9;
	s6 =	sadd.s32 @!p0 $0x88, s6;
	s7 =	simm.s32 @p2 $0x1082  }
0x22: {  	[simem:s7], [sflag:s8] =	dma.local @!p0 [hbm:s6], $0xF7A  }
0x23: {  	s9 =	sor.u32 $0xD0000000, s2;
	s6 =	simm.s32 $0x108;
	_ =	swait.ge @!p0 [sflag:s8], $0x0  }
0x24: {  	s3 =	sadd.s32 $0x88, s3;
	s6 =	simm.s32 @!p1 $0x1082;
	[sflag:s4] =	ssyncset.s32 $0xFFFFF086  }
0x25: {  	[simem:s6], [sflag:s4] =	dma.local [hbm:s3], $0xF7A  }
0x26: {  	[smem:$0x3F96] =	sst s1;
	(tag) =	ssettag s2;
	_ =	strace s9  }
0x27: {  	s1 =	sld [smem:$0x3FA6]  }
0x28: {  	s2 =	sld [smem:$0x3FA7]  }
0x29: {  	s4 =	sld [smem:$0x3FA9]  }
0x2a: {  	p0 =	seq.s32 s5, $0x0;
	s5 =	sld [smem:$0x3FAA]  }
0x2b: {  	s6 =	sld [smem:$0x3FAB]  }
0x2c: {  	s7 =	sld [smem:$0x3FAC]  }
0x2d: {  	s3 =	simm.s32 $0x108;
	s8 =	sld [smem:$0x3FAD]  }
0x2e: {  	s3 =	simm.s32 @!p0 $0x1082;
	s9 =	sld [smem:$0x3FAE]  }
0x2f: {  	lr =	sadd.s32 s0, s3;
	s0 =	sld [smem:$0x3FA5]  }
0x30: {  	s3 =	sld [smem:$0x3FA8]  }
0x31: {  	[smem:$0x3FB1] =	sst s10  }
0x32: {  	s10 =	sld [smem:$0x3FAF];
	_ =	sdelay $0x3  }
0x33: {  	p0 =	seq.s32 s10, $0x1;
	s10 =	sld [smem:$0x3FB1];
	_ =	sdelay $0x3  }
0x34: {  	[smem:$0x3FB1] =	sst s10  }
0x35: {  	s10 =	sld [smem:$0x3FB0];
	_ =	sdelay $0x3  }
0x36: {  	p1 =	seq.s32 s10, $0x1;
	s10 =	sld [smem:$0x3FB1];
	_ =	sdelay $0x3  }
0x37: {  	[smem:$0x3FB1] =	sst s10  }
0x38: {  	s10 =	sld [smem:$0x3FB2]  }
0x39: {  	_ = 	snop;
	(pc) =	sbr.ind lr, $3  }
0x3a: {  	_ = 	snop  }
0x3b: {  	_ = 	snop  }
0x3c: {  	p2 =	seq.s32 s10, $0x1;
	s10 =	sld [smem:$0x3FB1]  }
0x3d: {  	_ =	shalt  }
0x3e: {  	_ =	shalt  }
0x3f: {  	_ =	shalt  }
0x40: {  	_ =	shalt  }
0x41: {  	_ =	shalt  }
0x42: {  	_ =	shalt  }
0x43: {  	_ =	shalt  }
0x44: {  	_ =	shalt  }
0x45: {  	_ =	shalt  }
0x46: {  	_ =	shalt  }
0x47: {  	_ =	shalt  }
0x48: {  	_ =	shalt  }
0x49: {  	_ =	shalt  }
0x4a: {  	_ =	shalt  }
0x4b: {  	_ =	shalt  }
0x4c: {  	_ =	shalt  }
0x4d: {  	_ =	shalt  }
0x4e: {  	_ =	shalt  }
0x4f: {  	_ =	shalt  }
0x50: {  	_ =	shalt  }
0x51: {  	_ =	shalt  }
0x52: {  	_ =	shalt  }
0x53: {  	_ =	shalt  }
0x54: {  	_ =	shalt  }
0x55: {  	_ =	shalt  }
0x56: {  	_ =	shalt  }
0x57: {  	_ =	shalt  }
0x58: {  	_ =	shalt  }
0x59: {  	_ =	shalt  }
0x5a: {  	_ =	shalt  }
0x5b: {  	_ =	shalt  }
0x5c: {  	_ =	shalt  }
0x5d: {  	_ =	shalt  }
0x5e: {  	_ =	shalt  }
0x5f: {  	_ =	shalt  }
0x60: {  	_ =	shalt  }
0x61: {  	_ =	shalt  }
0x62: {  	_ =	shalt  }
0x63: {  	_ =	shalt  }
0x64: {  	_ =	shalt  }
0x65: {  	_ =	shalt  }
0x66: {  	_ =	shalt  }
0x67: {  	_ =	shalt  }
0x68: {  	_ =	shalt  }
0x69: {  	_ =	shalt  }
0x6a: {  	_ =	shalt  }
0x6b: {  	_ =	shalt  }
0x6c: {  	_ =	shalt  }
0x6d: {  	_ =	shalt  }
0x6e: {  	_ =	shalt  }
0x6f: {  	_ =	shalt  }
0x70: {  	_ =	shalt  }
0x71: {  	_ =	shalt  }
0x72: {  	_ =	shalt  }
0x73: {  	_ =	shalt  }
0x74: {  	_ =	shalt  }
0x75: {  	_ =	shalt  }
0x76: {  	_ =	shalt  }
0x77: {  	_ =	shalt  }
0x78: {  	_ =	shalt  }
0x79: {  	_ =	shalt  }
0x7a: {  	_ =	shalt  }
0x7b: {  	_ =	shalt  }
0x7c: {  	_ =	shalt  }
0x7d: {  	_ =	shalt  }
0x7e: {  	_ =	shalt  }
0x7f: {  	_ =	shalt  }
0x80: {  	_ =	shalt  }
0x81: {  	_ =	shalt  }
0x82: {  	_ =	shalt  }
0x83: {  	_ =	shalt  }
0x84: {  	_ =	shalt  }
0x85: {  	_ =	shalt  }
0x86: {  	_ =	shalt  }
0x87: {  	_ =	shalt  }
.Lfunc_end0:
.L_simem_size_0:
called_computation.2_lowered:
.L_overlay_start_0:
0x88: {  	s2 =	sld [smem:$0x3FD9]  }
0x89: {  	s3 =	sld [smem:$0x3FFE];
	_ =	sdelay $0x1  }
0x8a: {  	s1 =	srdreg.scid  }
0x8b: {  	s0 =	sand.u32 $0x1, s1  }
0x8c: {  	s17 =	sshll.u32 s0, $0xA;
	s2 =	sadd.s32 s3, s2  }
0x8d: {  	s2 =	sadd.s32 s2, s17  }
0x8e: {  	[smem:$0x3FBD] =	sst s2  }
0x8f: {  	_ = 	snop  }
0x90: {  	s18 =	sld [smem:$0x3FD0];
	(tm) =	ssettm $0x1  }
0x91: {  	s19 =	sld [smem:$0x3FFB];
	_ =	sdelay $0x3  }
0x92: {  	_ =	strace s19  }
0x93: {  	s2 =	sld [smem:$0x3FFC];
	_ =	sdelay $0x3  }
0x94: {  	_ =	strace s2  }
0x95: {  	s2 =	sld [smem:$0x3FFD];
	_ =	sdelay $0x3  }
0x96: {  	_ =	strace s2  }
0x97: {  	_ =	strace $0x8FFFFFFF  }
0x98: {  	s20 =	sld [smem:$0x3FDB];
	_ =	sdelay $0x1  }
0x99: {  	s4 =	simm.s32 $_scs_section_size  }
0x9a: {  	s5 =	simm.s32 $_size__tile_overlayer_lowered;
	s6 =	simm.s32 $_tile_overlayer_lowered  }
0x9b: {  	s7 =	simm.s32 $0x1BFF;
	s21 =	sshll.u32 s6, $0x1;
	s4 =	sadd.s32 s4, s20  }
0x9c: {  	s22 =	simm.s32 $0x0;
	s5 =	sshll.u32 s5, $0x1;
	s6 =	sadd.s32 s21, s4  }
0x9d: {  	[timem:s22], [sflag:s7] =	dma.local [hbm:s6], s5  }
0x9e: {  	_ =	swait.ge [sflag:s7], s5  }
0x9f: {  	s5 =	ssub.s32 $0x0, s5;
	[sflag:s7] =	ssyncset.done $0x0  }
0xa0: {  	[sflag:s7] =	ssyncadd.s32 s5;
	_ =	sdelay $0x1  }
0xa1: {  	s23 =	simm.s32 $0x1B8B  }
0xa2: {  	_ =	swait.ge [sflag:s23], $0x1  }
0xa3: {  	[sflag:s23] =	ssyncset.done $0x0  }
0xa4: {  	[sflag:s23] =	ssyncadd.s32 $0xFFFFFFFF  }
0xa5: {  	s5 =	sld [smem:$0x0]  }
0xa6: {  	s6 =	sand.u32 $0xFFFFFFFE, s1  }
0xa7: {  	p0 =	sne.s32 s1, s6  }
0xa8: {  	s6 =	sshll.u32 @p0 s6, $0xE  }
0xa9: {  	s6 =	sadd.s32 @p0 $0x11B8D, s6;
	s7 =	sshll.u32 @p0 s5, $0x11  }
0xaa: {  	s6 =	sor.u32 @p0 s7, s6  }
0xab: {  	[sflag:s6] =	ssyncadd.remote.s32 @p0 $0x1;
	_ =	sdelay $0x1  }
0xac: {  	s6 =	simm.s32 @p0 $0x1B8D  }
0xad: {  	_ =	swait.eq @p0 [sflag:s6], $0x1  }
0xae: {  	[sflag:s6] =	ssyncadd.s32 @p0 $0xFFFFFFFF  }
0xaf: {  	s7 =	sshll.u32 @!p0 s1, $0xE  }
0xb0: {  	s7 =	sor.u32 @!p0 $0x4000, s7;
	s6 =	simm.s32 @!p0 $0x1B8D  }
0xb1: {  	s5 =	sshll.u32 @!p0 s5, $0x11;
	s7 =	sadd.s32 @!p0 $0x11B8D, s7;
	_ =	swait.eq @!p0 [sflag:s6], $0x1  }
0xb2: {  	s5 =	sor.u32 @!p0 s5, s7;
	[sflag:s6] =	ssyncadd.s32 @!p0 $0xFFFFFFFF  }
0xb3: {  	s25 =	simm.s32 $0x1B8E;
	s24 =	sld [smem:$0x3FFE];
	[sflag:s5] =	ssyncadd.remote.s32 @!p0 $0x1  }
0xb4: {  	s26 =	simm.s32 $execute0_lowered;
	[smem:$0x3FD2] =	sst s25  }
0xb5: {  	s6 =	sshll.u32 s26, $0x1;
	_ =	strace $0x8000004F;
	[dreg:$0x1] =	wrdreg $0xFFFFFFFF  }
0xb6: {  	s28 =	simm.s32 $_size_execute0_lowered;
	s4 =	sadd.s32 s4, s6;
	[dreg:$0x0] =	wrdreg $0x0  }
0xb7: {  	s6 =	sshll.u32 s28, $0x1;
	[dreg:$0x2] =	wrdreg s4  }
0xb8: {  	[dreg:$0x3] =	wrdreg s6  }
0xb9: {  	[dreg:$0x4] =	wrdreg $0xC0  }
0xba: {  	_ =	task [dreg:s22], $0x5FFFF  }
0xbb: {  	[dreg:$0x1] =	wrdreg $0xFFFFFFFF  }
0xbc: {  	[dreg:$0x0] =	wrdreg $0x60  }
0xbd: {  	[dreg:$0x2] =	wrdreg s24  }
0xbe: {  	[dreg:$0x3] =	wrdreg s18  }
0xbf: {  	[dreg:$0x4] =	wrdreg $0x0  }
0xc0: {  	[dreg:$0x5] =	wrdreg $0x9  }
0xc1: {  	_ =	task.clear_ibuf [dreg:s22], $0x6FFFF;
	_ =	strace $0x9000004F  }
0xc2: {  	s29 =	simm.s32 $0x9;
	_ =	strace $0x80000051  }
0xc3: {  	_ =	swait.ge [sflag:s29], $0x1  }
0xc4: {  	[sflag:s29] =	ssyncadd.s32 $0xFFFFFFFF  }
0xc5: {  	_ =	strace $0x90000051  }
0xc6: {  	_ =	sfence  }
0xc7: {  	s30 =	sld [smem:$0x0];
	_ =	sdelay $0x2  }
0xc8: {  	s31 =	sshll.u32 s1, $0xD;
	s1 =	sshrl.u32 s1, $0x2  }
0xc9: {  	s4 =	sand.u32 $0x4000, s31;
	s1 =	sadd.s32 s1, s30  }
0xca: {  	s0 =	sor.u32 s4, s0;
	s1 =	sshll.u32 s1, $0x11  }
0xcb: {  	s0 =	sor.u32 s1, s0  }
0xcc: {  	s0 =	sadd.s32 $0x8F2B, s0  }
0xcd: {  	[sflag:s0] =	ssyncadd.remote.s32 $0x1  }
0xce: {  	_ =	sfence.sel $0xFFFF  }
0xcf: {  	[dreg:$0x0] =	wrdreg $0xFFFFFFFF;
	(pc) =	sbr.abs _section_cstart, $3  }
0xd0: {  	[dreg:$0x1] =	wrdreg $0xFFFFFFFF  }
0xd1: {  	_ =	task.clear_ibuf [dreg:s22], $0x2FFFF;
	_ =	strace $0x9FFFFFFF  }
0xd2: {  	(tm) =	ssettm $0x7FFFFFFF  }
0xd3: {  	_ =	shalt  }
tec
execute0_lowered:
.L_overlay_start_1:
0x0: {  	(tag) =	ssettag $0x1  }
0x1: {  	s0 =	rddreg [dreg:$0x0]  }
0x2: {  	s1 =	rddreg [dreg:$0x1]  }
0x3: {  	s2 =	rddreg [dreg:$0x2]  }
0x4: {  	s4 =	srdreg.scid;
	s14 =	stileid.u32;
	s3 =	simm.s32 $0x0  }
0x5: {  	s15 =	simm.s32 $0x15000;
	s16 =	simm.s32 $0x17800;
	s17 =	simm.s32 $0x1  }
0x6: {  	s18 =	simm.s32 $0x50;
	s19 =	simm.s32 $0x2;
	s20 =	simm.s32 $0x1A000  }
0x7: {  	s21 =	simm.s32 $0x3;
	s22 =	simm.s32 $0x4;
	s11 =	smul.u32 $0x2800, s14  }
0x8: {  	s28 =	simm.s32 $0x0;
	s8 =	sand.u32 $0x1, s4;
	s26 =	smul.u32 $0x50000, s14  }
0x9: {  	s23 =	sshll.u32 s14, $0x1;
	s10 =	sshrl.u32 s14, $0x2;
	s14 =	smul.u32 $0x26C00, s14  }
0xa: {  	[smem:$0x7FF] =	sst s3;
	s4 =	sadd.s32 $0x7CA000, s0;
	s7 =	smul.u32 $0x28000, s8  }
0xb: {  	s5 =	sor.u32 s8, s23;
	_ =	strace $0x80000050;
	s10 =	smul.u32 $0x14000, s10  }
0xc: {  	s24 =	ssub.s32 $0x2, s8;
	s30 =	smul.u32 $0x13600, s8;
	s23 =	simm.s32 $0x14F00  }
0xd: {  	s6 =	sshll.u32 s5, $0xA;
	s9 =	sadd.s32 s11, s0;
	s12 =	sshrl.u32 s24, $0x1  }
0xe: {  	s13 =	sshll.u32 s5, $0x7;
	s25 =	smul.u32 $0x1360, s5;
	s31 =	sshrl.u32 s26, $0x2  }
0xf: {  	s6 =	sadd.s32 s6, s0;
	s0 =	sadd.s32 s7, s0;
	s12 =	ssub.s32 s24, s12  }
0x10: {  	s13 =	sand.u32 $0x380, s13;
	s9 =	sadd.s32 $0x5C200, s9;
	s5 =	sadd.s32 $0x2A00, s6  }
0x11: {  	s10 =	sor.u32 s10, s13;
	s6 =	sadd.s32 $0x960, s25;
	s0 =	sadd.s32 $0xDE200, s0  }
0x12: {  	s8 =	smax.u32 s12, $0x1;
	s12 =	simm.s32 $0x1C800;
	s13 =	simm.s32 $0x5  }
0x13: {  	s29 =	sshrl.u32 s10, $0x3;
	s10 =	sadd.s32 s31, s2;
	s24 =	sadd.s32 s0, s11  }
0x14: {  	v0 =	vimm.f32 $0.0e+00;
	v1 =	vimm.f32 $1.000000000e+00;
	s7 =	sadd.s32 s1, s29;
	s1 =	sadd.s32 s30, s14;
	s14 =	simm.s32 $0x14000  }
.LBB2_1:
0x15: {  	s0 =	sadd.s32 $0x0, s9  }
0x16: {  	[tilespmem:s12], [sflag:$0x5] =	stream.linear.gather [hbm4b:s0+s3], $0x1000, $0x38;
	[tilespmem:$0x1D800] =	vst v63  }
0x17: {  	_ =	swait.ge [sflag:s13], $0x1000  }
0x18: {  	[sflag:s13] =	ssyncset.done $0x0  }
0x19: {  	[sflag:s13] =	ssyncadd.s32 $0xFFFFF000  }
0x1a: {  	[spmem:s10] =	stream.linear.scatter [tilespmem:s12], [sflag:$0x5], $0x1000, $0x38;
	[tilespmem:$0x1D800] =	vst v63  }
0x1b: {  	s29 =	sadd.s32 $0x200, s9;
	_ =	swait.ge [sflag:s13], $0x1000  }
0x1c: {  	s11 =	simm.s32 $0x400;
	s0 =	sadd.s32 $0x1000, s10;
	[sflag:s13] =	ssyncset.done $0x0  }
.LBB2_2:
0x1d: {  	s31 =	sadd.s32 s11, s9;
	s30 =	simm.s32 $0x0;
	[sflag:s13] =	ssyncadd.s32 $0xFFFFF000  }
0x1e: {  	[tilespmem:s12], [sflag:$0x5] =	stream.linear.gather [hbm4b:s29+s30], $0x1000, $0x38;
	[tilespmem:$0x1D800] =	vst v63  }
0x1f: {  	p0 =	sne.s32 s11, $0x2600;
	s11 =	sadd.s32 $0x200, s11;
	_ =	swait.ge [sflag:s13], $0x1000  }
.Ltmp0:
0x20: {  	s29 =	smov.u32 s31;
	[sflag:s13] =	ssyncset.done $0x0;
	(pc) =	sbr.rel @p0 .LBB2_2-.Ltmp0, $4  }
0x21: {  	[sflag:s13] =	ssyncadd.s32 $0xFFFFF000  }
0x22: {  	[spmem:s0] =	stream.linear.scatter [tilespmem:s12], [sflag:$0x5], $0x1000, $0x38;
	[tilespmem:$0x1D800] =	vst v63  }
0x23: {  	_ =	swait.ge [sflag:s13], $0x1000  }
0x24: {  	s0 =	sadd.s32 $0x1000, s0;
	[sflag:s13] =	ssyncset.done $0x0  }
0x25: {  	[sflag:s13] =	ssyncadd.s32 $0xFFFFF000  }
0x26: {  	[tilespmem:s12], [sflag:$0x5] =	stream.linear.gather [hbm4b:s29+s30], $0x1000, $0x38;
	[tilespmem:$0x1D800] =	vst v63  }
0x27: {  	_ =	swait.ge [sflag:s13], $0x1000  }
0x28: {  	p0 =	por $0x1, $0x1;
	[sflag:s13] =	ssyncset.done $0x0  }
.Ltmp1:
0x29: {  	[sflag:s13] =	ssyncadd.s32 $0xFFFFF000;
	(pc) =	sbr.rel @!p0 .LBB2_5-.Ltmp1, $4  }
0x2a: {  	[spmem:s0] =	stream.linear.scatter [tilespmem:s12], [sflag:$0x5], $0x1000, $0x38;
	[tilespmem:$0x1D800] =	vst v63  }
0x2b: {  	_ =	swait.ge [sflag:s13], $0x1000  }
0x2c: {  	[sflag:s13] =	ssyncset.done $0x0  }
0x2d: {  	s11 =	simm.s32 $0x0;
	s0 =	simm.s32 $0x40;
	[sflag:s13] =	ssyncadd.s32 $0xFFFFF000  }
.LBB2_4:
0x2e: {  	p0 =	sne.s32 s0, $0x9FC0;
	[tilespmem:s11+$0x1A000] =	vst v0;
	s11 =	smov.u32 s0;
	s0 =	sadd.s32 $0x40, s0  }
.Ltmp2:
0x2f: {  	(pc) =	sbr.rel @p0 .LBB2_4-.Ltmp2, $2  }
0x30: {  	_ =	sdelay $0x2  }
0x31: {  	s11 =	sshra.s32 s11, $0x2  }
.LBB2_5:
0x32: {  	[tilespmem:s11+$0x1A000] =	vst v0;
	s29 =	simm.s32 $0x0  }
0x33: {  	p1 =	por $0x1, $0x1;
	s30 =	simm.s32 $0x0;
	[bflag:$0x0] =	sbarrier.arrive $0xFFFF  }
.LBB2_6:
0x34: {  	s0 =	sshll.u32 s30, $0x9  }
0x35: {  	s0 =	sadd.s32 s0, s5  }
0x36: {  	[tilespmem:s14], [sflag:$0x5] =	stream.linear.gather [hbm4b:s0+s29], $0xF80, $0x38;
	[tilespmem:$0x1D800] =	vst v63  }
0x37: {  	s26 =	smul.u32 $0x9B00, s30;
	_ =	swait.ge [sflag:s13], $0xF80  }
0x38: {  	p0 =	por p1, p1;
	s11 =	smov.u32 s1;
	[sflag:s13] =	ssyncset.done $0x0  }
0x39: {  	s31 =	sadd.s32 s26, s4;
	s0 =	simm.s32 $0x0;
	[sflag:s13] =	ssyncadd.s32 $0xFFFFF080  }
.LBB2_7:
0x3a: {  	s25 =	sadd.s32 s11, s31  }
0x3b: {  	[tilespmem:s15], [sflag:$0x1] =	stream.linear.gather [hbm4b:s25+s3], $0x2800, $0x38;
	[tilespmem:$0x1D800] =	vst v63  }
0x3c: {  	s25 =	sadd.s32 $0x500, s25  }
0x3d: {  	[tilespmem:s16], [sflag:$0x2] =	stream.linear.gather [hbm4b:s25+s3], $0x2800, $0x38;
	[tilespmem:$0x1D800] =	vst v63  }
0x3e: {  	_ =	swait.ge [sflag:s17], $0x2800  }
0x3f: {  	s25 =	sshra.s32 s0, $0x2;
	[sflag:s17] =	ssyncset.done $0x0  }
0x40: {  	s26 =	sadd.s32 $0x14000, s25;
	[sflag:s17] =	ssyncadd.s32 $0xFFFFD800  }
0x41: {  	[spmem:s2] =	stream.indirect.scatter.add.f32 [tilespmem:s15], [sflag:$0x3], $0x80, s26, s18, $0xb8;
	[tilespmem:$0x1D800] =	vst v63  }
0x42: {  	_ =	swait.ge [sflag:s19], $0x2800  }
0x43: {  	[sflag:s19] =	ssyncset.done $0x0  }
0x44: {  	s26 =	sadd.s32 $0x14080, s25;
	[sflag:s19] =	ssyncadd.s32 $0xFFFFD800  }
0x45: {  	[spmem:s2] =	stream.indirect.scatter.add.f32 [tilespmem:s16], [sflag:$0x4], $0x80, s26, s18, $0xb8;
	[tilespmem:$0x1D800] =	vst v63  }
0x46: {  	v2 =	vld [tilespmem:s25+$0x14000];
	_ =	sdelay $0x7  }
0x47: {  	[tilespmem:v2+s20+$0x0] =	vst.idx.add.f32.msk $0xffff, v1  }
0x48: {  	v2 =	vld [tilespmem:s25+$0x14010];
	_ =	sdelay $0x7  }
0x49: {  	[tilespmem:v2+s20+$0x0] =	vst.idx.add.f32.msk $0xffff, v1  }
0x4a: {  	v2 =	vld [tilespmem:s25+$0x14020];
	_ =	sdelay $0x7  }
0x4b: {  	[tilespmem:v2+s20+$0x0] =	vst.idx.add.f32.msk $0xffff, v1  }
0x4c: {  	v2 =	vld [tilespmem:s25+$0x14030];
	_ =	sdelay $0x7  }
0x4d: {  	[tilespmem:v2+s20+$0x0] =	vst.idx.add.f32.msk $0xffff, v1  }
0x4e: {  	v2 =	vld [tilespmem:s25+$0x14040];
	_ =	sdelay $0x7  }
0x4f: {  	[tilespmem:v2+s20+$0x0] =	vst.idx.add.f32.msk $0xffff, v1  }
0x50: {  	v2 =	vld [tilespmem:s25+$0x14080];
	_ =	sdelay $0x7  }
0x51: {  	[tilespmem:v2+s20+$0x0] =	vst.idx.add.f32.msk $0xffff, v1  }
0x52: {  	v2 =	vld [tilespmem:s25+$0x14090];
	_ =	sdelay $0x7  }
0x53: {  	[tilespmem:v2+s20+$0x0] =	vst.idx.add.f32.msk $0xffff, v1  }
0x54: {  	v2 =	vld [tilespmem:s25+$0x140A0];
	_ =	sdelay $0x7  }
0x55: {  	[tilespmem:v2+s20+$0x0] =	vst.idx.add.f32.msk $0xffff, v1  }
0x56: {  	v2 =	vld [tilespmem:s25+$0x140B0];
	_ =	sdelay $0x7  }
0x57: {  	[tilespmem:v2+s20+$0x0] =	vst.idx.add.f32.msk $0xffff, v1  }
0x58: {  	v2 =	vld [tilespmem:s25+$0x140C0];
	_ =	sdelay $0x7  }
0x59: {  	[tilespmem:v2+s20+$0x0] =	vst.idx.add.f32.msk $0xffff, v1  }
0x5a: {  	p1 =	sne.s32 s0, $0x3800;
	_ =	swait.ge [sflag:s21], $0x2800  }
.Ltmp3:
0x5b: {  	[sflag:s21] =	ssyncset.done $0x0;
	(pc) =	sbr.rel @p1 .LBB2_7-.Ltmp3, $4  }
0x5c: {  	[sflag:s21] =	ssyncadd.s32 $0xFFFFD800  }
0x5d: {  	_ =	swait.ge [sflag:s22], $0x2800  }
0x5e: {  	[sflag:s22] =	ssyncset.done $0x0  }
0x5f: {  	s11 =	sadd.s32 $0xA00, s11;
	s0 =	sadd.s32 $0x400, s0;
	[sflag:s22] =	ssyncadd.s32 $0xFFFFD800  }
0x60: {  	s0 =	smul.u32 $0x9B0, s30;
	_ =	sdelay $0x1  }
0x61: {  	s0 =	sadd.s32 s0, s6  }
0x62: {  	s0 =	sshll.u32 s0, $0x4  }
0x63: {  	s0 =	sadd.s32 s4, s0  }
0x64: {  	[tilespmem:s15], [sflag:$0x5] =	stream.linear.gather [hbm4b:s0+s3], $0x2800, $0x38;
	[tilespmem:$0x1D800] =	vst v63  }
0x65: {  	_ =	swait.ge [sflag:s13], $0x2800  }
0x66: {  	[sflag:s13] =	ssyncset.done $0x0  }
0x67: {  	[sflag:s13] =	ssyncadd.s32 $0xFFFFD800  }
0x68: {  	[spmem:s2] =	stream.indirect.scatter.add.f32 [tilespmem:s15], [sflag:$0x5], $0x80, s23, s18, $0xb8;
	[tilespmem:$0x1D800] =	vst v63  }
0x69: {  	_ =	swait.ge [sflag:s13], $0x2800  }
0x6a: {  	[sflag:s13] =	ssyncset.done $0x0  }
0x6b: {  	[sflag:s13] =	ssyncadd.s32 $0xFFFFD800  }
0x6c: {  	v2 =	vld [tilespmem:$0x14F00];
	_ =	sdelay $0x7  }
0x6d: {  	[tilespmem:v2+s20+$0x0] =	vst.idx.add.f32.msk $0xffff, v1  }
0x6e: {  	v2 =	vld [tilespmem:$0x14F10];
	_ =	sdelay $0x7  }
0x6f: {  	[tilespmem:v2+s20+$0x0] =	vst.idx.add.f32.msk $0xffff, v1  }
0x70: {  	v2 =	vld [tilespmem:$0x14F20];
	_ =	sdelay $0x7  }
0x71: {  	[tilespmem:v2+s20+$0x0] =	vst.idx.add.f32.msk $0xffff, v1  }
0x72: {  	v2 =	vld [tilespmem:$0x14F30];
	_ =	sdelay $0x7  }
0x73: {  	[tilespmem:v2+s20+$0x0] =	vst.idx.add.f32.msk $0xffff, v1  }
0x74: {  	v2 =	vld [tilespmem:$0x14F40];
	_ =	sdelay $0x3  }
.Ltmp4:
0x75: {  	_ = 	snop;
	(pc) =	sbr.rel @p0 .LBB2_6-.Ltmp4, $2  }
0x76: {  	_ =	sdelay $0x2  }
0x77: {  	s30 =	simm.s32 $0x1;
	p1 =	por $0x0, $0x0;
	[tilespmem:v2+s20+$0x0] =	vst.idx.add.f32.msk $0xffff, v1  }
0x78: {  	[bflag:$0x0] =	sbarrier.arrive $0xFFFF  }
0x79: {  	[tilespmem:s12], [sflag:$0x5] =	stream.linear.gather [spmem:s10], $0x1000, $0x38;
	[tilespmem:$0x1D800] =	vst v63  }
0x7a: {  	_ =	swait.ge [sflag:s13], $0x1000  }
0x7b: {  	[sflag:s13] =	ssyncset.done $0x0  }
0x7c: {  	s0 =	sadd.s32 $0x0, s24;
	[sflag:s13] =	ssyncadd.s32 $0xFFFFF000  }
0x7d: {  	[hbm4b:s0+s3] =	stream.linear.scatter [tilespmem:s12], [sflag:$0x5], $0x1000, $0x38;
	[tilespmem:$0x1D800] =	vst v63  }
0x7e: {  	_ =	swait.ge [sflag:s13], $0x1000  }
0x7f: {  	s11 =	smov.u32 s10;
	s0 =	simm.s32 $0x200;
	[sflag:s13] =	ssyncset.done $0x0  }
.LBB2_10:
0x80: {  	p0 =	sne.s32 s0, $0x2600;
	[sflag:s13] =	ssyncadd.s32 $0xFFFFF000;
	s11 =	sadd.s32 $0x1000, s11  }
0x81: {  	[tilespmem:s12], [sflag:$0x5] =	stream.linear.gather [spmem:s11], $0x1000, $0x38;
	[tilespmem:$0x1D800] =	vst v63  }
0x82: {  	s25 =	smov.u32 s0;
	s0 =	sadd.s32 $0x200, s0;
	_ =	swait.ge [sflag:s13], $0x1000  }
.Ltmp5:
0x83: {  	[sflag:s13] =	ssyncset.done $0x0;
	(pc) =	sbr.rel @p0 .LBB2_10-.Ltmp5, $4  }
0x84: {  	s25 =	sadd.s32 s25, s24;
	[sflag:s13] =	ssyncadd.s32 $0xFFFFF000  }
0x85: {  	[hbm4b:s25+s3] =	stream.linear.scatter [tilespmem:s12], [sflag:$0x5], $0x1000, $0x38;
	[tilespmem:$0x1D800] =	vst v63  }
0x86: {  	_ =	swait.ge [sflag:s13], $0x1000  }
0x87: {  	[sflag:s13] =	ssyncset.done $0x0  }
0x88: {  	s28 =	sadd.s32 $0x1, s28  }
0x89: {  	[sflag:s13] =	ssyncadd.s32 $0xFFFFF000;
	p0 =	sne.s32 s28, s8  }
.Ltmp6:
0x8a: {  	s0 =	simm.s32 $0x80;
	s11 =	simm.s32 $0x400;
	(pc) =	sbr.rel @p0 .LBB2_1-.Ltmp6, $4  }
0x8b: {  	[hbm4b:s7+s0] =	stream.strided.scatter [tilespmem:s20], [sflag:$0x5], $0x2800, s11, s0, $0x38;
	[tilespmem:$0x1D800] =	vst v63  }
0x8c: {  	_ =	swait.ge [sflag:s13], $0x2800  }
0x8d: {  	[sflag:s13] =	ssyncset.done $0x0  }
0x8e: {  	[sflag:s13] =	ssyncadd.s32 $0xFFFFD800  }
0x8f: {  	_ =	sfence.sel $0x180000  }
0x90: {  	[bflag:$0x0] =	sbarrier.arrive $0xFFFF  }
0x91: {  	_ =	strace $0x90000050  }
0x92: {  	s0 =	stileid.u32;
	[bflag:$0x2] =	sbarrier.arrive $0xFFFF  }
0x93: {  	p0 =	sne.s32 s0, $0x0;
	s0 =	rddreg [dreg:$0x3]  }
0x94: {  	s0 =	sadd.s32 @!p0 $0x100000, s0  }
0x95: {  	[sflag:s0] =	ssyncadd.tile.s32 @!p0 $0x1;
	_ =	shalt  }
.Lfunc_end2:
_tile_overlayer_lowered:
.L_overlay_start_2:
0x96: {  	(tag) =	ssettag $0x2  }
0x97: {  	s0 =	rddreg [dreg:$0x0];
	s2 =	stileid.u32  }
0x98: {  	s1 =	rddreg [dreg:$0x1];
	p0 =	sne.s32 s2, $0x0  }
0x99: {  	s3 =	rddreg [dreg:$0x2];
	[bflag:$0x3] =	sbarrier.arrive $0xFFFF;
	s2 =	simm.s32 @!p0 $0x1C05  }
0x9a: {  	[timem:s3], [sflag:s2] =	dma.local @!p0 [hbm:s0], s1  }
0x9b: {  	s0 =	simm.s32 @!p0 $0x5  }
0x9c: {  	_ =	swait.ge @!p0 [sflag:s0], s1  }
0x9d: {  	s1 =	ssub.s32 @!p0 $0x0, s1;
	[sflag:s0] =	ssyncset.done @!p0 $0x0  }
0x9e: {  	[sflag:s0] =	ssyncadd.s32 @!p0 s1  }
0x9f: {  	[bflag:$0x3] =	sbarrier.arrive $0xFFFF  }
0xa0: {  	_ =	shalt  }

// kernel: kernel.19.cloned.1.call-start
scs
__scs_entry_jumppad:
0x0: {  	(pc) =	sbr.rel $0x88, $3  }
0x1: {  	(tag) =	ssettag $0x0;
	lr =	simm.s32 $0x1  }
0x2: {  	[smem:$0x3F96] =	sst lr;
	_ =	strace $0xD0000000  }
0x3: {  	_ = 	snop  }
0x4: {  	_ = 	snop  }
0x5: {  	_ = 	snop  }
0x6: {  	_ = 	snop  }
0x7: {  	_ = 	snop  }
__scs_overlays_trampoline_lowered:
0x8: {  	[smem:$0x3FA5] =	sst s0  }
0x9: {  	[smem:$0x3FA6] =	sst s1  }
0xa: {  	[smem:$0x3FA7] =	sst s2  }
0xb: {  	[smem:$0x3FA8] =	sst s3  }
0xc: {  	[smem:$0x3FA9] =	sst s4  }
0xd: {  	[smem:$0x3FAA] =	sst s5  }
0xe: {  	[smem:$0x3FAB] =	sst s6  }
0xf: {  	[smem:$0x3FAC] =	sst s7  }
0x10: {  	[smem:$0x3FAD] =	sst s8  }
0x11: {  	[smem:$0x3FAE] =	sst s9;
	s0 =	simm.s32 @!p0 $0x0  }
0x12: {  	s1 =	sld [smem:$0x3F94];
	s0 =	simm.s32 @p0 $0x1  }
0x13: {  	[smem:$0x3FAF] =	sst s0;
	s0 =	simm.s32 @!p1 $0x0  }
0x14: {  	s2 =	sld [smem:$0x3F93];
	s0 =	simm.s32 @p1 $0x1  }
0x15: {  	[smem:$0x3FB0] =	sst s0;
	s0 =	simm.s32 @!p2 $0x0  }
0x16: {  	s3 =	sld [smem:$0x3FDB];
	s0 =	simm.s32 @p2 $0x1  }
0x17: {  	s4 =	simm.s32 $0x1BF5;
	[smem:$0x3FB2] =	sst s0  }
0x18: {  	s0 =	sld [smem:$0x3F95];
	_ =	swait.ge [sflag:s4], $0x0  }
0x19: {  	s7 =	sld [smem:$0x3F96]  }
0x1a: {  	s8 =	sadd.s32 $0xFFFFE003, lr  }
0x1b: {  	s9 =	sadd.s32 $0xFFFFFEF7, lr;
	s5 =	simm.s32 $0xFFFFFFFF;
	p2 =	slt.u32 s8, $0xFFFFF086  }
0x1c: {  	p1 =	slt.u32 s9, $0xF7A;
	s5 =	simm.s32 @!p2 $0x0  }
0x1d: {  	s5 =	simm.s32 @p1 $0x1;
	p0 =	seq.s32 s7, s2  }
0x1e: {  	s7 =	smul.u32 @!p0 $0xF7A, s2;
	p2 =	seq.s32 @!p0 s5, $0x0  }
0x1f: {  	s9 =	smul.u32 $0xF7A, s1;
	s8 =	simm.s32 @!p0 $0x1BF5;
	p2 =	por !p2, p0  }
0x20: {  	[sflag:s8] =	ssyncset.s32 @!p0 $0xFFFFF086;
	s6 =	sadd.s32 @!p0 s3, s7;
	s7 =	simm.s32 @!p0 $0x108  }
0x21: {  	s3 =	sadd.s32 s3, s9;
	s6 =	sadd.s32 @!p0 $0x88, s6;
	s7 =	simm.s32 @p2 $0x1082  }
0x22: {  	[simem:s7], [sflag:s8] =	dma.local @!p0 [hbm:s6], $0xF7A  }
0x23: {  	s9 =	sor.u32 $0xD0000000, s2;
	s6 =	simm.s32 $0x108;
	_ =	swait.ge @!p0 [sflag:s8], $0x0  }
0x24: {  	s3 =	sadd.s32 $0x88, s3;
	s6 =	simm.s32 @!p1 $0x1082;
	[sflag:s4] =	ssyncset.s32 $0xFFFFF086  }
0x25: {  	[simem:s6], [sflag:s4] =	dma.local [hbm:s3], $0xF7A  }
0x26: {  	[smem:$0x3F96] =	sst s1;
	(tag) =	ssettag s2;
	_ =	strace s9  }
0x27: {  	s1 =	sld [smem:$0x3FA6]  }
0x28: {  	s2 =	sld [smem:$0x3FA7]  }
0x29: {  	s4 =	sld [smem:$0x3FA9]  }
0x2a: {  	p0 =	seq.s32 s5, $0x0;
	s5 =	sld [smem:$0x3FAA]  }
0x2b: {  	s6 =	sld [smem:$0x3FAB]  }
0x2c: {  	s7 =	sld [smem:$0x3FAC]  }
0x2d: {  	s3 =	simm.s32 $0x108;
	s8 =	sld [smem:$0x3FAD]  }
0x2e: {  	s3 =	simm.s32 @!p0 $0x1082;
	s9 =	sld [smem:$0x3FAE]  }
0x2f: {  	lr =	sadd.s32 s0, s3;
	s0 =	sld [smem:$0x3FA5]  }
0x30: {  	s3 =	sld [smem:$0x3FA8]  }
0x31: {  	[smem:$0x3FB1] =	sst s10  }
0x32: {  	s10 =	sld [smem:$0x3FAF];
	_ =	sdelay $0x3  }
0x33: {  	p0 =	seq.s32 s10, $0x1;
	s10 =	sld [smem:$0x3FB1];
	_ =	sdelay $0x3  }
0x34: {  	[smem:$0x3FB1] =	sst s10  }
0x35: {  	s10 =	sld [smem:$0x3FB0];
	_ =	sdelay $0x3  }
0x36: {  	p1 =	seq.s32 s10, $0x1;
	s10 =	sld [smem:$0x3FB1];
	_ =	sdelay $0x3  }
0x37: {  	[smem:$0x3FB1] =	sst s10  }
0x38: {  	s10 =	sld [smem:$0x3FB2]  }
0x39: {  	_ = 	snop;
	(pc) =	sbr.ind lr, $3  }
0x3a: {  	_ = 	snop  }
0x3b: {  	_ = 	snop  }
0x3c: {  	p2 =	seq.s32 s10, $0x1;
	s10 =	sld [smem:$0x3FB1]  }
0x3d: {  	_ =	shalt  }
0x3e: {  	_ =	shalt  }
0x3f: {  	_ =	shalt  }
0x40: {  	_ =	shalt  }
0x41: {  	_ =	shalt  }
0x42: {  	_ =	shalt  }
0x43: {  	_ =	shalt  }
0x44: {  	_ =	shalt  }
0x45: {  	_ =	shalt  }
0x46: {  	_ =	shalt  }
0x47: {  	_ =	shalt  }
0x48: {  	_ =	shalt  }
0x49: {  	_ =	shalt  }
0x4a: {  	_ =	shalt  }
0x4b: {  	_ =	shalt  }
0x4c: {  	_ =	shalt  }
0x4d: {  	_ =	shalt  }
0x4e: {  	_ =	shalt  }
0x4f: {  	_ =	shalt  }
0x50: {  	_ =	shalt  }
0x51: {  	_ =	shalt  }
0x52: {  	_ =	shalt  }
0x53: {  	_ =	shalt  }
0x54: {  	_ =	shalt  }
0x55: {  	_ =	shalt  }
0x56: {  	_ =	shalt  }
0x57: {  	_ =	shalt  }
0x58: {  	_ =	shalt  }
0x59: {  	_ =	shalt  }
0x5a: {  	_ =	shalt  }
0x5b: {  	_ =	shalt  }
0x5c: {  	_ =	shalt  }
0x5d: {  	_ =	shalt  }
0x5e: {  	_ =	shalt  }
0x5f: {  	_ =	shalt  }
0x60: {  	_ =	shalt  }
0x61: {  	_ =	shalt  }
0x62: {  	_ =	shalt  }
0x63: {  	_ =	shalt  }
0x64: {  	_ =	shalt  }
0x65: {  	_ =	shalt  }
0x66: {  	_ =	shalt  }
0x67: {  	_ =	shalt  }
0x68: {  	_ =	shalt  }
0x69: {  	_ =	shalt  }
0x6a: {  	_ =	shalt  }
0x6b: {  	_ =	shalt  }
0x6c: {  	_ =	shalt  }
0x6d: {  	_ =	shalt  }
0x6e: {  	_ =	shalt  }
0x6f: {  	_ =	shalt  }
0x70: {  	_ =	shalt  }
0x71: {  	_ =	shalt  }
0x72: {  	_ =	shalt  }
0x73: {  	_ =	shalt  }
0x74: {  	_ =	shalt  }
0x75: {  	_ =	shalt  }
0x76: {  	_ =	shalt  }
0x77: {  	_ =	shalt  }
0x78: {  	_ =	shalt  }
0x79: {  	_ =	shalt  }
0x7a: {  	_ =	shalt  }
0x7b: {  	_ =	shalt  }
0x7c: {  	_ =	shalt  }
0x7d: {  	_ =	shalt  }
0x7e: {  	_ =	shalt  }
0x7f: {  	_ =	shalt  }
0x80: {  	_ =	shalt  }
0x81: {  	_ =	shalt  }
0x82: {  	_ =	shalt  }
0x83: {  	_ =	shalt  }
0x84: {  	_ =	shalt  }
0x85: {  	_ =	shalt  }
0x86: {  	_ =	shalt  }
0x87: {  	_ =	shalt  }
.Lfunc_end0:
.L_simem_size_0:
called_computation.3_lowered:
.L_overlay_start_0:
0x88: {  	s2 =	sld [smem:$0x3FD9]  }
0x89: {  	s3 =	sld [smem:$0x3FFE];
	_ =	sdelay $0x1  }
0x8a: {  	s1 =	srdreg.scid  }
0x8b: {  	s0 =	sand.u32 $0x1, s1  }
0x8c: {  	s17 =	sshll.u32 s0, $0xA;
	s2 =	sadd.s32 s3, s2  }
0x8d: {  	s2 =	sadd.s32 s2, s17  }
0x8e: {  	[smem:$0x3FBD] =	sst s2  }
0x8f: {  	_ = 	snop  }
0x90: {  	(tm) =	ssettm $0x1  }
0x91: {  	s18 =	sld [smem:$0x3FFB];
	_ =	sdelay $0x3  }
0x92: {  	_ =	strace s18  }
0x93: {  	s2 =	sld [smem:$0x3FFC];
	_ =	sdelay $0x3  }
0x94: {  	_ =	strace s2  }
0x95: {  	s2 =	sld [smem:$0x3FFD];
	_ =	sdelay $0x3  }
0x96: {  	_ =	strace s2  }
0x97: {  	_ =	strace $0x8FFFFFFF  }
0x98: {  	s19 =	sld [smem:$0x3FDB];
	_ =	sdelay $0x1  }
0x99: {  	s20 =	simm.s32 $_scs_section_size  }
0x9a: {  	s4 =	simm.s32 $_size__tile_overlayer_lowered;
	s5 =	simm.s32 $_tile_overlayer_lowered  }
0x9b: {  	s6 =	simm.s32 $0x1BFF;
	s21 =	sshll.u32 s5, $0x1;
	s3 =	sadd.s32 s20, s19  }
0x9c: {  	s22 =	simm.s32 $0x0;
	s4 =	sshll.u32 s4, $0x1;
	s5 =	sadd.s32 s21, s3  }
0x9d: {  	[timem:s22], [sflag:s6] =	dma.local [hbm:s5], s4  }
0x9e: {  	_ =	swait.ge [sflag:s6], s4  }
0x9f: {  	s4 =	ssub.s32 $0x0, s4;
	[sflag:s6] =	ssyncset.done $0x0  }
0xa0: {  	[sflag:s6] =	ssyncadd.s32 s4;
	_ =	sdelay $0x1  }
0xa1: {  	s23 =	simm.s32 $0x1B8B  }
0xa2: {  	_ =	swait.ge [sflag:s23], $0x1  }
0xa3: {  	[sflag:s23] =	ssyncset.done $0x0  }
0xa4: {  	[sflag:s23] =	ssyncadd.s32 $0xFFFFFFFF  }
0xa5: {  	s4 =	sld [smem:$0x0]  }
0xa6: {  	s5 =	sand.u32 $0xFFFFFFFE, s1  }
0xa7: {  	p0 =	sne.s32 s1, s5  }
0xa8: {  	s5 =	sshll.u32 @p0 s5, $0xE  }
0xa9: {  	s5 =	sadd.s32 @p0 $0x11B8D, s5;
	s6 =	sshll.u32 @p0 s4, $0x11  }
0xaa: {  	s5 =	sor.u32 @p0 s6, s5  }
0xab: {  	[sflag:s5] =	ssyncadd.remote.s32 @p0 $0x1;
	_ =	sdelay $0x1  }
0xac: {  	s5 =	simm.s32 @p0 $0x1B8D  }
0xad: {  	_ =	swait.eq @p0 [sflag:s5], $0x1  }
0xae: {  	[sflag:s5] =	ssyncadd.s32 @p0 $0xFFFFFFFF  }
0xaf: {  	s6 =	sshll.u32 @!p0 s1, $0xE  }
0xb0: {  	s6 =	sor.u32 @!p0 $0x4000, s6;
	s5 =	simm.s32 @!p0 $0x1B8D  }
0xb1: {  	s4 =	sshll.u32 @!p0 s4, $0x11;
	s6 =	sadd.s32 @!p0 $0x11B8D, s6;
	_ =	swait.eq @!p0 [sflag:s5], $0x1  }
0xb2: {  	s4 =	sor.u32 @!p0 s4, s6;
	[sflag:s5] =	ssyncadd.s32 @!p0 $0xFFFFFFFF  }
0xb3: {  	s25 =	simm.s32 $0x1B8E;
	s24 =	sld [smem:$0x3FFE];
	[sflag:s4] =	ssyncadd.remote.s32 @!p0 $0x1  }
0xb4: {  	s26 =	simm.s32 $execute0_lowered;
	[smem:$0x3FD2] =	sst s25  }
0xb5: {  	s5 =	sshll.u32 s26, $0x1;
	_ =	strace $0x8000004C;
	[dreg:$0x1] =	wrdreg $0xFFFFFFFF  }
0xb6: {  	s28 =	simm.s32 $_size_execute0_lowered;
	s3 =	sadd.s32 s3, s5;
	[dreg:$0x0] =	wrdreg $0x0  }
0xb7: {  	s5 =	sshll.u32 s28, $0x1;
	[dreg:$0x2] =	wrdreg s3  }
0xb8: {  	[dreg:$0x3] =	wrdreg s5  }
0xb9: {  	[dreg:$0x4] =	wrdreg $0xC0  }
0xba: {  	_ =	task [dreg:s22], $0x5FFFF  }
0xbb: {  	[dreg:$0x1] =	wrdreg $0xFFFFFFFF  }
0xbc: {  	[dreg:$0x0] =	wrdreg $0x60  }
0xbd: {  	[dreg:$0x2] =	wrdreg s24  }
0xbe: {  	[dreg:$0x3] =	wrdreg $0x0  }
0xbf: {  	[dreg:$0x4] =	wrdreg $0xA  }
0xc0: {  	_ =	task.clear_ibuf [dreg:s22], $0x5FFFF;
	_ =	strace $0x9000004C  }
0xc1: {  	s29 =	simm.s32 $0xA;
	_ =	strace $0x8000004E  }
0xc2: {  	_ =	swait.ge [sflag:s29], $0x1  }
0xc3: {  	[sflag:s29] =	ssyncadd.s32 $0xFFFFFFFF  }
0xc4: {  	_ =	strace $0x9000004E  }
0xc5: {  	_ =	sfence  }
0xc6: {  	s30 =	sld [smem:$0x0];
	_ =	sdelay $0x2  }
0xc7: {  	s31 =	sshll.u32 s1, $0xD;
	s1 =	sshrl.u32 s1, $0x2  }
0xc8: {  	s4 =	sand.u32 $0x4000, s31;
	s1 =	sadd.s32 s1, s30  }
0xc9: {  	s0 =	sor.u32 s4, s0;
	s1 =	sshll.u32 s1, $0x11  }
0xca: {  	s0 =	sor.u32 s1, s0  }
0xcb: {  	s0 =	sadd.s32 $0x8F2B, s0  }
0xcc: {  	[sflag:s0] =	ssyncadd.remote.s32 $0x1  }
0xcd: {  	_ =	sfence.sel $0xFFFF  }
0xce: {  	[dreg:$0x0] =	wrdreg $0xFFFFFFFF;
	(pc) =	sbr.abs _section_cstart, $3  }
0xcf: {  	[dreg:$0x1] =	wrdreg $0xFFFFFFFF  }
0xd0: {  	_ =	task.clear_ibuf [dreg:s22], $0x2FFFF;
	_ =	strace $0x9FFFFFFF  }
0xd1: {  	(tm) =	ssettm $0x7FFFFFFF  }
tec
execute0_lowered:
.L_overlay_start_1:
0x0: {  	(tag) =	ssettag $0x1  }
0x1: {  	s0 =	srdreg.scid;
	s5 =	rddreg [dreg:$0x0]  }
0x2: {  	s13 =	stileid.u32;
	s2 =	rddreg [dreg:$0x1];
	s3 =	simm.s32 $0x0  }
0x3: {  	s14 =	simm.s32 $0x14000;
	s15 =	simm.s32 $0x14C00;
	s16 =	simm.s32 $0x17400  }
0x4: {  	s17 =	simm.s32 $0x1;
	s18 =	simm.s32 $0x50;
	s19 =	simm.s32 $0x2  }
0x5: {  	s20 =	simm.s32 $0x19C00;
	s21 =	simm.s32 $0x3;
	s11 =	smul.u32 $0x2800, s13  }
0x6: {  	s22 =	simm.s32 $0x4;
	s0 =	sand.u32 $0x1, s0;
	s12 =	smul.u32 $0x50000, s13  }
0x7: {  	s1 =	sshll.u32 s13, $0x1;
	s4 =	sshrl.u32 s13, $0x2;
	s13 =	smul.u32 $0x27600, s13  }
0x8: {  	s23 =	simm.s32 $0x14A00;
	s28 =	simm.s32 $0x0;
	s7 =	smul.u32 $0x28000, s0  }
0x9: {  	[smem:$0x7FF] =	sst s3;
	s1 =	sor.u32 s0, s1;
	s8 =	smul.u32 $0x14000, s4  }
0xa: {  	_ =	strace $0x8000004D;
	s26 =	ssub.s32 $0x2, s0;
	s0 =	smul.u32 $0x13B00, s0  }
0xb: {  	s4 =	sadd.s32 $0x554000, s5;
	s6 =	smul.u32 $0x480, s1;
	s9 =	sshll.u32 s1, $0x7  }
0xc: {  	s10 =	sadd.s32 s11, s5;
	s1 =	smul.u32 $0x13B0, s1;
	s29 =	sshrl.u32 s26, $0x1  }
0xd: {  	s13 =	sadd.s32 s13, s4;
	s31 =	sshrl.u32 s12, $0x2;
	s12 =	simm.s32 $0x1C400  }
0xe: {  	s9 =	sand.u32 $0x380, s9;
	s7 =	sadd.s32 s7, s5;
	s0 =	sadd.s32 s0, s13  }
0xf: {  	s13 =	simm.s32 $0x5;
	s6 =	sadd.s32 s6, s5;
	s8 =	sor.u32 s8, s9  }
0x10: {  	s9 =	ssub.s32 s26, s29;
	s30 =	sadd.s32 $0x8E200, s7;
	s8 =	sshrl.u32 s8, $0x3  }
0x11: {  	s0 =	sadd.s32 $0x500, s0;
	s24 =	sadd.s32 s30, s11;
	s8 =	sadd.s32 s8, s5  }
0x12: {  	s5 =	sadd.s32 $0x54B000, s6;
	s6 =	sadd.s32 $0x640, s1;
	s7 =	sadd.s32 $0x84200, s8  }
0x13: {  	v0 =	vimm.f32 $0.0e+00;
	v1 =	vimm.f32 $1.000000000e+00;
	s8 =	smax.u32 s9, $0x1;
	s9 =	sadd.s32 $0x5C200, s10;
	s10 =	sadd.s32 s31, s2  }
.LBB2_1:
0x14: {  	s1 =	sadd.s32 $0x0, s9  }
0x15: {  	[tilespmem:s12], [sflag:$0x5] =	stream.linear.gather [hbm4b:s1+s3], $0x1000, $0x38;
	[tilespmem:$0x1D400] =	vst v63  }
0x16: {  	_ =	swait.ge [sflag:s13], $0x1000  }
0x17: {  	[sflag:s13] =	ssyncset.done $0x0  }
0x18: {  	[sflag:s13] =	ssyncadd.s32 $0xFFFFF000  }
0x19: {  	[spmem:s10] =	stream.linear.scatter [tilespmem:s12], [sflag:$0x5], $0x1000, $0x38;
	[tilespmem:$0x1D400] =	vst v63  }
0x1a: {  	s29 =	sadd.s32 $0x200, s9;
	_ =	swait.ge [sflag:s13], $0x1000  }
0x1b: {  	s11 =	simm.s32 $0x400;
	s1 =	sadd.s32 $0x1000, s10;
	[sflag:s13] =	ssyncset.done $0x0  }
.LBB2_2:
0x1c: {  	s31 =	sadd.s32 s11, s9;
	s30 =	simm.s32 $0x0;
	[sflag:s13] =	ssyncadd.s32 $0xFFFFF000  }
0x1d: {  	[tilespmem:s12], [sflag:$0x5] =	stream.linear.gather [hbm4b:s29+s30], $0x1000, $0x38;
	[tilespmem:$0x1D400] =	vst v63  }
0x1e: {  	p0 =	sne.s32 s11, $0x2600;
	s11 =	sadd.s32 $0x200, s11;
	_ =	swait.ge [sflag:s13], $0x1000  }
.Ltmp0:
0x1f: {  	s29 =	smov.u32 s31;
	[sflag:s13] =	ssyncset.done $0x0;
	(pc) =	sbr.rel @p0 .LBB2_2-.Ltmp0, $4  }
0x20: {  	[sflag:s13] =	ssyncadd.s32 $0xFFFFF000  }
0x21: {  	[spmem:s1] =	stream.linear.scatter [tilespmem:s12], [sflag:$0x5], $0x1000, $0x38;
	[tilespmem:$0x1D400] =	vst v63  }
0x22: {  	_ =	swait.ge [sflag:s13], $0x1000  }
0x23: {  	s1 =	sadd.s32 $0x1000, s1;
	[sflag:s13] =	ssyncset.done $0x0  }
0x24: {  	[sflag:s13] =	ssyncadd.s32 $0xFFFFF000  }
0x25: {  	[tilespmem:s12], [sflag:$0x5] =	stream.linear.gather [hbm4b:s29+s30], $0x1000, $0x38;
	[tilespmem:$0x1D400] =	vst v63  }
0x26: {  	_ =	swait.ge [sflag:s13], $0x1000  }
0x27: {  	p0 =	por $0x1, $0x1;
	[sflag:s13] =	ssyncset.done $0x0  }
.Ltmp1:
0x28: {  	[sflag:s13] =	ssyncadd.s32 $0xFFFFF000;
	(pc) =	sbr.rel @!p0 .LBB2_5-.Ltmp1, $4  }
0x29: {  	[spmem:s1] =	stream.linear.scatter [tilespmem:s12], [sflag:$0x5], $0x1000, $0x38;
	[tilespmem:$0x1D400] =	vst v63  }
0x2a: {  	_ =	swait.ge [sflag:s13], $0x1000  }
0x2b: {  	[sflag:s13] =	ssyncset.done $0x0  }
0x2c: {  	s11 =	simm.s32 $0x0;
	s1 =	simm.s32 $0x40;
	[sflag:s13] =	ssyncadd.s32 $0xFFFFF000  }
.LBB2_4:
0x2d: {  	p0 =	sne.s32 s1, $0x9FC0;
	[tilespmem:s11+$0x19C00] =	vst v0;
	s11 =	smov.u32 s1;
	s1 =	sadd.s32 $0x40, s1  }
.Ltmp2:
0x2e: {  	(pc) =	sbr.rel @p0 .LBB2_4-.Ltmp2, $2  }
0x2f: {  	_ =	sdelay $0x2  }
0x30: {  	s11 =	sshra.s32 s11, $0x2  }
.LBB2_5:
0x31: {  	[tilespmem:s11+$0x19C00] =	vst v0;
	s29 =	simm.s32 $0x0  }
0x32: {  	s11 =	smov.u32 s0;
	s31 =	simm.s32 $0x0;
	[bflag:$0x0] =	sbarrier.arrive $0xFFFF  }
.LBB2_6:
0x33: {  	s1 =	smul.u32 $0x180, s31;
	_ =	sdelay $0x1  }
0x34: {  	s1 =	sadd.s32 s1, s5  }
0x35: {  	[tilespmem:s14], [sflag:$0x5] =	stream.linear.gather [hbm4b:s1+s29], $0xA80, $0x38;
	[tilespmem:$0x1D400] =	vst v63  }
0x36: {  	_ =	swait.ge [sflag:s13], $0xA80  }
0x37: {  	[sflag:s13] =	ssyncset.done $0x0  }
0x38: {  	s30 =	smov.u32 s11;
	s1 =	simm.s32 $0x0;
	[sflag:s13] =	ssyncadd.s32 $0xFFFFF580  }
.LBB2_7:
0x39: {  	s25 =	sadd.s32 $0xFFFFFB00, s30  }
0x3a: {  	[tilespmem:s15], [sflag:$0x1] =	stream.linear.gather [hbm4b:s25+s3], $0x2800, $0x38;
	[tilespmem:$0x1D400] =	vst v63  }
0x3b: {  	_ = 	snop  }
0x3c: {  	[tilespmem:s16], [sflag:$0x2] =	stream.linear.gather [hbm4b:s30+s3], $0x2800, $0x38;
	[tilespmem:$0x1D400] =	vst v63  }
0x3d: {  	_ =	swait.ge [sflag:s17], $0x2800  }
0x3e: {  	s25 =	sshra.s32 s1, $0x2;
	[sflag:s17] =	ssyncset.done $0x0  }
0x3f: {  	s26 =	sadd.s32 $0x14000, s25;
	[sflag:s17] =	ssyncadd.s32 $0xFFFFD800  }
0x40: {  	[spmem:s2] =	stream.indirect.scatter.add.f32 [tilespmem:s15], [sflag:$0x3], $0x80, s26, s18, $0xb8;
	[tilespmem:$0x1D400] =	vst v63  }
0x41: {  	_ =	swait.ge [sflag:s19], $0x2800  }
0x42: {  	[sflag:s19] =	ssyncset.done $0x0  }
0x43: {  	s26 =	sadd.s32 $0x14080, s25;
	[sflag:s19] =	ssyncadd.s32 $0xFFFFD800  }
0x44: {  	[spmem:s2] =	stream.indirect.scatter.add.f32 [tilespmem:s16], [sflag:$0x4], $0x80, s26, s18, $0xb8;
	[tilespmem:$0x1D400] =	vst v63  }
0x45: {  	v2 =	vld [tilespmem:s25+$0x14000];
	_ =	sdelay $0x7  }
0x46: {  	[tilespmem:v2+s20+$0x0] =	vst.idx.add.f32.msk $0xffff, v1  }
0x47: {  	v2 =	vld [tilespmem:s25+$0x14010];
	_ =	sdelay $0x7  }
0x48: {  	[tilespmem:v2+s20+$0x0] =	vst.idx.add.f32.msk $0xffff, v1  }
0x49: {  	v2 =	vld [tilespmem:s25+$0x14020];
	_ =	sdelay $0x7  }
0x4a: {  	[tilespmem:v2+s20+$0x0] =	vst.idx.add.f32.msk $0xffff, v1  }
0x4b: {  	v2 =	vld [tilespmem:s25+$0x14030];
	_ =	sdelay $0x7  }
0x4c: {  	[tilespmem:v2+s20+$0x0] =	vst.idx.add.f32.msk $0xffff, v1  }
0x4d: {  	v2 =	vld [tilespmem:s25+$0x14040];
	_ =	sdelay $0x7  }
0x4e: {  	[tilespmem:v2+s20+$0x0] =	vst.idx.add.f32.msk $0xffff, v1  }
0x4f: {  	v2 =	vld [tilespmem:s25+$0x14080];
	_ =	sdelay $0x7  }
0x50: {  	[tilespmem:v2+s20+$0x0] =	vst.idx.add.f32.msk $0xffff, v1  }
0x51: {  	v2 =	vld [tilespmem:s25+$0x14090];
	_ =	sdelay $0x7  }
0x52: {  	[tilespmem:v2+s20+$0x0] =	vst.idx.add.f32.msk $0xffff, v1  }
0x53: {  	v2 =	vld [tilespmem:s25+$0x140A0];
	_ =	sdelay $0x7  }
0x54: {  	[tilespmem:v2+s20+$0x0] =	vst.idx.add.f32.msk $0xffff, v1  }
0x55: {  	v2 =	vld [tilespmem:s25+$0x140B0];
	_ =	sdelay $0x7  }
0x56: {  	[tilespmem:v2+s20+$0x0] =	vst.idx.add.f32.msk $0xffff, v1  }
0x57: {  	v2 =	vld [tilespmem:s25+$0x140C0];
	_ =	sdelay $0x7  }
0x58: {  	[tilespmem:v2+s20+$0x0] =	vst.idx.add.f32.msk $0xffff, v1  }
0x59: {  	p0 =	sne.s32 s1, $0x2400;
	_ =	swait.ge [sflag:s21], $0x2800  }
.Ltmp3:
0x5a: {  	[sflag:s21] =	ssyncset.done $0x0;
	(pc) =	sbr.rel @p0 .LBB2_7-.Ltmp3, $4  }
0x5b: {  	[sflag:s21] =	ssyncadd.s32 $0xFFFFD800  }
0x5c: {  	_ =	swait.ge [sflag:s22], $0x2800  }
0x5d: {  	[sflag:s22] =	ssyncset.done $0x0  }
0x5e: {  	s1 =	sadd.s32 $0x400, s1;
	s30 =	sadd.s32 $0xA00, s30;
	[sflag:s22] =	ssyncadd.s32 $0xFFFFD800  }
0x5f: {  	s1 =	smul.u32 $0x690, s31;
	_ =	sdelay $0x1  }
0x60: {  	s1 =	sadd.s32 s1, s6  }
0x61: {  	s1 =	sshll.u32 s1, $0x4  }
0x62: {  	s1 =	sadd.s32 s4, s1  }
0x63: {  	[tilespmem:s15], [sflag:$0x5] =	stream.linear.gather [hbm4b:s1+s3], $0x2800, $0x38;
	[tilespmem:$0x1D400] =	vst v63  }
0x64: {  	_ =	swait.ge [sflag:s13], $0x2800  }
0x65: {  	[sflag:s13] =	ssyncset.done $0x0  }
0x66: {  	[sflag:s13] =	ssyncadd.s32 $0xFFFFD800  }
0x67: {  	[spmem:s2] =	stream.indirect.scatter.add.f32 [tilespmem:s15], [sflag:$0x5], $0x80, s23, s18, $0xb8;
	[tilespmem:$0x1D400] =	vst v63  }
0x68: {  	_ =	swait.ge [sflag:s13], $0x2800  }
0x69: {  	[sflag:s13] =	ssyncset.done $0x0  }
0x6a: {  	[sflag:s13] =	ssyncadd.s32 $0xFFFFD800  }
0x6b: {  	v2 =	vld [tilespmem:$0x14A00];
	_ =	sdelay $0x7  }
0x6c: {  	[tilespmem:v2+s20+$0x0] =	vst.idx.add.f32.msk $0xffff, v1  }
0x6d: {  	v2 =	vld [tilespmem:$0x14A10];
	_ =	sdelay $0x7  }
0x6e: {  	[tilespmem:v2+s20+$0x0] =	vst.idx.add.f32.msk $0xffff, v1  }
0x6f: {  	v2 =	vld [tilespmem:$0x14A20];
	_ =	sdelay $0x7  }
0x70: {  	[tilespmem:v2+s20+$0x0] =	vst.idx.add.f32.msk $0xffff, v1  }
0x71: {  	v2 =	vld [tilespmem:$0x14A30];
	_ =	sdelay $0x7  }
0x72: {  	[tilespmem:v2+s20+$0x0] =	vst.idx.add.f32.msk $0xffff, v1  }
0x73: {  	v2 =	vld [tilespmem:$0x14A40];
	_ =	sdelay $0x1  }
0x74: {  	s31 =	sadd.s32 $0x1, s31  }
0x75: {  	p0 =	sne.s32 s31, $0x3  }
.Ltmp4:
0x76: {  	_ = 	snop;
	(pc) =	sbr.rel @p0 .LBB2_6-.Ltmp4, $2  }
0x77: {  	_ =	sdelay $0x2  }
0x78: {  	s11 =	sadd.s32 $0x6900, s11;
	[tilespmem:v2+s20+$0x0] =	vst.idx.add.f32.msk $0xffff, v1  }
0x79: {  	[bflag:$0x0] =	sbarrier.arrive $0xFFFF  }
0x7a: {  	[tilespmem:s12], [sflag:$0x5] =	stream.linear.gather [spmem:s10], $0x1000, $0x38;
	[tilespmem:$0x1D400] =	vst v63  }
0x7b: {  	_ =	swait.ge [sflag:s13], $0x1000  }
0x7c: {  	[sflag:s13] =	ssyncset.done $0x0  }
0x7d: {  	s1 =	sadd.s32 $0x0, s24;
	[sflag:s13] =	ssyncadd.s32 $0xFFFFF000  }
0x7e: {  	[hbm4b:s1+s3] =	stream.linear.scatter [tilespmem:s12], [sflag:$0x5], $0x1000, $0x38;
	[tilespmem:$0x1D400] =	vst v63  }
0x7f: {  	_ =	swait.ge [sflag:s13], $0x1000  }
0x80: {  	s11 =	smov.u32 s10;
	s1 =	simm.s32 $0x200;
	[sflag:s13] =	ssyncset.done $0x0  }
.LBB2_10:
0x81: {  	p0 =	sne.s32 s1, $0x2600;
	[sflag:s13] =	ssyncadd.s32 $0xFFFFF000;
	s11 =	sadd.s32 $0x1000, s11  }
0x82: {  	[tilespmem:s12], [sflag:$0x5] =	stream.linear.gather [spmem:s11], $0x1000, $0x38;
	[tilespmem:$0x1D400] =	vst v63  }
0x83: {  	s25 =	smov.u32 s1;
	s1 =	sadd.s32 $0x200, s1;
	_ =	swait.ge [sflag:s13], $0x1000  }
.Ltmp5:
0x84: {  	[sflag:s13] =	ssyncset.done $0x0;
	(pc) =	sbr.rel @p0 .LBB2_10-.Ltmp5, $4  }
0x85: {  	s25 =	sadd.s32 s25, s24;
	[sflag:s13] =	ssyncadd.s32 $0xFFFFF000  }
0x86: {  	[hbm4b:s25+s3] =	stream.linear.scatter [tilespmem:s12], [sflag:$0x5], $0x1000, $0x38;
	[tilespmem:$0x1D400] =	vst v63  }
0x87: {  	_ =	swait.ge [sflag:s13], $0x1000  }
0x88: {  	[sflag:s13] =	ssyncset.done $0x0  }
0x89: {  	s28 =	sadd.s32 $0x1, s28  }
0x8a: {  	[sflag:s13] =	ssyncadd.s32 $0xFFFFF000;
	p0 =	sne.s32 s28, s8  }
.Ltmp6:
0x8b: {  	s1 =	simm.s32 $0x80;
	s11 =	simm.s32 $0x400;
	(pc) =	sbr.rel @p0 .LBB2_1-.Ltmp6, $4  }
0x8c: {  	[hbm4b:s7+s1] =	stream.strided.scatter [tilespmem:s20], [sflag:$0x5], $0x2800, s11, s1, $0x38;
	[tilespmem:$0x1D400] =	vst v63  }
0x8d: {  	_ =	swait.ge [sflag:s13], $0x2800  }
0x8e: {  	[sflag:s13] =	ssyncset.done $0x0  }
0x8f: {  	[sflag:s13] =	ssyncadd.s32 $0xFFFFD800  }
0x90: {  	_ =	sfence.sel $0x180000  }
0x91: {  	[bflag:$0x0] =	sbarrier.arrive $0xFFFF  }
0x92: {  	_ =	strace $0x9000004D  }
0x93: {  	s0 =	stileid.u32;
	[bflag:$0x2] =	sbarrier.arrive $0xFFFF  }
0x94: {  	p0 =	sne.s32 s0, $0x0;
	s0 =	rddreg [dreg:$0x2]  }
0x95: {  	s0 =	sadd.s32 @!p0 $0x100000, s0  }
0x96: {  	[sflag:s0] =	ssyncadd.tile.s32 @!p0 $0x1;
	_ =	shalt  }
.Lfunc_end2:
_tile_overlayer_lowered:
.L_overlay_start_2:
0x97: {  	(tag) =	ssettag $0x2  }
0x98: {  	s0 =	rddreg [dreg:$0x0];
	s2 =	stileid.u32  }
0x99: {  	s1 =	rddreg [dreg:$0x1];
	p0 =	sne.s32 s2, $0x0  }
0x9a: {  	s3 =	rddreg [dreg:$0x2];
	[bflag:$0x3] =	sbarrier.arrive $0xFFFF;
	s2 =	simm.s32 @!p0 $0x1C05  }
0x9b: {  	[timem:s3], [sflag:s2] =	dma.local @!p0 [hbm:s0], s1  }
0x9c: {  	s0 =	simm.s32 @!p0 $0x5  }
0x9d: {  	_ =	swait.ge @!p0 [sflag:s0], s1  }
0x9e: {  	s1 =	ssub.s32 @!p0 $0x0, s1;
	[sflag:s0] =	ssyncset.done @!p0 $0x0  }
0x9f: {  	[sflag:s0] =	ssyncadd.s32 @!p0 s1  }
0xa0: {  	[bflag:$0x3] =	sbarrier.arrive $0xFFFF  }
0xa1: {  	_ =	shalt  }

</sc_bundles>
